<compile_context>
chip_gen: v7x
topology: tpu7x:2x2x1
jax: 0.10.2.dev20260603
libtpu: 0.0.44.dev20260713+nightly
codegen_flags: <defaults>
</compile_context>

<pallas_src>
import jax
import jax.numpy as jnp
from jax import lax
from jax.experimental import pallas as pl
from jax.experimental.pallas import tpu as pltpu
from jax.experimental.pallas import tpu_sc as plsc

B = 16384
D = 128
LANES = 16
NC = 2
NS = 16
NW = NC * NS
BPW = B // NW
CH = 128
NCHUNK = BPW // CH


def _sc_body(user_h, item_h, theta_h, a_h, b_h, out_h,
             uidx, iidx, tb0, ab0, bb0, tb1, ab1, bb1, obuf, accb,
             sem0, sem1):
    wid = lax.axis_index("s") * NC + lax.axis_index("c")
    h_u = pltpu.async_copy(user_h.at[wid], uidx, sem0)
    h_i = pltpu.async_copy(item_h.at[wid], iidx, sem1)
    h_u.wait()
    h_i.wait()

    bufs = ((tb0, ab0, bb0, sem0), (tb1, ab1, bb1, sem1))

    def start(c):
        tb, ab, bb, sem = bufs[c % 2]
        return (pltpu.async_copy(theta_h.at[uidx.at[c]], tb, sem),
                pltpu.async_copy(a_h.at[iidx.at[c]], ab, sem),
                pltpu.async_copy(b_h.at[iidx.at[c]], bb, sem))

    lane = lax.iota(jnp.int32, LANES)
    handles = [start(0)]

    for c in range(NCHUNK):
        if c + 1 < NCHUNK:
            handles.append(start(c + 1))
        for h in handles[c]:
            h.wait()
        tb, ab, bb, _ = bufs[c % 2]

        @plsc.parallel_loop(0, CH)
        def persample(s, tb=tb, ab=ab):
            num, den = None, None
            for q in range(D // LANES // 2):
                r0, r1 = 2 * q, 2 * q + 1
                av0 = ab[s, pl.ds(r0 * LANES, LANES)]
                av1 = ab[s, pl.ds(r1 * LANES, LANES)]
                th0 = tb[s, pl.ds(r0 * LANES, LANES)]
                th1 = tb[s, pl.ds(r1 * LANES, LANES)]
                p = plsc.pack(av0, av1, format=plsc.PackFormat.INTERLEAVED)
                e = jnp.exp(-p)
                u0, u1 = plsc.unpack(e, format=plsc.PackFormat.INTERLEAVED)
                d0 = 1.0 + u0
                d1 = 1.0 + u1
                n_q = th0 * d1 + th1 * d0
                d_q = d0 * d1
                if num is None:
                    num, den = n_q, d_q
                else:
                    num = num * d_q + n_q * den
                    den = den * d_q
            accb[s, pl.ds(0, LANES)] = num / den

        del persample

        @plsc.parallel_loop(0, CH // LANES)
        def group(g, bb=bb, c=c):
            rows = g * LANES + lane
            cols = [plsc.load_gather(accb, [rows, jnp.full((LANES,), k, jnp.int32)])
                    for k in range(LANES)]
            while len(cols) > 1:
                cols = [cols[i] + cols[i + 1] for i in range(0, len(cols), 2)]
            logit = cols[0] - bb[pl.ds(g * LANES, LANES)]
            obuf[c, pl.ds(g * LANES, LANES)] = 1.0 / (1.0 + jnp.exp(-logit))

        del group

    pltpu.sync_copy(obuf, out_h.at[pl.ds(wid * NCHUNK, NCHUNK)])


def kernel(user, item, theta_w, a_w, b_w):
    user3 = user.reshape(NW, NCHUNK, CH)
    item3 = item.reshape(NW, NCHUNK, CH)
    b_w = lax.reshape(b_w, (b_w.shape[0],), dimensions=(1, 0))
    mesh = plsc.VectorSubcoreMesh(core_axis_name="c", subcore_axis_name="s")
    run = pl.kernel(
        _sc_body,
        mesh=mesh,
        out_type=jax.ShapeDtypeStruct((NW * NCHUNK, CH), jnp.float32),
        scratch_types=[
            pltpu.VMEM((NCHUNK, CH), jnp.int32),
            pltpu.VMEM((NCHUNK, CH), jnp.int32),
            pltpu.VMEM((CH, D), jnp.float32),
            pltpu.VMEM((CH, D), jnp.float32),
            pltpu.VMEM((CH,), jnp.float32),
            pltpu.VMEM((CH, D), jnp.float32),
            pltpu.VMEM((CH, D), jnp.float32),
            pltpu.VMEM((CH,), jnp.float32),
            pltpu.VMEM((NCHUNK, CH), jnp.float32),
            pltpu.VMEM((CH, LANES + 1), jnp.float32),
            pltpu.SemaphoreType.DMA,
            pltpu.SemaphoreType.DMA,
        ],
        compiler_params=pltpu.CompilerParams(
            needs_layout_passes=False,
            skip_device_barrier=True,
            disable_bounds_checks=True,
            disable_semaphore_checks=True,
        ),
    )
    out = run(user3, item3, theta_w, a_w, b_w)
    return out.reshape(B)

# --- scband reference (transcript-rebuilt; emitter-appended) ---
"""Pipeline reference for scband-mirtnet-23854248362762 (READ-ONLY COPY).

The authoritative reference and input builder live on the scoring server;
editing this copy changes nothing except your own understanding.
"""

import jax, jax.numpy as jnp
import numpy as np

USER_NUM = 100000
ITEM_NUM = 100000
LATENT_DIM = 128
BATCH = 16384
A_RANGE = 1.0


def setup_inputs(seed: int = 0) -> dict:
    key = jax.random.key(seed)
    k1, k2, k3, k4, k5 = jax.random.split(key, 5)
    user = jax.random.randint(k1, (BATCH,), 0, USER_NUM, dtype=jnp.int32)
    item = jax.random.randint(k2, (BATCH,), 0, ITEM_NUM, dtype=jnp.int32)
    theta_w = jax.random.normal(k3, (USER_NUM, LATENT_DIM), dtype=jnp.float32)
    a_w = jax.random.normal(k4, (ITEM_NUM, LATENT_DIM), dtype=jnp.float32)
    b_w = jax.random.normal(k5, (ITEM_NUM, 1), dtype=jnp.float32)
    return {"user": user, "item": item, "theta_w": theta_w, "a_w": a_w, "b_w": b_w}


def reference(user, item, theta_w, a_w, b_w):
    # theta = Embedding(user_num, latent_dim)(user); squeeze(-1) is a no-op for latent_dim>1
    theta = jnp.take(theta_w, user, axis=0)
    # a_range is not None -> a = a_range * sigmoid(a_emb(item))
    a = A_RANGE * jax.nn.sigmoid(jnp.take(a_w, item, axis=0))
    # b = Embedding(item_num, 1)(item) squeezed to [B]
    b = jnp.squeeze(jnp.take(b_w, item, axis=0), axis=-1)
    # irt2pl: 1 / (1 + exp(-sum(a*theta, -1) + b))
    return 1.0 / (1.0 + jnp.exp(-jnp.sum(a * theta, axis=-1) + b))

if __name__ == "__main__":
    import jax
    _d = setup_inputs()
    print(jax.jit(kernel)(*tuple(_d.values())))

</pallas_src>

<mosaic_0001>
#map = affine_map<(d0, d1) -> (0, 0, 0)>
#map1 = affine_map<(d0, d1) -> (0, 0)>
#map2 = affine_map<(d0, d1) -> (0)>
module attributes {stable_mosaic.version = 14 : i64} {
  func.func @_sc_body(%arg0: i32, %arg1: i32, %arg2: memref<32x4x128xi32, #tpu.memory_space<hbm>>, %arg3: memref<32x4x128xi32, #tpu.memory_space<hbm>>, %arg4: memref<100000x128xf32, #tpu.memory_space<hbm>>, %arg5: memref<100000x128xf32, #tpu.memory_space<hbm>>, %arg6: memref<100000xf32, #tpu.memory_space<hbm>>, %arg7: memref<128x128xf32, #tpu.memory_space<hbm>>, %arg8: memref<4x128xi32, #tpu.memory_space<vmem>>, %arg9: memref<4x128xi32, #tpu.memory_space<vmem>>, %arg10: memref<128x128xf32, #tpu.memory_space<vmem>>, %arg11: memref<128x128xf32, #tpu.memory_space<vmem>>, %arg12: memref<128xf32, #tpu.memory_space<vmem>>, %arg13: memref<128x128xf32, #tpu.memory_space<vmem>>, %arg14: memref<128x128xf32, #tpu.memory_space<vmem>>, %arg15: memref<128xf32, #tpu.memory_space<vmem>>, %arg16: memref<4x128xf32, #tpu.memory_space<vmem>>, %arg17: memref<128x17xf32, #tpu.memory_space<vmem>>, %arg18: memref<!tpu.dma_semaphore, #tpu.memory_space<semaphore_mem>>, %arg19: memref<!tpu.dma_semaphore, #tpu.memory_space<semaphore_mem>>) attributes {dimension_semantics = [#tpu.dimension_semantics<core_parallel>, #tpu.dimension_semantics<subcore_parallel>], iteration_bounds = array<i64: 2, 16>, scalar_prefetch = 0 : i64, scratch_operands = 12 : i64, tpu.core_type = #tpu.core_type<sc_vector_subcore>, window_params = [{transform_indices = #map}, {transform_indices = #map}, {transform_indices = #map1}, {transform_indices = #map1}, {transform_indices = #map2}, {transform_indices = #map1}]} {
    %mul3A = arith.constant 2 : i32
    %mul3A_0 = arith.muli %arg1, %mul3A : i32
    %add3A = arith.addi %mul3A_0, %arg0 : i32
    %dma_start3A = arith.constant 0 : i32
    %dma_start3A_1 = arith.constant 0 : i32
    %dma_start3A_2 = tpu.memref_slice %arg2[%add3A, %dma_start3A, %dma_start3A_1] : memref<32x4x128xi32, #tpu.memory_space<hbm>> -> memref<1x4x128xi32, #tpu.memory_space<hbm>>
    %dma_start3A_3 = tpu.memref_squeeze %dma_start3A_2 : memref<1x4x128xi32, #tpu.memory_space<hbm>> -> memref<4x128xi32, #tpu.memory_space<hbm>>
    %dma_start3A_4 = arith.constant 0 : i32
    %dma_start3A_5 = arith.constant 0 : i32
    %dma_start3A_6 = tpu.memref_slice %arg2[%add3A, %dma_start3A_4, %dma_start3A_5] : memref<32x4x128xi32, #tpu.memory_space<hbm>> -> memref<1x4x128xi32, #tpu.memory_space<hbm>>
    %dma_start3A_7 = tpu.memref_squeeze %dma_start3A_6 : memref<1x4x128xi32, #tpu.memory_space<hbm>> -> memref<4x128xi32, #tpu.memory_space<hbm>>
    tpu.enqueue_dma source(%dma_start3A_7 : memref<4x128xi32, #tpu.memory_space<hbm>>) target(%arg8 : memref<4x128xi32, #tpu.memory_space<vmem>>) target_semaphore(%arg18 : memref<!tpu.dma_semaphore, #tpu.memory_space<semaphore_mem>>)
    %dma_start3A_8 = arith.constant 0 : i32
    %dma_start3A_9 = arith.constant 0 : i32
    %dma_start3A_10 = tpu.memref_slice %arg3[%add3A, %dma_start3A_8, %dma_start3A_9] : memref<32x4x128xi32, #tpu.memory_space<hbm>> -> memref<1x4x128xi32, #tpu.memory_space<hbm>>
    %dma_start3A_11 = tpu.memref_squeeze %dma_start3A_10 : memref<1x4x128xi32, #tpu.memory_space<hbm>> -> memref<4x128xi32, #tpu.memory_space<hbm>>
    %dma_start3A_12 = arith.constant 0 : i32
    %dma_start3A_13 = arith.constant 0 : i32
    %dma_start3A_14 = tpu.memref_slice %arg3[%add3A, %dma_start3A_12, %dma_start3A_13] : memref<32x4x128xi32, #tpu.memory_space<hbm>> -> memref<1x4x128xi32, #tpu.memory_space<hbm>>
    %dma_start3A_15 = tpu.memref_squeeze %dma_start3A_14 : memref<1x4x128xi32, #tpu.memory_space<hbm>> -> memref<4x128xi32, #tpu.memory_space<hbm>>
    tpu.enqueue_dma source(%dma_start3A_15 : memref<4x128xi32, #tpu.memory_space<hbm>>) target(%arg9 : memref<4x128xi32, #tpu.memory_space<vmem>>) target_semaphore(%arg19 : memref<!tpu.dma_semaphore, #tpu.memory_space<semaphore_mem>>)
    %dma_wait3A = arith.constant 0 : i32
    %dma_wait3A_16 = arith.constant 0 : i32
    %dma_wait3A_17 = tpu.memref_slice %arg2[%add3A, %dma_wait3A, %dma_wait3A_16] : memref<32x4x128xi32, #tpu.memory_space<hbm>> -> memref<1x4x128xi32, #tpu.memory_space<hbm>>
    %dma_wait3A_18 = tpu.memref_squeeze %dma_wait3A_17 : memref<1x4x128xi32, #tpu.memory_space<hbm>> -> memref<4x128xi32, #tpu.memory_space<hbm>>
    %dma_wait3A_19 = arith.constant 0 : i32
    %dma_wait3A_20 = arith.constant 0 : i32
    %dma_wait3A_21 = tpu.memref_slice %arg2[%add3A, %dma_wait3A_19, %dma_wait3A_20] : memref<32x4x128xi32, #tpu.memory_space<hbm>> -> memref<1x4x128xi32, #tpu.memory_space<hbm>>
    %dma_wait3A_22 = tpu.memref_squeeze %dma_wait3A_21 : memref<1x4x128xi32, #tpu.memory_space<hbm>> -> memref<4x128xi32, #tpu.memory_space<hbm>>
    tpu.wait_dma2 semaphore(%arg18 : memref<!tpu.dma_semaphore, #tpu.memory_space<semaphore_mem>>) src(%dma_wait3A_22 : memref<4x128xi32, #tpu.memory_space<hbm>>) dst(%arg8 : memref<4x128xi32, #tpu.memory_space<vmem>>)
    %dma_wait3A_23 = arith.constant 0 : i32
    %dma_wait3A_24 = arith.constant 0 : i32
    %dma_wait3A_25 = tpu.memref_slice %arg3[%add3A, %dma_wait3A_23, %dma_wait3A_24] : memref<32x4x128xi32, #tpu.memory_space<hbm>> -> memref<1x4x128xi32, #tpu.memory_space<hbm>>
    %dma_wait3A_26 = tpu.memref_squeeze %dma_wait3A_25 : memref<1x4x128xi32, #tpu.memory_space<hbm>> -> memref<4x128xi32, #tpu.memory_space<hbm>>
    %dma_wait3A_27 = arith.constant 0 : i32
    %dma_wait3A_28 = arith.constant 0 : i32
    %dma_wait3A_29 = tpu.memref_slice %arg3[%add3A, %dma_wait3A_27, %dma_wait3A_28] : memref<32x4x128xi32, #tpu.memory_space<hbm>> -> memref<1x4x128xi32, #tpu.memory_space<hbm>>
    %dma_wait3A_30 = tpu.memref_squeeze %dma_wait3A_29 : memref<1x4x128xi32, #tpu.memory_space<hbm>> -> memref<4x128xi32, #tpu.memory_space<hbm>>
    tpu.wait_dma2 semaphore(%arg19 : memref<!tpu.dma_semaphore, #tpu.memory_space<semaphore_mem>>) src(%dma_wait3A_30 : memref<4x128xi32, #tpu.memory_space<hbm>>) dst(%arg9 : memref<4x128xi32, #tpu.memory_space<vmem>>)
    %iota3A = tpu.iota {dimensions = array<i32: 0>} : vector<16xi32>
    %dma_start3A_31 = arith.constant 0 : i32
    %dma_start3A_32 = arith.constant 0 : i32
    %dma_start3A_33 = tpu.memref_slice %arg8[%dma_start3A_31, %dma_start3A_32] : memref<4x128xi32, #tpu.memory_space<vmem>> -> memref<1x128xi32, #tpu.memory_space<vmem>>
    %dma_start3A_34 = tpu.memref_squeeze %dma_start3A_33 : memref<1x128xi32, #tpu.memory_space<vmem>> -> memref<128xi32, #tpu.memory_space<vmem>>
    %dma_start3A_35 = arith.constant 0 : i32
    %dma_start3A_36 = arith.constant 0 : i32
    %dma_start3A_37 = tpu.memref_slice %arg4[%dma_start3A_35, %dma_start3A_36] : memref<100000x128xf32, #tpu.memory_space<hbm>> -> memref<100000x128xf32, #tpu.memory_space<hbm>>
    tpu.enqueue_indirect_dma source(%dma_start3A_37 : memref<100000x128xf32, #tpu.memory_space<hbm>>) target(%arg10 : memref<128x128xf32, #tpu.memory_space<vmem>>) offsets(%dma_start3A_34 : memref<128xi32, #tpu.memory_space<vmem>>) semaphore(%arg18 : memref<!tpu.dma_semaphore, #tpu.memory_space<semaphore_mem>>)
    %dma_start3A_38 = arith.constant 0 : i32
    %dma_start3A_39 = arith.constant 0 : i32
    %dma_start3A_40 = tpu.memref_slice %arg9[%dma_start3A_38, %dma_start3A_39] : memref<4x128xi32, #tpu.memory_space<vmem>> -> memref<1x128xi32, #tpu.memory_space<vmem>>
    %dma_start3A_41 = tpu.memref_squeeze %dma_start3A_40 : memref<1x128xi32, #tpu.memory_space<vmem>> -> memref<128xi32, #tpu.memory_space<vmem>>
    %dma_start3A_42 = arith.constant 0 : i32
    %dma_start3A_43 = arith.constant 0 : i32
    %dma_start3A_44 = tpu.memref_slice %arg5[%dma_start3A_42, %dma_start3A_43] : memref<100000x128xf32, #tpu.memory_space<hbm>> -> memref<100000x128xf32, #tpu.memory_space<hbm>>
    tpu.enqueue_indirect_dma source(%dma_start3A_44 : memref<100000x128xf32, #tpu.memory_space<hbm>>) target(%arg11 : memref<128x128xf32, #tpu.memory_space<vmem>>) offsets(%dma_start3A_41 : memref<128xi32, #tpu.memory_space<vmem>>) semaphore(%arg18 : memref<!tpu.dma_semaphore, #tpu.memory_space<semaphore_mem>>)
    %dma_start3A_45 = arith.constant 0 : i32
    %dma_start3A_46 = arith.constant 0 : i32
    %dma_start3A_47 = tpu.memref_slice %arg9[%dma_start3A_45, %dma_start3A_46] : memref<4x128xi32, #tpu.memory_space<vmem>> -> memref<1x128xi32, #tpu.memory_space<vmem>>
    %dma_start3A_48 = tpu.memref_squeeze %dma_start3A_47 : memref<1x128xi32, #tpu.memory_space<vmem>> -> memref<128xi32, #tpu.memory_space<vmem>>
    %dma_start3A_49 = arith.constant 0 : i32
    %dma_start3A_50 = tpu.memref_slice %arg6[%dma_start3A_49] : memref<100000xf32, #tpu.memory_space<hbm>> -> memref<100000xf32, #tpu.memory_space<hbm>>
    tpu.enqueue_indirect_dma source(%dma_start3A_50 : memref<100000xf32, #tpu.memory_space<hbm>>) target(%arg12 : memref<128xf32, #tpu.memory_space<vmem>>) offsets(%dma_start3A_48 : memref<128xi32, #tpu.memory_space<vmem>>) semaphore(%arg18 : memref<!tpu.dma_semaphore, #tpu.memory_space<semaphore_mem>>)
    %dma_start3A_51 = arith.constant 1 : i32
    %dma_start3A_52 = arith.constant 0 : i32
    %dma_start3A_53 = tpu.memref_slice %arg8[%dma_start3A_51, %dma_start3A_52] : memref<4x128xi32, #tpu.memory_space<vmem>> -> memref<1x128xi32, #tpu.memory_space<vmem>>
    %dma_start3A_54 = tpu.memref_squeeze %dma_start3A_53 : memref<1x128xi32, #tpu.memory_space<vmem>> -> memref<128xi32, #tpu.memory_space<vmem>>
    %dma_start3A_55 = arith.constant 0 : i32
    %dma_start3A_56 = arith.constant 0 : i32
    %dma_start3A_57 = tpu.memref_slice %arg4[%dma_start3A_55, %dma_start3A_56] : memref<100000x128xf32, #tpu.memory_space<hbm>> -> memref<100000x128xf32, #tpu.memory_space<hbm>>
    tpu.enqueue_indirect_dma source(%dma_start3A_57 : memref<100000x128xf32, #tpu.memory_space<hbm>>) target(%arg13 : memref<128x128xf32, #tpu.memory_space<vmem>>) offsets(%dma_start3A_54 : memref<128xi32, #tpu.memory_space<vmem>>) semaphore(%arg19 : memref<!tpu.dma_semaphore, #tpu.memory_space<semaphore_mem>>)
    %dma_start3A_58 = arith.constant 1 : i32
    %dma_start3A_59 = arith.constant 0 : i32
    %dma_start3A_60 = tpu.memref_slice %arg9[%dma_start3A_58, %dma_start3A_59] : memref<4x128xi32, #tpu.memory_space<vmem>> -> memref<1x128xi32, #tpu.memory_space<vmem>>
    %dma_start3A_61 = tpu.memref_squeeze %dma_start3A_60 : memref<1x128xi32, #tpu.memory_space<vmem>> -> memref<128xi32, #tpu.memory_space<vmem>>
    %dma_start3A_62 = arith.constant 0 : i32
    %dma_start3A_63 = arith.constant 0 : i32
    %dma_start3A_64 = tpu.memref_slice %arg5[%dma_start3A_62, %dma_start3A_63] : memref<100000x128xf32, #tpu.memory_space<hbm>> -> memref<100000x128xf32, #tpu.memory_space<hbm>>
    tpu.enqueue_indirect_dma source(%dma_start3A_64 : memref<100000x128xf32, #tpu.memory_space<hbm>>) target(%arg14 : memref<128x128xf32, #tpu.memory_space<vmem>>) offsets(%dma_start3A_61 : memref<128xi32, #tpu.memory_space<vmem>>) semaphore(%arg19 : memref<!tpu.dma_semaphore, #tpu.memory_space<semaphore_mem>>)
    %dma_start3A_65 = arith.constant 1 : i32
    %dma_start3A_66 = arith.constant 0 : i32
    %dma_start3A_67 = tpu.memref_slice %arg9[%dma_start3A_65, %dma_start3A_66] : memref<4x128xi32, #tpu.memory_space<vmem>> -> memref<1x128xi32, #tpu.memory_space<vmem>>
    %dma_start3A_68 = tpu.memref_squeeze %dma_start3A_67 : memref<1x128xi32, #tpu.memory_space<vmem>> -> memref<128xi32, #tpu.memory_space<vmem>>
    %dma_start3A_69 = arith.constant 0 : i32
    %dma_start3A_70 = tpu.memref_slice %arg6[%dma_start3A_69] : memref<100000xf32, #tpu.memory_space<hbm>> -> memref<100000xf32, #tpu.memory_space<hbm>>
    tpu.enqueue_indirect_dma source(%dma_start3A_70 : memref<100000xf32, #tpu.memory_space<hbm>>) target(%arg15 : memref<128xf32, #tpu.memory_space<vmem>>) offsets(%dma_start3A_68 : memref<128xi32, #tpu.memory_space<vmem>>) semaphore(%arg19 : memref<!tpu.dma_semaphore, #tpu.memory_space<semaphore_mem>>)
    %dma_wait3A_71 = arith.constant 0 : i32
    %dma_wait3A_72 = arith.constant 0 : i32
    %dma_wait3A_73 = tpu.memref_slice %arg8[%dma_wait3A_71, %dma_wait3A_72] : memref<4x128xi32, #tpu.memory_space<vmem>> -> memref<1x128xi32, #tpu.memory_space<vmem>>
    %dma_wait3A_74 = tpu.memref_squeeze %dma_wait3A_73 : memref<1x128xi32, #tpu.memory_space<vmem>> -> memref<128xi32, #tpu.memory_space<vmem>>
    %dma_wait3A_75 = arith.constant 0 : i32
    %dma_wait3A_76 = arith.constant 0 : i32
    %dma_wait3A_77 = tpu.memref_slice %arg4[%dma_wait3A_75, %dma_wait3A_76] : memref<100000x128xf32, #tpu.memory_space<hbm>> -> memref<100000x128xf32, #tpu.memory_space<hbm>>
    tpu.wait_indirect_dma semaphore(%arg18 : memref<!tpu.dma_semaphore, #tpu.memory_space<semaphore_mem>>) src(%dma_wait3A_77 : memref<100000x128xf32, #tpu.memory_space<hbm>>) dst(%arg10 : memref<128x128xf32, #tpu.memory_space<vmem>>)
    %dma_wait3A_78 = arith.constant 0 : i32
    %dma_wait3A_79 = arith.constant 0 : i32
    %dma_wait3A_80 = tpu.memref_slice %arg9[%dma_wait3A_78, %dma_wait3A_79] : memref<4x128xi32, #tpu.memory_space<vmem>> -> memref<1x128xi32, #tpu.memory_space<vmem>>
    %dma_wait3A_81 = tpu.memref_squeeze %dma_wait3A_80 : memref<1x128xi32, #tpu.memory_space<vmem>> -> memref<128xi32, #tpu.memory_space<vmem>>
    %dma_wait3A_82 = arith.constant 0 : i32
    %dma_wait3A_83 = arith.constant 0 : i32
    %dma_wait3A_84 = tpu.memref_slice %arg5[%dma_wait3A_82, %dma_wait3A_83] : memref<100000x128xf32, #tpu.memory_space<hbm>> -> memref<100000x128xf32, #tpu.memory_space<hbm>>
    tpu.wait_indirect_dma semaphore(%arg18 : memref<!tpu.dma_semaphore, #tpu.memory_space<semaphore_mem>>) src(%dma_wait3A_84 : memref<100000x128xf32, #tpu.memory_space<hbm>>) dst(%arg11 : memref<128x128xf32, #tpu.memory_space<vmem>>)
    %dma_wait3A_85 = arith.constant 0 : i32
    %dma_wait3A_86 = arith.constant 0 : i32
    %dma_wait3A_87 = tpu.memref_slice %arg9[%dma_wait3A_85, %dma_wait3A_86] : memref<4x128xi32, #tpu.memory_space<vmem>> -> memref<1x128xi32, #tpu.memory_space<vmem>>
    %dma_wait3A_88 = tpu.memref_squeeze %dma_wait3A_87 : memref<1x128xi32, #tpu.memory_space<vmem>> -> memref<128xi32, #tpu.memory_space<vmem>>
    %dma_wait3A_89 = arith.constant 0 : i32
    %dma_wait3A_90 = tpu.memref_slice %arg6[%dma_wait3A_89] : memref<100000xf32, #tpu.memory_space<hbm>> -> memref<100000xf32, #tpu.memory_space<hbm>>
    tpu.wait_indirect_dma semaphore(%arg18 : memref<!tpu.dma_semaphore, #tpu.memory_space<semaphore_mem>>) src(%dma_wait3A_90 : memref<100000xf32, #tpu.memory_space<hbm>>) dst(%arg12 : memref<128xf32, #tpu.memory_space<vmem>>)
    %parallel_loop3A = arith.constant 0 : i32
    %parallel_loop3A_91 = arith.constant 128 : i32
    %parallel_loop3A_92 = arith.constant 1 : i32
    scf.for %parallel_loop3A_216 = %parallel_loop3A to %parallel_loop3A_91 step %parallel_loop3A_92  : i32 {
      %parallel_loop3A_217 = arith.index_cast %parallel_loop3A_216 : i32 to index
      %parallel_loop3A_218 = arith.constant 0 : index
      %parallel_loop3A_219 = tpu.vector_load %arg11[%parallel_loop3A_217, %parallel_loop3A_218] {strides = array<i32>} : memref<128x128xf32, #tpu.memory_space<vmem>>, vector<16xf32>,
      %parallel_loop3A_220 = arith.index_cast %parallel_loop3A_216 : i32 to index
      %parallel_loop3A_221 = arith.constant 16 : index
      %parallel_loop3A_222 = tpu.vector_load %arg11[%parallel_loop3A_220, %parallel_loop3A_221] {strides = array<i32>} : memref<128x128xf32, #tpu.memory_space<vmem>>, vector<16xf32>,
      %parallel_loop3A_223 = arith.index_cast %parallel_loop3A_216 : i32 to index
      %parallel_loop3A_224 = arith.constant 0 : index
      %parallel_loop3A_225 = tpu.vector_load %arg10[%parallel_loop3A_223, %parallel_loop3A_224] {strides = array<i32>} : memref<128x128xf32, #tpu.memory_space<vmem>>, vector<16xf32>,
      %parallel_loop3A_226 = arith.index_cast %parallel_loop3A_216 : i32 to index
      %parallel_loop3A_227 = arith.constant 16 : index
      %parallel_loop3A_228 = tpu.vector_load %arg10[%parallel_loop3A_226, %parallel_loop3A_227] {strides = array<i32>} : memref<128x128xf32, #tpu.memory_space<vmem>>, vector<16xf32>,
      %parallel_loop3A_229 = tpu.pack_subelements %parallel_loop3A_219, %parallel_loop3A_222 {pack_format = #tpu.pack_format<interleaved>, positions = array<i32: 0, 1>} : vector<16xf32>, vector<16xf32> -> vector<32xbf16>
      %parallel_loop3A_230 = arith.constant 0.000000e+00 : bf16
      %parallel_loop3A_231 = vector.broadcast %parallel_loop3A_230 : bf16 to vector<32xbf16>
      %parallel_loop3A_232 = arith.subf %parallel_loop3A_231, %parallel_loop3A_229 : vector<32xbf16>
      %parallel_loop3A_233 = math.exp %parallel_loop3A_232 : vector<32xbf16>
      %parallel_loop3A_234 = tpu.unpack_subelements %parallel_loop3A_233, 0 {pack_format = #tpu.pack_format<interleaved>} : vector<32xbf16> -> vector<16xf32>
      %parallel_loop3A_235 = tpu.unpack_subelements %parallel_loop3A_233, 1 {pack_format = #tpu.pack_format<interleaved>} : vector<32xbf16> -> vector<16xf32>
      %parallel_loop3A_236 = arith.constant 1.000000e+00 : f32
      %parallel_loop3A_237 = vector.broadcast %parallel_loop3A_236 : f32 to vector<16xf32>
      %parallel_loop3A_238 = arith.addf %parallel_loop3A_237, %parallel_loop3A_234 : vector<16xf32>
      %parallel_loop3A_239 = arith.constant 1.000000e+00 : f32
      %parallel_loop3A_240 = vector.broadcast %parallel_loop3A_239 : f32 to vector<16xf32>
      %parallel_loop3A_241 = arith.addf %parallel_loop3A_240, %parallel_loop3A_235 : vector<16xf32>
      %parallel_loop3A_242 = arith.mulf %parallel_loop3A_225, %parallel_loop3A_241 : vector<16xf32>
      %parallel_loop3A_243 = arith.mulf %parallel_loop3A_228, %parallel_loop3A_238 : vector<16xf32>
      %parallel_loop3A_244 = arith.addf %parallel_loop3A_242, %parallel_loop3A_243 : vector<16xf32>
      %parallel_loop3A_245 = arith.mulf %parallel_loop3A_238, %parallel_loop3A_241 : vector<16xf32>
      %parallel_loop3A_246 = arith.index_cast %parallel_loop3A_216 : i32 to index
      %parallel_loop3A_247 = arith.constant 32 : index
      %parallel_loop3A_248 = tpu.vector_load %arg11[%parallel_loop3A_246, %parallel_loop3A_247] {strides = array<i32>} : memref<128x128xf32, #tpu.memory_space<vmem>>, vector<16xf32>,
      %parallel_loop3A_249 = arith.index_cast %parallel_loop3A_216 : i32 to index
      %parallel_loop3A_250 = arith.constant 48 : index
      %parallel_loop3A_251 = tpu.vector_load %arg11[%parallel_loop3A_249, %parallel_loop3A_250] {strides = array<i32>} : memref<128x128xf32, #tpu.memory_space<vmem>>, vector<16xf32>,
      %parallel_loop3A_252 = arith.index_cast %parallel_loop3A_216 : i32 to index
      %parallel_loop3A_253 = arith.constant 32 : index
      %parallel_loop3A_254 = tpu.vector_load %arg10[%parallel_loop3A_252, %parallel_loop3A_253] {strides = array<i32>} : memref<128x128xf32, #tpu.memory_space<vmem>>, vector<16xf32>,
      %parallel_loop3A_255 = arith.index_cast %parallel_loop3A_216 : i32 to index
      %parallel_loop3A_256 = arith.constant 48 : index
      %parallel_loop3A_257 = tpu.vector_load %arg10[%parallel_loop3A_255, %parallel_loop3A_256] {strides = array<i32>} : memref<128x128xf32, #tpu.memory_space<vmem>>, vector<16xf32>,
      %parallel_loop3A_258 = tpu.pack_subelements %parallel_loop3A_248, %parallel_loop3A_251 {pack_format = #tpu.pack_format<interleaved>, positions = array<i32: 0, 1>} : vector<16xf32>, vector<16xf32> -> vector<32xbf16>
      %parallel_loop3A_259 = arith.constant 0.000000e+00 : bf16
      %parallel_loop3A_260 = vector.broadcast %parallel_loop3A_259 : bf16 to vector<32xbf16>
      %parallel_loop3A_261 = arith.subf %parallel_loop3A_260, %parallel_loop3A_258 : vector<32xbf16>
      %parallel_loop3A_262 = math.exp %parallel_loop3A_261 : vector<32xbf16>
      %parallel_loop3A_263 = tpu.unpack_subelements %parallel_loop3A_262, 0 {pack_format = #tpu.pack_format<interleaved>} : vector<32xbf16> -> vector<16xf32>
      %parallel_loop3A_264 = tpu.unpack_subelements %parallel_loop3A_262, 1 {pack_format = #tpu.pack_format<interleaved>} : vector<32xbf16> -> vector<16xf32>
      %parallel_loop3A_265 = arith.constant 1.000000e+00 : f32
      %parallel_loop3A_266 = vector.broadcast %parallel_loop3A_265 : f32 to vector<16xf32>
      %parallel_loop3A_267 = arith.addf %parallel_loop3A_266, %parallel_loop3A_263 : vector<16xf32>
      %parallel_loop3A_268 = arith.constant 1.000000e+00 : f32
      %parallel_loop3A_269 = vector.broadcast %parallel_loop3A_268 : f32 to vector<16xf32>
      %parallel_loop3A_270 = arith.addf %parallel_loop3A_269, %parallel_loop3A_264 : vector<16xf32>
      %parallel_loop3A_271 = arith.mulf %parallel_loop3A_254, %parallel_loop3A_270 : vector<16xf32>
      %parallel_loop3A_272 = arith.mulf %parallel_loop3A_257, %parallel_loop3A_267 : vector<16xf32>
      %parallel_loop3A_273 = arith.addf %parallel_loop3A_271, %parallel_loop3A_272 : vector<16xf32>
      %parallel_loop3A_274 = arith.mulf %parallel_loop3A_267, %parallel_loop3A_270 : vector<16xf32>
      %parallel_loop3A_275 = arith.mulf %parallel_loop3A_244, %parallel_loop3A_274 : vector<16xf32>
      %parallel_loop3A_276 = arith.mulf %parallel_loop3A_273, %parallel_loop3A_245 : vector<16xf32>
      %parallel_loop3A_277 = arith.addf %parallel_loop3A_275, %parallel_loop3A_276 : vector<16xf32>
      %parallel_loop3A_278 = arith.mulf %parallel_loop3A_245, %parallel_loop3A_274 : vector<16xf32>
      %parallel_loop3A_279 = arith.index_cast %parallel_loop3A_216 : i32 to index
      %parallel_loop3A_280 = arith.constant 64 : index
      %parallel_loop3A_281 = tpu.vector_load %arg11[%parallel_loop3A_279, %parallel_loop3A_280] {strides = array<i32>} : memref<128x128xf32, #tpu.memory_space<vmem>>, vector<16xf32>,
      %parallel_loop3A_282 = arith.index_cast %parallel_loop3A_216 : i32 to index
      %parallel_loop3A_283 = arith.constant 80 : index
      %parallel_loop3A_284 = tpu.vector_load %arg11[%parallel_loop3A_282, %parallel_loop3A_283] {strides = array<i32>} : memref<128x128xf32, #tpu.memory_space<vmem>>, vector<16xf32>,
      %parallel_loop3A_285 = arith.index_cast %parallel_loop3A_216 : i32 to index
      %parallel_loop3A_286 = arith.constant 64 : index
      %parallel_loop3A_287 = tpu.vector_load %arg10[%parallel_loop3A_285, %parallel_loop3A_286] {strides = array<i32>} : memref<128x128xf32, #tpu.memory_space<vmem>>, vector<16xf32>,
      %parallel_loop3A_288 = arith.index_cast %parallel_loop3A_216 : i32 to index
      %parallel_loop3A_289 = arith.constant 80 : index
      %parallel_loop3A_290 = tpu.vector_load %arg10[%parallel_loop3A_288, %parallel_loop3A_289] {strides = array<i32>} : memref<128x128xf32, #tpu.memory_space<vmem>>, vector<16xf32>,
      %parallel_loop3A_291 = tpu.pack_subelements %parallel_loop3A_281, %parallel_loop3A_284 {pack_format = #tpu.pack_format<interleaved>, positions = array<i32: 0, 1>} : vector<16xf32>, vector<16xf32> -> vector<32xbf16>
      %parallel_loop3A_292 = arith.constant 0.000000e+00 : bf16
      %parallel_loop3A_293 = vector.broadcast %parallel_loop3A_292 : bf16 to vector<32xbf16>
      %parallel_loop3A_294 = arith.subf %parallel_loop3A_293, %parallel_loop3A_291 : vector<32xbf16>
      %parallel_loop3A_295 = math.exp %parallel_loop3A_294 : vector<32xbf16>
      %parallel_loop3A_296 = tpu.unpack_subelements %parallel_loop3A_295, 0 {pack_format = #tpu.pack_format<interleaved>} : vector<32xbf16> -> vector<16xf32>
      %parallel_loop3A_297 = tpu.unpack_subelements %parallel_loop3A_295, 1 {pack_format = #tpu.pack_format<interleaved>} : vector<32xbf16> -> vector<16xf32>
      %parallel_loop3A_298 = arith.constant 1.000000e+00 : f32
      %parallel_loop3A_299 = vector.broadcast %parallel_loop3A_298 : f32 to vector<16xf32>
      %parallel_loop3A_300 = arith.addf %parallel_loop3A_299, %parallel_loop3A_296 : vector<16xf32>
      %parallel_loop3A_301 = arith.constant 1.000000e+00 : f32
      %parallel_loop3A_302 = vector.broadcast %parallel_loop3A_301 : f32 to vector<16xf32>
      %parallel_loop3A_303 = arith.addf %parallel_loop3A_302, %parallel_loop3A_297 : vector<16xf32>
      %parallel_loop3A_304 = arith.mulf %parallel_loop3A_287, %parallel_loop3A_303 : vector<16xf32>
      %parallel_loop3A_305 = arith.mulf %parallel_loop3A_290, %parallel_loop3A_300 : vector<16xf32>
      %parallel_loop3A_306 = arith.addf %parallel_loop3A_304, %parallel_loop3A_305 : vector<16xf32>
      %parallel_loop3A_307 = arith.mulf %parallel_loop3A_300, %parallel_loop3A_303 : vector<16xf32>
      %parallel_loop3A_308 = arith.mulf %parallel_loop3A_277, %parallel_loop3A_307 : vector<16xf32>
      %parallel_loop3A_309 = arith.mulf %parallel_loop3A_306, %parallel_loop3A_278 : vector<16xf32>
      %parallel_loop3A_310 = arith.addf %parallel_loop3A_308, %parallel_loop3A_309 : vector<16xf32>
      %parallel_loop3A_311 = arith.mulf %parallel_loop3A_278, %parallel_loop3A_307 : vector<16xf32>
      %parallel_loop3A_312 = arith.index_cast %parallel_loop3A_216 : i32 to index
      %parallel_loop3A_313 = arith.constant 96 : index
      %parallel_loop3A_314 = tpu.vector_load %arg11[%parallel_loop3A_312, %parallel_loop3A_313] {strides = array<i32>} : memref<128x128xf32, #tpu.memory_space<vmem>>, vector<16xf32>,
      %parallel_loop3A_315 = arith.index_cast %parallel_loop3A_216 : i32 to index
      %parallel_loop3A_316 = arith.constant 112 : index
      %parallel_loop3A_317 = tpu.vector_load %arg11[%parallel_loop3A_315, %parallel_loop3A_316] {strides = array<i32>} : memref<128x128xf32, #tpu.memory_space<vmem>>, vector<16xf32>,
      %parallel_loop3A_318 = arith.index_cast %parallel_loop3A_216 : i32 to index
      %parallel_loop3A_319 = arith.constant 96 : index
      %parallel_loop3A_320 = tpu.vector_load %arg10[%parallel_loop3A_318, %parallel_loop3A_319] {strides = array<i32>} : memref<128x128xf32, #tpu.memory_space<vmem>>, vector<16xf32>,
      %parallel_loop3A_321 = arith.index_cast %parallel_loop3A_216 : i32 to index
      %parallel_loop3A_322 = arith.constant 112 : index
      %parallel_loop3A_323 = tpu.vector_load %arg10[%parallel_loop3A_321, %parallel_loop3A_322] {strides = array<i32>} : memref<128x128xf32, #tpu.memory_space<vmem>>, vector<16xf32>,
      %parallel_loop3A_324 = tpu.pack_subelements %parallel_loop3A_314, %parallel_loop3A_317 {pack_format = #tpu.pack_format<interleaved>, positions = array<i32: 0, 1>} : vector<16xf32>, vector<16xf32> -> vector<32xbf16>
      %parallel_loop3A_325 = arith.constant 0.000000e+00 : bf16
      %parallel_loop3A_326 = vector.broadcast %parallel_loop3A_325 : bf16 to vector<32xbf16>
      %parallel_loop3A_327 = arith.subf %parallel_loop3A_326, %parallel_loop3A_324 : vector<32xbf16>
      %parallel_loop3A_328 = math.exp %parallel_loop3A_327 : vector<32xbf16>
      %parallel_loop3A_329 = tpu.unpack_subelements %parallel_loop3A_328, 0 {pack_format = #tpu.pack_format<interleaved>} : vector<32xbf16> -> vector<16xf32>
      %parallel_loop3A_330 = tpu.unpack_subelements %parallel_loop3A_328, 1 {pack_format = #tpu.pack_format<interleaved>} : vector<32xbf16> -> vector<16xf32>
      %parallel_loop3A_331 = arith.constant 1.000000e+00 : f32
      %parallel_loop3A_332 = vector.broadcast %parallel_loop3A_331 : f32 to vector<16xf32>
      %parallel_loop3A_333 = arith.addf %parallel_loop3A_332, %parallel_loop3A_329 : vector<16xf32>
      %parallel_loop3A_334 = arith.constant 1.000000e+00 : f32
      %parallel_loop3A_335 = vector.broadcast %parallel_loop3A_334 : f32 to vector<16xf32>
      %parallel_loop3A_336 = arith.addf %parallel_loop3A_335, %parallel_loop3A_330 : vector<16xf32>
      %parallel_loop3A_337 = arith.mulf %parallel_loop3A_320, %parallel_loop3A_336 : vector<16xf32>
      %parallel_loop3A_338 = arith.mulf %parallel_loop3A_323, %parallel_loop3A_333 : vector<16xf32>
      %parallel_loop3A_339 = arith.addf %parallel_loop3A_337, %parallel_loop3A_338 : vector<16xf32>
      %parallel_loop3A_340 = arith.mulf %parallel_loop3A_333, %parallel_loop3A_336 : vector<16xf32>
      %parallel_loop3A_341 = arith.mulf %parallel_loop3A_310, %parallel_loop3A_340 : vector<16xf32>
      %parallel_loop3A_342 = arith.mulf %parallel_loop3A_339, %parallel_loop3A_311 : vector<16xf32>
      %parallel_loop3A_343 = arith.addf %parallel_loop3A_341, %parallel_loop3A_342 : vector<16xf32>
      %parallel_loop3A_344 = arith.mulf %parallel_loop3A_311, %parallel_loop3A_340 : vector<16xf32>
      %parallel_loop3A_345 = arith.divf %parallel_loop3A_343, %parallel_loop3A_344 : vector<16xf32>
      %parallel_loop3A_346 = arith.index_cast %parallel_loop3A_216 : i32 to index
      %parallel_loop3A_347 = arith.constant 0 : index
      %parallel_loop3A_348 = tpu.vector_load %arg17[%parallel_loop3A_346, %parallel_loop3A_347] {strides = array<i32>} : memref<128x17xf32, #tpu.memory_space<vmem>>, vector<16xf32>,
      tpu.vector_store %arg17[%parallel_loop3A_346, %parallel_loop3A_347], %parallel_loop3A_345 {strides = array<i32>} : memref<128x17xf32, #tpu.memory_space<vmem>>, vector<16xf32>,
    } {sc.loop_unroll_factor = 1 : i64, sc.parallel_access}
    %parallel_loop3A_93 = arith.constant 0 : i32
    %parallel_loop3A_94 = arith.constant 8 : i32
    %parallel_loop3A_95 = arith.constant 1 : i32
    scf.for %parallel_loop3A_216 = %parallel_loop3A_93 to %parallel_loop3A_94 step %parallel_loop3A_95  : i32 {
      %parallel_loop3A_217 = arith.constant 16 : i32
      %parallel_loop3A_218 = arith.muli %parallel_loop3A_216, %parallel_loop3A_217 : i32
      %parallel_loop3A_219 = vector.broadcast %parallel_loop3A_218 : i32 to vector<16xi32>
      %parallel_loop3A_220 = arith.addi %parallel_loop3A_219, %iota3A : vector<16xi32>
      %parallel_loop3A_221 = arith.constant 0 : i32
      %parallel_loop3A_222 = vector.broadcast %parallel_loop3A_221 : i32 to vector<16xi32>
      %parallel_loop3A_223 = tpu.vector_load_idx %arg17[%parallel_loop3A_220, %parallel_loop3A_222] : memref<128x17xf32, #tpu.memory_space<vmem>>[vector<16xi32>, vector<16xi32>], vector<16xf32>,
      %parallel_loop3A_224 = arith.constant 1 : i32
      %parallel_loop3A_225 = vector.broadcast %parallel_loop3A_224 : i32 to vector<16xi32>
      %parallel_loop3A_226 = tpu.vector_load_idx %arg17[%parallel_loop3A_220, %parallel_loop3A_225] : memref<128x17xf32, #tpu.memory_space<vmem>>[vector<16xi32>, vector<16xi32>], vector<16xf32>,
      %parallel_loop3A_227 = arith.constant 2 : i32
      %parallel_loop3A_228 = vector.broadcast %parallel_loop3A_227 : i32 to vector<16xi32>
      %parallel_loop3A_229 = tpu.vector_load_idx %arg17[%parallel_loop3A_220, %parallel_loop3A_228] : memref<128x17xf32, #tpu.memory_space<vmem>>[vector<16xi32>, vector<16xi32>], vector<16xf32>,
      %parallel_loop3A_230 = arith.constant 3 : i32
      %parallel_loop3A_231 = vector.broadcast %parallel_loop3A_230 : i32 to vector<16xi32>
      %parallel_loop3A_232 = tpu.vector_load_idx %arg17[%parallel_loop3A_220, %parallel_loop3A_231] : memref<128x17xf32, #tpu.memory_space<vmem>>[vector<16xi32>, vector<16xi32>], vector<16xf32>,
      %parallel_loop3A_233 = arith.constant 4 : i32
      %parallel_loop3A_234 = vector.broadcast %parallel_loop3A_233 : i32 to vector<16xi32>
      %parallel_loop3A_235 = tpu.vector_load_idx %arg17[%parallel_loop3A_220, %parallel_loop3A_234] : memref<128x17xf32, #tpu.memory_space<vmem>>[vector<16xi32>, vector<16xi32>], vector<16xf32>,
      %parallel_loop3A_236 = arith.constant 5 : i32
      %parallel_loop3A_237 = vector.broadcast %parallel_loop3A_236 : i32 to vector<16xi32>
      %parallel_loop3A_238 = tpu.vector_load_idx %arg17[%parallel_loop3A_220, %parallel_loop3A_237] : memref<128x17xf32, #tpu.memory_space<vmem>>[vector<16xi32>, vector<16xi32>], vector<16xf32>,
      %parallel_loop3A_239 = arith.constant 6 : i32
      %parallel_loop3A_240 = vector.broadcast %parallel_loop3A_239 : i32 to vector<16xi32>
      %parallel_loop3A_241 = tpu.vector_load_idx %arg17[%parallel_loop3A_220, %parallel_loop3A_240] : memref<128x17xf32, #tpu.memory_space<vmem>>[vector<16xi32>, vector<16xi32>], vector<16xf32>,
      %parallel_loop3A_242 = arith.constant 7 : i32
      %parallel_loop3A_243 = vector.broadcast %parallel_loop3A_242 : i32 to vector<16xi32>
      %parallel_loop3A_244 = tpu.vector_load_idx %arg17[%parallel_loop3A_220, %parallel_loop3A_243] : memref<128x17xf32, #tpu.memory_space<vmem>>[vector<16xi32>, vector<16xi32>], vector<16xf32>,
      %parallel_loop3A_245 = arith.constant 8 : i32
      %parallel_loop3A_246 = vector.broadcast %parallel_loop3A_245 : i32 to vector<16xi32>
      %parallel_loop3A_247 = tpu.vector_load_idx %arg17[%parallel_loop3A_220, %parallel_loop3A_246] : memref<128x17xf32, #tpu.memory_space<vmem>>[vector<16xi32>, vector<16xi32>], vector<16xf32>,
      %parallel_loop3A_248 = arith.constant 9 : i32
      %parallel_loop3A_249 = vector.broadcast %parallel_loop3A_248 : i32 to vector<16xi32>
      %parallel_loop3A_250 = tpu.vector_load_idx %arg17[%parallel_loop3A_220, %parallel_loop3A_249] : memref<128x17xf32, #tpu.memory_space<vmem>>[vector<16xi32>, vector<16xi32>], vector<16xf32>,
      %parallel_loop3A_251 = arith.constant 10 : i32
      %parallel_loop3A_252 = vector.broadcast %parallel_loop3A_251 : i32 to vector<16xi32>
      %parallel_loop3A_253 = tpu.vector_load_idx %arg17[%parallel_loop3A_220, %parallel_loop3A_252] : memref<128x17xf32, #tpu.memory_space<vmem>>[vector<16xi32>, vector<16xi32>], vector<16xf32>,
      %parallel_loop3A_254 = arith.constant 11 : i32
      %parallel_loop3A_255 = vector.broadcast %parallel_loop3A_254 : i32 to vector<16xi32>
      %parallel_loop3A_256 = tpu.vector_load_idx %arg17[%parallel_loop3A_220, %parallel_loop3A_255] : memref<128x17xf32, #tpu.memory_space<vmem>>[vector<16xi32>, vector<16xi32>], vector<16xf32>,
      %parallel_loop3A_257 = arith.constant 12 : i32
      %parallel_loop3A_258 = vector.broadcast %parallel_loop3A_257 : i32 to vector<16xi32>
      %parallel_loop3A_259 = tpu.vector_load_idx %arg17[%parallel_loop3A_220, %parallel_loop3A_258] : memref<128x17xf32, #tpu.memory_space<vmem>>[vector<16xi32>, vector<16xi32>], vector<16xf32>,
      %parallel_loop3A_260 = arith.constant 13 : i32
      %parallel_loop3A_261 = vector.broadcast %parallel_loop3A_260 : i32 to vector<16xi32>
      %parallel_loop3A_262 = tpu.vector_load_idx %arg17[%parallel_loop3A_220, %parallel_loop3A_261] : memref<128x17xf32, #tpu.memory_space<vmem>>[vector<16xi32>, vector<16xi32>], vector<16xf32>,
      %parallel_loop3A_263 = arith.constant 14 : i32
      %parallel_loop3A_264 = vector.broadcast %parallel_loop3A_263 : i32 to vector<16xi32>
      %parallel_loop3A_265 = tpu.vector_load_idx %arg17[%parallel_loop3A_220, %parallel_loop3A_264] : memref<128x17xf32, #tpu.memory_space<vmem>>[vector<16xi32>, vector<16xi32>], vector<16xf32>,
      %parallel_loop3A_266 = arith.constant 15 : i32
      %parallel_loop3A_267 = vector.broadcast %parallel_loop3A_266 : i32 to vector<16xi32>
      %parallel_loop3A_268 = tpu.vector_load_idx %arg17[%parallel_loop3A_220, %parallel_loop3A_267] : memref<128x17xf32, #tpu.memory_space<vmem>>[vector<16xi32>, vector<16xi32>], vector<16xf32>,
      %parallel_loop3A_269 = arith.addf %parallel_loop3A_223, %parallel_loop3A_226 : vector<16xf32>
      %parallel_loop3A_270 = arith.addf %parallel_loop3A_229, %parallel_loop3A_232 : vector<16xf32>
      %parallel_loop3A_271 = arith.addf %parallel_loop3A_235, %parallel_loop3A_238 : vector<16xf32>
      %parallel_loop3A_272 = arith.addf %parallel_loop3A_241, %parallel_loop3A_244 : vector<16xf32>
      %parallel_loop3A_273 = arith.addf %parallel_loop3A_247, %parallel_loop3A_250 : vector<16xf32>
      %parallel_loop3A_274 = arith.addf %parallel_loop3A_253, %parallel_loop3A_256 : vector<16xf32>
      %parallel_loop3A_275 = arith.addf %parallel_loop3A_259, %parallel_loop3A_262 : vector<16xf32>
      %parallel_loop3A_276 = arith.addf %parallel_loop3A_265, %parallel_loop3A_268 : vector<16xf32>
      %parallel_loop3A_277 = arith.addf %parallel_loop3A_269, %parallel_loop3A_270 : vector<16xf32>
      %parallel_loop3A_278 = arith.addf %parallel_loop3A_271, %parallel_loop3A_272 : vector<16xf32>
      %parallel_loop3A_279 = arith.addf %parallel_loop3A_273, %parallel_loop3A_274 : vector<16xf32>
      %parallel_loop3A_280 = arith.addf %parallel_loop3A_275, %parallel_loop3A_276 : vector<16xf32>
      %parallel_loop3A_281 = arith.addf %parallel_loop3A_277, %parallel_loop3A_278 : vector<16xf32>
      %parallel_loop3A_282 = arith.addf %parallel_loop3A_279, %parallel_loop3A_280 : vector<16xf32>
      %parallel_loop3A_283 = arith.addf %parallel_loop3A_281, %parallel_loop3A_282 : vector<16xf32>
      %parallel_loop3A_284 = arith.constant 16 : i32
      %parallel_loop3A_285 = arith.muli %parallel_loop3A_216, %parallel_loop3A_284 : i32
      %parallel_loop3A_286 = arith.index_cast %parallel_loop3A_285 : i32 to index
      %parallel_loop3A_287 = tpu.vector_load %arg12[%parallel_loop3A_286] {strides = array<i32>} : memref<128xf32, #tpu.memory_space<vmem>>, vector<16xf32>,
      %parallel_loop3A_288 = arith.subf %parallel_loop3A_283, %parallel_loop3A_287 : vector<16xf32>
      %parallel_loop3A_289 = arith.constant 0.000000e+00 : f32
      %parallel_loop3A_290 = vector.broadcast %parallel_loop3A_289 : f32 to vector<16xf32>
      %parallel_loop3A_291 = arith.subf %parallel_loop3A_290, %parallel_loop3A_288 : vector<16xf32>
      %parallel_loop3A_292 = math.exp %parallel_loop3A_291 : vector<16xf32>
      %parallel_loop3A_293 = arith.constant 1.000000e+00 : f32
      %parallel_loop3A_294 = vector.broadcast %parallel_loop3A_293 : f32 to vector<16xf32>
      %parallel_loop3A_295 = arith.addf %parallel_loop3A_294, %parallel_loop3A_292 : vector<16xf32>
      %parallel_loop3A_296 = arith.constant 1.000000e+00 : f32
      %parallel_loop3A_297 = vector.broadcast %parallel_loop3A_296 : f32 to vector<16xf32>
      %parallel_loop3A_298 = arith.divf %parallel_loop3A_297, %parallel_loop3A_295 : vector<16xf32>
      %parallel_loop3A_299 = arith.constant 16 : i32
      %parallel_loop3A_300 = arith.muli %parallel_loop3A_216, %parallel_loop3A_299 : i32
      %parallel_loop3A_301 = arith.constant 0 : i32
      %parallel_loop3A_302 = arith.index_cast %parallel_loop3A_301 : i32 to index
      %parallel_loop3A_303 = arith.index_cast %parallel_loop3A_300 : i32 to index
      %parallel_loop3A_304 = tpu.vector_load %arg16[%parallel_loop3A_302, %parallel_loop3A_303] {strides = array<i32>} : memref<4x128xf32, #tpu.memory_space<vmem>>, vector<16xf32>,
      tpu.vector_store %arg16[%parallel_loop3A_302, %parallel_loop3A_303], %parallel_loop3A_298 {strides = array<i32>} : memref<4x128xf32, #tpu.memory_space<vmem>>, vector<16xf32>,
    } {sc.loop_unroll_factor = 1 : i64, sc.parallel_access}
    %dma_start3A_96 = arith.constant 2 : i32
    %dma_start3A_97 = arith.constant 0 : i32
    %dma_start3A_98 = tpu.memref_slice %arg8[%dma_start3A_96, %dma_start3A_97] : memref<4x128xi32, #tpu.memory_space<vmem>> -> memref<1x128xi32, #tpu.memory_space<vmem>>
    %dma_start3A_99 = tpu.memref_squeeze %dma_start3A_98 : memref<1x128xi32, #tpu.memory_space<vmem>> -> memref<128xi32, #tpu.memory_space<vmem>>
    %dma_start3A_100 = arith.constant 0 : i32
    %dma_start3A_101 = arith.constant 0 : i32
    %dma_start3A_102 = tpu.memref_slice %arg4[%dma_start3A_100, %dma_start3A_101] : memref<100000x128xf32, #tpu.memory_space<hbm>> -> memref<100000x128xf32, #tpu.memory_space<hbm>>
    tpu.enqueue_indirect_dma source(%dma_start3A_102 : memref<100000x128xf32, #tpu.memory_space<hbm>>) target(%arg10 : memref<128x128xf32, #tpu.memory_space<vmem>>) offsets(%dma_start3A_99 : memref<128xi32, #tpu.memory_space<vmem>>) semaphore(%arg18 : memref<!tpu.dma_semaphore, #tpu.memory_space<semaphore_mem>>)
    %dma_start3A_103 = arith.constant 2 : i32
    %dma_start3A_104 = arith.constant 0 : i32
    %dma_start3A_105 = tpu.memref_slice %arg9[%dma_start3A_103, %dma_start3A_104] : memref<4x128xi32, #tpu.memory_space<vmem>> -> memref<1x128xi32, #tpu.memory_space<vmem>>
    %dma_start3A_106 = tpu.memref_squeeze %dma_start3A_105 : memref<1x128xi32, #tpu.memory_space<vmem>> -> memref<128xi32, #tpu.memory_space<vmem>>
    %dma_start3A_107 = arith.constant 0 : i32
    %dma_start3A_108 = arith.constant 0 : i32
    %dma_start3A_109 = tpu.memref_slice %arg5[%dma_start3A_107, %dma_start3A_108] : memref<100000x128xf32, #tpu.memory_space<hbm>> -> memref<100000x128xf32, #tpu.memory_space<hbm>>
    tpu.enqueue_indirect_dma source(%dma_start3A_109 : memref<100000x128xf32, #tpu.memory_space<hbm>>) target(%arg11 : memref<128x128xf32, #tpu.memory_space<vmem>>) offsets(%dma_start3A_106 : memref<128xi32, #tpu.memory_space<vmem>>) semaphore(%arg18 : memref<!tpu.dma_semaphore, #tpu.memory_space<semaphore_mem>>)
    %dma_start3A_110 = arith.constant 2 : i32
    %dma_start3A_111 = arith.constant 0 : i32
    %dma_start3A_112 = tpu.memref_slice %arg9[%dma_start3A_110, %dma_start3A_111] : memref<4x128xi32, #tpu.memory_space<vmem>> -> memref<1x128xi32, #tpu.memory_space<vmem>>
    %dma_start3A_113 = tpu.memref_squeeze %dma_start3A_112 : memref<1x128xi32, #tpu.memory_space<vmem>> -> memref<128xi32, #tpu.memory_space<vmem>>
    %dma_start3A_114 = arith.constant 0 : i32
    %dma_start3A_115 = tpu.memref_slice %arg6[%dma_start3A_114] : memref<100000xf32, #tpu.memory_space<hbm>> -> memref<100000xf32, #tpu.memory_space<hbm>>
    tpu.enqueue_indirect_dma source(%dma_start3A_115 : memref<100000xf32, #tpu.memory_space<hbm>>) target(%arg12 : memref<128xf32, #tpu.memory_space<vmem>>) offsets(%dma_start3A_113 : memref<128xi32, #tpu.memory_space<vmem>>) semaphore(%arg18 : memref<!tpu.dma_semaphore, #tpu.memory_space<semaphore_mem>>)
    %dma_wait3A_116 = arith.constant 1 : i32
    %dma_wait3A_117 = arith.constant 0 : i32
    %dma_wait3A_118 = tpu.memref_slice %arg8[%dma_wait3A_116, %dma_wait3A_117] : memref<4x128xi32, #tpu.memory_space<vmem>> -> memref<1x128xi32, #tpu.memory_space<vmem>>
    %dma_wait3A_119 = tpu.memref_squeeze %dma_wait3A_118 : memref<1x128xi32, #tpu.memory_space<vmem>> -> memref<128xi32, #tpu.memory_space<vmem>>
    %dma_wait3A_120 = arith.constant 0 : i32
    %dma_wait3A_121 = arith.constant 0 : i32
    %dma_wait3A_122 = tpu.memref_slice %arg4[%dma_wait3A_120, %dma_wait3A_121] : memref<100000x128xf32, #tpu.memory_space<hbm>> -> memref<100000x128xf32, #tpu.memory_space<hbm>>
    tpu.wait_indirect_dma semaphore(%arg19 : memref<!tpu.dma_semaphore, #tpu.memory_space<semaphore_mem>>) src(%dma_wait3A_122 : memref<100000x128xf32, #tpu.memory_space<hbm>>) dst(%arg13 : memref<128x128xf32, #tpu.memory_space<vmem>>)
    %dma_wait3A_123 = arith.constant 1 : i32
    %dma_wait3A_124 = arith.constant 0 : i32
    %dma_wait3A_125 = tpu.memref_slice %arg9[%dma_wait3A_123, %dma_wait3A_124] : memref<4x128xi32, #tpu.memory_space<vmem>> -> memref<1x128xi32, #tpu.memory_space<vmem>>
    %dma_wait3A_126 = tpu.memref_squeeze %dma_wait3A_125 : memref<1x128xi32, #tpu.memory_space<vmem>> -> memref<128xi32, #tpu.memory_space<vmem>>
    %dma_wait3A_127 = arith.constant 0 : i32
    %dma_wait3A_128 = arith.constant 0 : i32
    %dma_wait3A_129 = tpu.memref_slice %arg5[%dma_wait3A_127, %dma_wait3A_128] : memref<100000x128xf32, #tpu.memory_space<hbm>> -> memref<100000x128xf32, #tpu.memory_space<hbm>>
    tpu.wait_indirect_dma semaphore(%arg19 : memref<!tpu.dma_semaphore, #tpu.memory_space<semaphore_mem>>) src(%dma_wait3A_129 : memref<100000x128xf32, #tpu.memory_space<hbm>>) dst(%arg14 : memref<128x128xf32, #tpu.memory_space<vmem>>)
    %dma_wait3A_130 = arith.constant 1 : i32
    %dma_wait3A_131 = arith.constant 0 : i32
    %dma_wait3A_132 = tpu.memref_slice %arg9[%dma_wait3A_130, %dma_wait3A_131] : memref<4x128xi32, #tpu.memory_space<vmem>> -> memref<1x128xi32, #tpu.memory_space<vmem>>
    %dma_wait3A_133 = tpu.memref_squeeze %dma_wait3A_132 : memref<1x128xi32, #tpu.memory_space<vmem>> -> memref<128xi32, #tpu.memory_space<vmem>>
    %dma_wait3A_134 = arith.constant 0 : i32
    %dma_wait3A_135 = tpu.memref_slice %arg6[%dma_wait3A_134] : memref<100000xf32, #tpu.memory_space<hbm>> -> memref<100000xf32, #tpu.memory_space<hbm>>
    tpu.wait_indirect_dma semaphore(%arg19 : memref<!tpu.dma_semaphore, #tpu.memory_space<semaphore_mem>>) src(%dma_wait3A_135 : memref<100000xf32, #tpu.memory_space<hbm>>) dst(%arg15 : memref<128xf32, #tpu.memory_space<vmem>>)
    %parallel_loop3A_136 = arith.constant 0 : i32
    %parallel_loop3A_137 = arith.constant 128 : i32
    %parallel_loop3A_138 = arith.constant 1 : i32
    scf.for %parallel_loop3A_216 = %parallel_loop3A_136 to %parallel_loop3A_137 step %parallel_loop3A_138  : i32 {
      %parallel_loop3A_217 = arith.index_cast %parallel_loop3A_216 : i32 to index
      %parallel_loop3A_218 = arith.constant 0 : index
      %parallel_loop3A_219 = tpu.vector_load %arg14[%parallel_loop3A_217, %parallel_loop3A_218] {strides = array<i32>} : memref<128x128xf32, #tpu.memory_space<vmem>>, vector<16xf32>,
      %parallel_loop3A_220 = arith.index_cast %parallel_loop3A_216 : i32 to index
      %parallel_loop3A_221 = arith.constant 16 : index
      %parallel_loop3A_222 = tpu.vector_load %arg14[%parallel_loop3A_220, %parallel_loop3A_221] {strides = array<i32>} : memref<128x128xf32, #tpu.memory_space<vmem>>, vector<16xf32>,
      %parallel_loop3A_223 = arith.index_cast %parallel_loop3A_216 : i32 to index
      %parallel_loop3A_224 = arith.constant 0 : index
      %parallel_loop3A_225 = tpu.vector_load %arg13[%parallel_loop3A_223, %parallel_loop3A_224] {strides = array<i32>} : memref<128x128xf32, #tpu.memory_space<vmem>>, vector<16xf32>,
      %parallel_loop3A_226 = arith.index_cast %parallel_loop3A_216 : i32 to index
      %parallel_loop3A_227 = arith.constant 16 : index
      %parallel_loop3A_228 = tpu.vector_load %arg13[%parallel_loop3A_226, %parallel_loop3A_227] {strides = array<i32>} : memref<128x128xf32, #tpu.memory_space<vmem>>, vector<16xf32>,
      %parallel_loop3A_229 = tpu.pack_subelements %parallel_loop3A_219, %parallel_loop3A_222 {pack_format = #tpu.pack_format<interleaved>, positions = array<i32: 0, 1>} : vector<16xf32>, vector<16xf32> -> vector<32xbf16>
      %parallel_loop3A_230 = arith.constant 0.000000e+00 : bf16
      %parallel_loop3A_231 = vector.broadcast %parallel_loop3A_230 : bf16 to vector<32xbf16>
      %parallel_loop3A_232 = arith.subf %parallel_loop3A_231, %parallel_loop3A_229 : vector<32xbf16>
      %parallel_loop3A_233 = math.exp %parallel_loop3A_232 : vector<32xbf16>
      %parallel_loop3A_234 = tpu.unpack_subelements %parallel_loop3A_233, 0 {pack_format = #tpu.pack_format<interleaved>} : vector<32xbf16> -> vector<16xf32>
      %parallel_loop3A_235 = tpu.unpack_subelements %parallel_loop3A_233, 1 {pack_format = #tpu.pack_format<interleaved>} : vector<32xbf16> -> vector<16xf32>
      %parallel_loop3A_236 = arith.constant 1.000000e+00 : f32
      %parallel_loop3A_237 = vector.broadcast %parallel_loop3A_236 : f32 to vector<16xf32>
      %parallel_loop3A_238 = arith.addf %parallel_loop3A_237, %parallel_loop3A_234 : vector<16xf32>
      %parallel_loop3A_239 = arith.constant 1.000000e+00 : f32
      %parallel_loop3A_240 = vector.broadcast %parallel_loop3A_239 : f32 to vector<16xf32>
      %parallel_loop3A_241 = arith.addf %parallel_loop3A_240, %parallel_loop3A_235 : vector<16xf32>
      %parallel_loop3A_242 = arith.mulf %parallel_loop3A_225, %parallel_loop3A_241 : vector<16xf32>
      %parallel_loop3A_243 = arith.mulf %parallel_loop3A_228, %parallel_loop3A_238 : vector<16xf32>
      %parallel_loop3A_244 = arith.addf %parallel_loop3A_242, %parallel_loop3A_243 : vector<16xf32>
      %parallel_loop3A_245 = arith.mulf %parallel_loop3A_238, %parallel_loop3A_241 : vector<16xf32>
      %parallel_loop3A_246 = arith.index_cast %parallel_loop3A_216 : i32 to index
      %parallel_loop3A_247 = arith.constant 32 : index
      %parallel_loop3A_248 = tpu.vector_load %arg14[%parallel_loop3A_246, %parallel_loop3A_247] {strides = array<i32>} : memref<128x128xf32, #tpu.memory_space<vmem>>, vector<16xf32>,
      %parallel_loop3A_249 = arith.index_cast %parallel_loop3A_216 : i32 to index
      %parallel_loop3A_250 = arith.constant 48 : index
      %parallel_loop3A_251 = tpu.vector_load %arg14[%parallel_loop3A_249, %parallel_loop3A_250] {strides = array<i32>} : memref<128x128xf32, #tpu.memory_space<vmem>>, vector<16xf32>,
      %parallel_loop3A_252 = arith.index_cast %parallel_loop3A_216 : i32 to index
      %parallel_loop3A_253 = arith.constant 32 : index
      %parallel_loop3A_254 = tpu.vector_load %arg13[%parallel_loop3A_252, %parallel_loop3A_253] {strides = array<i32>} : memref<128x128xf32, #tpu.memory_space<vmem>>, vector<16xf32>,
      %parallel_loop3A_255 = arith.index_cast %parallel_loop3A_216 : i32 to index
      %parallel_loop3A_256 = arith.constant 48 : index
      %parallel_loop3A_257 = tpu.vector_load %arg13[%parallel_loop3A_255, %parallel_loop3A_256] {strides = array<i32>} : memref<128x128xf32, #tpu.memory_space<vmem>>, vector<16xf32>,
      %parallel_loop3A_258 = tpu.pack_subelements %parallel_loop3A_248, %parallel_loop3A_251 {pack_format = #tpu.pack_format<interleaved>, positions = array<i32: 0, 1>} : vector<16xf32>, vector<16xf32> -> vector<32xbf16>
      %parallel_loop3A_259 = arith.constant 0.000000e+00 : bf16
      %parallel_loop3A_260 = vector.broadcast %parallel_loop3A_259 : bf16 to vector<32xbf16>
      %parallel_loop3A_261 = arith.subf %parallel_loop3A_260, %parallel_loop3A_258 : vector<32xbf16>
      %parallel_loop3A_262 = math.exp %parallel_loop3A_261 : vector<32xbf16>
      %parallel_loop3A_263 = tpu.unpack_subelements %parallel_loop3A_262, 0 {pack_format = #tpu.pack_format<interleaved>} : vector<32xbf16> -> vector<16xf32>
      %parallel_loop3A_264 = tpu.unpack_subelements %parallel_loop3A_262, 1 {pack_format = #tpu.pack_format<interleaved>} : vector<32xbf16> -> vector<16xf32>
      %parallel_loop3A_265 = arith.constant 1.000000e+00 : f32
      %parallel_loop3A_266 = vector.broadcast %parallel_loop3A_265 : f32 to vector<16xf32>
      %parallel_loop3A_267 = arith.addf %parallel_loop3A_266, %parallel_loop3A_263 : vector<16xf32>
      %parallel_loop3A_268 = arith.constant 1.000000e+00 : f32
      %parallel_loop3A_269 = vector.broadcast %parallel_loop3A_268 : f32 to vector<16xf32>
      %parallel_loop3A_270 = arith.addf %parallel_loop3A_269, %parallel_loop3A_264 : vector<16xf32>
      %parallel_loop3A_271 = arith.mulf %parallel_loop3A_254, %parallel_loop3A_270 : vector<16xf32>
      %parallel_loop3A_272 = arith.mulf %parallel_loop3A_257, %parallel_loop3A_267 : vector<16xf32>
      %parallel_loop3A_273 = arith.addf %parallel_loop3A_271, %parallel_loop3A_272 : vector<16xf32>
      %parallel_loop3A_274 = arith.mulf %parallel_loop3A_267, %parallel_loop3A_270 : vector<16xf32>
      %parallel_loop3A_275 = arith.mulf %parallel_loop3A_244, %parallel_loop3A_274 : vector<16xf32>
      %parallel_loop3A_276 = arith.mulf %parallel_loop3A_273, %parallel_loop3A_245 : vector<16xf32>
      %parallel_loop3A_277 = arith.addf %parallel_loop3A_275, %parallel_loop3A_276 : vector<16xf32>
      %parallel_loop3A_278 = arith.mulf %parallel_loop3A_245, %parallel_loop3A_274 : vector<16xf32>
      %parallel_loop3A_279 = arith.index_cast %parallel_loop3A_216 : i32 to index
      %parallel_loop3A_280 = arith.constant 64 : index
      %parallel_loop3A_281 = tpu.vector_load %arg14[%parallel_loop3A_279, %parallel_loop3A_280] {strides = array<i32>} : memref<128x128xf32, #tpu.memory_space<vmem>>, vector<16xf32>,
      %parallel_loop3A_282 = arith.index_cast %parallel_loop3A_216 : i32 to index
      %parallel_loop3A_283 = arith.constant 80 : index
      %parallel_loop3A_284 = tpu.vector_load %arg14[%parallel_loop3A_282, %parallel_loop3A_283] {strides = array<i32>} : memref<128x128xf32, #tpu.memory_space<vmem>>, vector<16xf32>,
      %parallel_loop3A_285 = arith.index_cast %parallel_loop3A_216 : i32 to index
      %parallel_loop3A_286 = arith.constant 64 : index
      %parallel_loop3A_287 = tpu.vector_load %arg13[%parallel_loop3A_285, %parallel_loop3A_286] {strides = array<i32>} : memref<128x128xf32, #tpu.memory_space<vmem>>, vector<16xf32>,
      %parallel_loop3A_288 = arith.index_cast %parallel_loop3A_216 : i32 to index
      %parallel_loop3A_289 = arith.constant 80 : index
      %parallel_loop3A_290 = tpu.vector_load %arg13[%parallel_loop3A_288, %parallel_loop3A_289] {strides = array<i32>} : memref<128x128xf32, #tpu.memory_space<vmem>>, vector<16xf32>,
      %parallel_loop3A_291 = tpu.pack_subelements %parallel_loop3A_281, %parallel_loop3A_284 {pack_format = #tpu.pack_format<interleaved>, positions = array<i32: 0, 1>} : vector<16xf32>, vector<16xf32> -> vector<32xbf16>
      %parallel_loop3A_292 = arith.constant 0.000000e+00 : bf16
      %parallel_loop3A_293 = vector.broadcast %parallel_loop3A_292 : bf16 to vector<32xbf16>
      %parallel_loop3A_294 = arith.subf %parallel_loop3A_293, %parallel_loop3A_291 : vector<32xbf16>
      %parallel_loop3A_295 = math.exp %parallel_loop3A_294 : vector<32xbf16>
      %parallel_loop3A_296 = tpu.unpack_subelements %parallel_loop3A_295, 0 {pack_format = #tpu.pack_format<interleaved>} : vector<32xbf16> -> vector<16xf32>
      %parallel_loop3A_297 = tpu.unpack_subelements %parallel_loop3A_295, 1 {pack_format = #tpu.pack_format<interleaved>} : vector<32xbf16> -> vector<16xf32>
      %parallel_loop3A_298 = arith.constant 1.000000e+00 : f32
      %parallel_loop3A_299 = vector.broadcast %parallel_loop3A_298 : f32 to vector<16xf32>
      %parallel_loop3A_300 = arith.addf %parallel_loop3A_299, %parallel_loop3A_296 : vector<16xf32>
      %parallel_loop3A_301 = arith.constant 1.000000e+00 : f32
      %parallel_loop3A_302 = vector.broadcast %parallel_loop3A_301 : f32 to vector<16xf32>
      %parallel_loop3A_303 = arith.addf %parallel_loop3A_302, %parallel_loop3A_297 : vector<16xf32>
      %parallel_loop3A_304 = arith.mulf %parallel_loop3A_287, %parallel_loop3A_303 : vector<16xf32>
      %parallel_loop3A_305 = arith.mulf %parallel_loop3A_290, %parallel_loop3A_300 : vector<16xf32>
      %parallel_loop3A_306 = arith.addf %parallel_loop3A_304, %parallel_loop3A_305 : vector<16xf32>
      %parallel_loop3A_307 = arith.mulf %parallel_loop3A_300, %parallel_loop3A_303 : vector<16xf32>
      %parallel_loop3A_308 = arith.mulf %parallel_loop3A_277, %parallel_loop3A_307 : vector<16xf32>
      %parallel_loop3A_309 = arith.mulf %parallel_loop3A_306, %parallel_loop3A_278 : vector<16xf32>
      %parallel_loop3A_310 = arith.addf %parallel_loop3A_308, %parallel_loop3A_309 : vector<16xf32>
      %parallel_loop3A_311 = arith.mulf %parallel_loop3A_278, %parallel_loop3A_307 : vector<16xf32>
      %parallel_loop3A_312 = arith.index_cast %parallel_loop3A_216 : i32 to index
      %parallel_loop3A_313 = arith.constant 96 : index
      %parallel_loop3A_314 = tpu.vector_load %arg14[%parallel_loop3A_312, %parallel_loop3A_313] {strides = array<i32>} : memref<128x128xf32, #tpu.memory_space<vmem>>, vector<16xf32>,
      %parallel_loop3A_315 = arith.index_cast %parallel_loop3A_216 : i32 to index
      %parallel_loop3A_316 = arith.constant 112 : index
      %parallel_loop3A_317 = tpu.vector_load %arg14[%parallel_loop3A_315, %parallel_loop3A_316] {strides = array<i32>} : memref<128x128xf32, #tpu.memory_space<vmem>>, vector<16xf32>,
      %parallel_loop3A_318 = arith.index_cast %parallel_loop3A_216 : i32 to index
      %parallel_loop3A_319 = arith.constant 96 : index
      %parallel_loop3A_320 = tpu.vector_load %arg13[%parallel_loop3A_318, %parallel_loop3A_319] {strides = array<i32>} : memref<128x128xf32, #tpu.memory_space<vmem>>, vector<16xf32>,
      %parallel_loop3A_321 = arith.index_cast %parallel_loop3A_216 : i32 to index
      %parallel_loop3A_322 = arith.constant 112 : index
      %parallel_loop3A_323 = tpu.vector_load %arg13[%parallel_loop3A_321, %parallel_loop3A_322] {strides = array<i32>} : memref<128x128xf32, #tpu.memory_space<vmem>>, vector<16xf32>,
      %parallel_loop3A_324 = tpu.pack_subelements %parallel_loop3A_314, %parallel_loop3A_317 {pack_format = #tpu.pack_format<interleaved>, positions = array<i32: 0, 1>} : vector<16xf32>, vector<16xf32> -> vector<32xbf16>
      %parallel_loop3A_325 = arith.constant 0.000000e+00 : bf16
      %parallel_loop3A_326 = vector.broadcast %parallel_loop3A_325 : bf16 to vector<32xbf16>
      %parallel_loop3A_327 = arith.subf %parallel_loop3A_326, %parallel_loop3A_324 : vector<32xbf16>
      %parallel_loop3A_328 = math.exp %parallel_loop3A_327 : vector<32xbf16>
      %parallel_loop3A_329 = tpu.unpack_subelements %parallel_loop3A_328, 0 {pack_format = #tpu.pack_format<interleaved>} : vector<32xbf16> -> vector<16xf32>
      %parallel_loop3A_330 = tpu.unpack_subelements %parallel_loop3A_328, 1 {pack_format = #tpu.pack_format<interleaved>} : vector<32xbf16> -> vector<16xf32>
      %parallel_loop3A_331 = arith.constant 1.000000e+00 : f32
      %parallel_loop3A_332 = vector.broadcast %parallel_loop3A_331 : f32 to vector<16xf32>
      %parallel_loop3A_333 = arith.addf %parallel_loop3A_332, %parallel_loop3A_329 : vector<16xf32>
      %parallel_loop3A_334 = arith.constant 1.000000e+00 : f32
      %parallel_loop3A_335 = vector.broadcast %parallel_loop3A_334 : f32 to vector<16xf32>
      %parallel_loop3A_336 = arith.addf %parallel_loop3A_335, %parallel_loop3A_330 : vector<16xf32>
      %parallel_loop3A_337 = arith.mulf %parallel_loop3A_320, %parallel_loop3A_336 : vector<16xf32>
      %parallel_loop3A_338 = arith.mulf %parallel_loop3A_323, %parallel_loop3A_333 : vector<16xf32>
      %parallel_loop3A_339 = arith.addf %parallel_loop3A_337, %parallel_loop3A_338 : vector<16xf32>
      %parallel_loop3A_340 = arith.mulf %parallel_loop3A_333, %parallel_loop3A_336 : vector<16xf32>
      %parallel_loop3A_341 = arith.mulf %parallel_loop3A_310, %parallel_loop3A_340 : vector<16xf32>
      %parallel_loop3A_342 = arith.mulf %parallel_loop3A_339, %parallel_loop3A_311 : vector<16xf32>
      %parallel_loop3A_343 = arith.addf %parallel_loop3A_341, %parallel_loop3A_342 : vector<16xf32>
      %parallel_loop3A_344 = arith.mulf %parallel_loop3A_311, %parallel_loop3A_340 : vector<16xf32>
      %parallel_loop3A_345 = arith.divf %parallel_loop3A_343, %parallel_loop3A_344 : vector<16xf32>
      %parallel_loop3A_346 = arith.index_cast %parallel_loop3A_216 : i32 to index
      %parallel_loop3A_347 = arith.constant 0 : index
      %parallel_loop3A_348 = tpu.vector_load %arg17[%parallel_loop3A_346, %parallel_loop3A_347] {strides = array<i32>} : memref<128x17xf32, #tpu.memory_space<vmem>>, vector<16xf32>,
      tpu.vector_store %arg17[%parallel_loop3A_346, %parallel_loop3A_347], %parallel_loop3A_345 {strides = array<i32>} : memref<128x17xf32, #tpu.memory_space<vmem>>, vector<16xf32>,
    } {sc.loop_unroll_factor = 1 : i64, sc.parallel_access}
    %parallel_loop3A_139 = arith.constant 0 : i32
    %parallel_loop3A_140 = arith.constant 8 : i32
    %parallel_loop3A_141 = arith.constant 1 : i32
    scf.for %parallel_loop3A_216 = %parallel_loop3A_139 to %parallel_loop3A_140 step %parallel_loop3A_141  : i32 {
      %parallel_loop3A_217 = arith.constant 16 : i32
      %parallel_loop3A_218 = arith.muli %parallel_loop3A_216, %parallel_loop3A_217 : i32
      %parallel_loop3A_219 = vector.broadcast %parallel_loop3A_218 : i32 to vector<16xi32>
      %parallel_loop3A_220 = arith.addi %parallel_loop3A_219, %iota3A : vector<16xi32>
      %parallel_loop3A_221 = arith.constant 0 : i32
      %parallel_loop3A_222 = vector.broadcast %parallel_loop3A_221 : i32 to vector<16xi32>
      %parallel_loop3A_223 = tpu.vector_load_idx %arg17[%parallel_loop3A_220, %parallel_loop3A_222] : memref<128x17xf32, #tpu.memory_space<vmem>>[vector<16xi32>, vector<16xi32>], vector<16xf32>,
      %parallel_loop3A_224 = arith.constant 1 : i32
      %parallel_loop3A_225 = vector.broadcast %parallel_loop3A_224 : i32 to vector<16xi32>
      %parallel_loop3A_226 = tpu.vector_load_idx %arg17[%parallel_loop3A_220, %parallel_loop3A_225] : memref<128x17xf32, #tpu.memory_space<vmem>>[vector<16xi32>, vector<16xi32>], vector<16xf32>,
      %parallel_loop3A_227 = arith.constant 2 : i32
      %parallel_loop3A_228 = vector.broadcast %parallel_loop3A_227 : i32 to vector<16xi32>
      %parallel_loop3A_229 = tpu.vector_load_idx %arg17[%parallel_loop3A_220, %parallel_loop3A_228] : memref<128x17xf32, #tpu.memory_space<vmem>>[vector<16xi32>, vector<16xi32>], vector<16xf32>,
      %parallel_loop3A_230 = arith.constant 3 : i32
      %parallel_loop3A_231 = vector.broadcast %parallel_loop3A_230 : i32 to vector<16xi32>
      %parallel_loop3A_232 = tpu.vector_load_idx %arg17[%parallel_loop3A_220, %parallel_loop3A_231] : memref<128x17xf32, #tpu.memory_space<vmem>>[vector<16xi32>, vector<16xi32>], vector<16xf32>,
      %parallel_loop3A_233 = arith.constant 4 : i32
      %parallel_loop3A_234 = vector.broadcast %parallel_loop3A_233 : i32 to vector<16xi32>
      %parallel_loop3A_235 = tpu.vector_load_idx %arg17[%parallel_loop3A_220, %parallel_loop3A_234] : memref<128x17xf32, #tpu.memory_space<vmem>>[vector<16xi32>, vector<16xi32>], vector<16xf32>,
      %parallel_loop3A_236 = arith.constant 5 : i32
      %parallel_loop3A_237 = vector.broadcast %parallel_loop3A_236 : i32 to vector<16xi32>
      %parallel_loop3A_238 = tpu.vector_load_idx %arg17[%parallel_loop3A_220, %parallel_loop3A_237] : memref<128x17xf32, #tpu.memory_space<vmem>>[vector<16xi32>, vector<16xi32>], vector<16xf32>,
      %parallel_loop3A_239 = arith.constant 6 : i32
      %parallel_loop3A_240 = vector.broadcast %parallel_loop3A_239 : i32 to vector<16xi32>
      %parallel_loop3A_241 = tpu.vector_load_idx %arg17[%parallel_loop3A_220, %parallel_loop3A_240] : memref<128x17xf32, #tpu.memory_space<vmem>>[vector<16xi32>, vector<16xi32>], vector<16xf32>,
      %parallel_loop3A_242 = arith.constant 7 : i32
      %parallel_loop3A_243 = vector.broadcast %parallel_loop3A_242 : i32 to vector<16xi32>
      %parallel_loop3A_244 = tpu.vector_load_idx %arg17[%parallel_loop3A_220, %parallel_loop3A_243] : memref<128x17xf32, #tpu.memory_space<vmem>>[vector<16xi32>, vector<16xi32>], vector<16xf32>,
      %parallel_loop3A_245 = arith.constant 8 : i32
      %parallel_loop3A_246 = vector.broadcast %parallel_loop3A_245 : i32 to vector<16xi32>
      %parallel_loop3A_247 = tpu.vector_load_idx %arg17[%parallel_loop3A_220, %parallel_loop3A_246] : memref<128x17xf32, #tpu.memory_space<vmem>>[vector<16xi32>, vector<16xi32>], vector<16xf32>,
      %parallel_loop3A_248 = arith.constant 9 : i32
      %parallel_loop3A_249 = vector.broadcast %parallel_loop3A_248 : i32 to vector<16xi32>
      %parallel_loop3A_250 = tpu.vector_load_idx %arg17[%parallel_loop3A_220, %parallel_loop3A_249] : memref<128x17xf32, #tpu.memory_space<vmem>>[vector<16xi32>, vector<16xi32>], vector<16xf32>,
      %parallel_loop3A_251 = arith.constant 10 : i32
      %parallel_loop3A_252 = vector.broadcast %parallel_loop3A_251 : i32 to vector<16xi32>
      %parallel_loop3A_253 = tpu.vector_load_idx %arg17[%parallel_loop3A_220, %parallel_loop3A_252] : memref<128x17xf32, #tpu.memory_space<vmem>>[vector<16xi32>, vector<16xi32>], vector<16xf32>,
      %parallel_loop3A_254 = arith.constant 11 : i32
      %parallel_loop3A_255 = vector.broadcast %parallel_loop3A_254 : i32 to vector<16xi32>
      %parallel_loop3A_256 = tpu.vector_load_idx %arg17[%parallel_loop3A_220, %parallel_loop3A_255] : memref<128x17xf32, #tpu.memory_space<vmem>>[vector<16xi32>, vector<16xi32>], vector<16xf32>,
      %parallel_loop3A_257 = arith.constant 12 : i32
      %parallel_loop3A_258 = vector.broadcast %parallel_loop3A_257 : i32 to vector<16xi32>
      %parallel_loop3A_259 = tpu.vector_load_idx %arg17[%parallel_loop3A_220, %parallel_loop3A_258] : memref<128x17xf32, #tpu.memory_space<vmem>>[vector<16xi32>, vector<16xi32>], vector<16xf32>,
      %parallel_loop3A_260 = arith.constant 13 : i32
      %parallel_loop3A_261 = vector.broadcast %parallel_loop3A_260 : i32 to vector<16xi32>
      %parallel_loop3A_262 = tpu.vector_load_idx %arg17[%parallel_loop3A_220, %parallel_loop3A_261] : memref<128x17xf32, #tpu.memory_space<vmem>>[vector<16xi32>, vector<16xi32>], vector<16xf32>,
      %parallel_loop3A_263 = arith.constant 14 : i32
      %parallel_loop3A_264 = vector.broadcast %parallel_loop3A_263 : i32 to vector<16xi32>
      %parallel_loop3A_265 = tpu.vector_load_idx %arg17[%parallel_loop3A_220, %parallel_loop3A_264] : memref<128x17xf32, #tpu.memory_space<vmem>>[vector<16xi32>, vector<16xi32>], vector<16xf32>,
      %parallel_loop3A_266 = arith.constant 15 : i32
      %parallel_loop3A_267 = vector.broadcast %parallel_loop3A_266 : i32 to vector<16xi32>
      %parallel_loop3A_268 = tpu.vector_load_idx %arg17[%parallel_loop3A_220, %parallel_loop3A_267] : memref<128x17xf32, #tpu.memory_space<vmem>>[vector<16xi32>, vector<16xi32>], vector<16xf32>,
      %parallel_loop3A_269 = arith.addf %parallel_loop3A_223, %parallel_loop3A_226 : vector<16xf32>
      %parallel_loop3A_270 = arith.addf %parallel_loop3A_229, %parallel_loop3A_232 : vector<16xf32>
      %parallel_loop3A_271 = arith.addf %parallel_loop3A_235, %parallel_loop3A_238 : vector<16xf32>
      %parallel_loop3A_272 = arith.addf %parallel_loop3A_241, %parallel_loop3A_244 : vector<16xf32>
      %parallel_loop3A_273 = arith.addf %parallel_loop3A_247, %parallel_loop3A_250 : vector<16xf32>
      %parallel_loop3A_274 = arith.addf %parallel_loop3A_253, %parallel_loop3A_256 : vector<16xf32>
      %parallel_loop3A_275 = arith.addf %parallel_loop3A_259, %parallel_loop3A_262 : vector<16xf32>
      %parallel_loop3A_276 = arith.addf %parallel_loop3A_265, %parallel_loop3A_268 : vector<16xf32>
      %parallel_loop3A_277 = arith.addf %parallel_loop3A_269, %parallel_loop3A_270 : vector<16xf32>
      %parallel_loop3A_278 = arith.addf %parallel_loop3A_271, %parallel_loop3A_272 : vector<16xf32>
      %parallel_loop3A_279 = arith.addf %parallel_loop3A_273, %parallel_loop3A_274 : vector<16xf32>
      %parallel_loop3A_280 = arith.addf %parallel_loop3A_275, %parallel_loop3A_276 : vector<16xf32>
      %parallel_loop3A_281 = arith.addf %parallel_loop3A_277, %parallel_loop3A_278 : vector<16xf32>
      %parallel_loop3A_282 = arith.addf %parallel_loop3A_279, %parallel_loop3A_280 : vector<16xf32>
      %parallel_loop3A_283 = arith.addf %parallel_loop3A_281, %parallel_loop3A_282 : vector<16xf32>
      %parallel_loop3A_284 = arith.constant 16 : i32
      %parallel_loop3A_285 = arith.muli %parallel_loop3A_216, %parallel_loop3A_284 : i32
      %parallel_loop3A_286 = arith.index_cast %parallel_loop3A_285 : i32 to index
      %parallel_loop3A_287 = tpu.vector_load %arg15[%parallel_loop3A_286] {strides = array<i32>} : memref<128xf32, #tpu.memory_space<vmem>>, vector<16xf32>,
      %parallel_loop3A_288 = arith.subf %parallel_loop3A_283, %parallel_loop3A_287 : vector<16xf32>
      %parallel_loop3A_289 = arith.constant 0.000000e+00 : f32
      %parallel_loop3A_290 = vector.broadcast %parallel_loop3A_289 : f32 to vector<16xf32>
      %parallel_loop3A_291 = arith.subf %parallel_loop3A_290, %parallel_loop3A_288 : vector<16xf32>
      %parallel_loop3A_292 = math.exp %parallel_loop3A_291 : vector<16xf32>
      %parallel_loop3A_293 = arith.constant 1.000000e+00 : f32
      %parallel_loop3A_294 = vector.broadcast %parallel_loop3A_293 : f32 to vector<16xf32>
      %parallel_loop3A_295 = arith.addf %parallel_loop3A_294, %parallel_loop3A_292 : vector<16xf32>
      %parallel_loop3A_296 = arith.constant 1.000000e+00 : f32
      %parallel_loop3A_297 = vector.broadcast %parallel_loop3A_296 : f32 to vector<16xf32>
      %parallel_loop3A_298 = arith.divf %parallel_loop3A_297, %parallel_loop3A_295 : vector<16xf32>
      %parallel_loop3A_299 = arith.constant 16 : i32
      %parallel_loop3A_300 = arith.muli %parallel_loop3A_216, %parallel_loop3A_299 : i32
      %parallel_loop3A_301 = arith.constant 1 : i32
      %parallel_loop3A_302 = arith.index_cast %parallel_loop3A_301 : i32 to index
      %parallel_loop3A_303 = arith.index_cast %parallel_loop3A_300 : i32 to index
      %parallel_loop3A_304 = tpu.vector_load %arg16[%parallel_loop3A_302, %parallel_loop3A_303] {strides = array<i32>} : memref<4x128xf32, #tpu.memory_space<vmem>>, vector<16xf32>,
      tpu.vector_store %arg16[%parallel_loop3A_302, %parallel_loop3A_303], %parallel_loop3A_298 {strides = array<i32>} : memref<4x128xf32, #tpu.memory_space<vmem>>, vector<16xf32>,
    } {sc.loop_unroll_factor = 1 : i64, sc.parallel_access}
    %dma_start3A_142 = arith.constant 3 : i32
    %dma_start3A_143 = arith.constant 0 : i32
    %dma_start3A_144 = tpu.memref_slice %arg8[%dma_start3A_142, %dma_start3A_143] : memref<4x128xi32, #tpu.memory_space<vmem>> -> memref<1x128xi32, #tpu.memory_space<vmem>>
    %dma_start3A_145 = tpu.memref_squeeze %dma_start3A_144 : memref<1x128xi32, #tpu.memory_space<vmem>> -> memref<128xi32, #tpu.memory_space<vmem>>
    %dma_start3A_146 = arith.constant 0 : i32
    %dma_start3A_147 = arith.constant 0 : i32
    %dma_start3A_148 = tpu.memref_slice %arg4[%dma_start3A_146, %dma_start3A_147] : memref<100000x128xf32, #tpu.memory_space<hbm>> -> memref<100000x128xf32, #tpu.memory_space<hbm>>
    tpu.enqueue_indirect_dma source(%dma_start3A_148 : memref<100000x128xf32, #tpu.memory_space<hbm>>) target(%arg13 : memref<128x128xf32, #tpu.memory_space<vmem>>) offsets(%dma_start3A_145 : memref<128xi32, #tpu.memory_space<vmem>>) semaphore(%arg19 : memref<!tpu.dma_semaphore, #tpu.memory_space<semaphore_mem>>)
    %dma_start3A_149 = arith.constant 3 : i32
    %dma_start3A_150 = arith.constant 0 : i32
    %dma_start3A_151 = tpu.memref_slice %arg9[%dma_start3A_149, %dma_start3A_150] : memref<4x128xi32, #tpu.memory_space<vmem>> -> memref<1x128xi32, #tpu.memory_space<vmem>>
    %dma_start3A_152 = tpu.memref_squeeze %dma_start3A_151 : memref<1x128xi32, #tpu.memory_space<vmem>> -> memref<128xi32, #tpu.memory_space<vmem>>
    %dma_start3A_153 = arith.constant 0 : i32
    %dma_start3A_154 = arith.constant 0 : i32
    %dma_start3A_155 = tpu.memref_slice %arg5[%dma_start3A_153, %dma_start3A_154] : memref<100000x128xf32, #tpu.memory_space<hbm>> -> memref<100000x128xf32, #tpu.memory_space<hbm>>
    tpu.enqueue_indirect_dma source(%dma_start3A_155 : memref<100000x128xf32, #tpu.memory_space<hbm>>) target(%arg14 : memref<128x128xf32, #tpu.memory_space<vmem>>) offsets(%dma_start3A_152 : memref<128xi32, #tpu.memory_space<vmem>>) semaphore(%arg19 : memref<!tpu.dma_semaphore, #tpu.memory_space<semaphore_mem>>)
    %dma_start3A_156 = arith.constant 3 : i32
    %dma_start3A_157 = arith.constant 0 : i32
    %dma_start3A_158 = tpu.memref_slice %arg9[%dma_start3A_156, %dma_start3A_157] : memref<4x128xi32, #tpu.memory_space<vmem>> -> memref<1x128xi32, #tpu.memory_space<vmem>>
    %dma_start3A_159 = tpu.memref_squeeze %dma_start3A_158 : memref<1x128xi32, #tpu.memory_space<vmem>> -> memref<128xi32, #tpu.memory_space<vmem>>
    %dma_start3A_160 = arith.constant 0 : i32
    %dma_start3A_161 = tpu.memref_slice %arg6[%dma_start3A_160] : memref<100000xf32, #tpu.memory_space<hbm>> -> memref<100000xf32, #tpu.memory_space<hbm>>
    tpu.enqueue_indirect_dma source(%dma_start3A_161 : memref<100000xf32, #tpu.memory_space<hbm>>) target(%arg15 : memref<128xf32, #tpu.memory_space<vmem>>) offsets(%dma_start3A_159 : memref<128xi32, #tpu.memory_space<vmem>>) semaphore(%arg19 : memref<!tpu.dma_semaphore, #tpu.memory_space<semaphore_mem>>)
    %dma_wait3A_162 = arith.constant 2 : i32
    %dma_wait3A_163 = arith.constant 0 : i32
    %dma_wait3A_164 = tpu.memref_slice %arg8[%dma_wait3A_162, %dma_wait3A_163] : memref<4x128xi32, #tpu.memory_space<vmem>> -> memref<1x128xi32, #tpu.memory_space<vmem>>
    %dma_wait3A_165 = tpu.memref_squeeze %dma_wait3A_164 : memref<1x128xi32, #tpu.memory_space<vmem>> -> memref<128xi32, #tpu.memory_space<vmem>>
    %dma_wait3A_166 = arith.constant 0 : i32
    %dma_wait3A_167 = arith.constant 0 : i32
    %dma_wait3A_168 = tpu.memref_slice %arg4[%dma_wait3A_166, %dma_wait3A_167] : memref<100000x128xf32, #tpu.memory_space<hbm>> -> memref<100000x128xf32, #tpu.memory_space<hbm>>
    tpu.wait_indirect_dma semaphore(%arg18 : memref<!tpu.dma_semaphore, #tpu.memory_space<semaphore_mem>>) src(%dma_wait3A_168 : memref<100000x128xf32, #tpu.memory_space<hbm>>) dst(%arg10 : memref<128x128xf32, #tpu.memory_space<vmem>>)
    %dma_wait3A_169 = arith.constant 2 : i32
    %dma_wait3A_170 = arith.constant 0 : i32
    %dma_wait3A_171 = tpu.memref_slice %arg9[%dma_wait3A_169, %dma_wait3A_170] : memref<4x128xi32, #tpu.memory_space<vmem>> -> memref<1x128xi32, #tpu.memory_space<vmem>>
    %dma_wait3A_172 = tpu.memref_squeeze %dma_wait3A_171 : memref<1x128xi32, #tpu.memory_space<vmem>> -> memref<128xi32, #tpu.memory_space<vmem>>
    %dma_wait3A_173 = arith.constant 0 : i32
    %dma_wait3A_174 = arith.constant 0 : i32
    %dma_wait3A_175 = tpu.memref_slice %arg5[%dma_wait3A_173, %dma_wait3A_174] : memref<100000x128xf32, #tpu.memory_space<hbm>> -> memref<100000x128xf32, #tpu.memory_space<hbm>>
    tpu.wait_indirect_dma semaphore(%arg18 : memref<!tpu.dma_semaphore, #tpu.memory_space<semaphore_mem>>) src(%dma_wait3A_175 : memref<100000x128xf32, #tpu.memory_space<hbm>>) dst(%arg11 : memref<128x128xf32, #tpu.memory_space<vmem>>)
    %dma_wait3A_176 = arith.constant 2 : i32
    %dma_wait3A_177 = arith.constant 0 : i32
    %dma_wait3A_178 = tpu.memref_slice %arg9[%dma_wait3A_176, %dma_wait3A_177] : memref<4x128xi32, #tpu.memory_space<vmem>> -> memref<1x128xi32, #tpu.memory_space<vmem>>
    %dma_wait3A_179 = tpu.memref_squeeze %dma_wait3A_178 : memref<1x128xi32, #tpu.memory_space<vmem>> -> memref<128xi32, #tpu.memory_space<vmem>>
    %dma_wait3A_180 = arith.constant 0 : i32
    %dma_wait3A_181 = tpu.memref_slice %arg6[%dma_wait3A_180] : memref<100000xf32, #tpu.memory_space<hbm>> -> memref<100000xf32, #tpu.memory_space<hbm>>
    tpu.wait_indirect_dma semaphore(%arg18 : memref<!tpu.dma_semaphore, #tpu.memory_space<semaphore_mem>>) src(%dma_wait3A_181 : memref<100000xf32, #tpu.memory_space<hbm>>) dst(%arg12 : memref<128xf32, #tpu.memory_space<vmem>>)
    %parallel_loop3A_182 = arith.constant 0 : i32
    %parallel_loop3A_183 = arith.constant 128 : i32
    %parallel_loop3A_184 = arith.constant 1 : i32
    scf.for %parallel_loop3A_216 = %parallel_loop3A_182 to %parallel_loop3A_183 step %parallel_loop3A_184  : i32 {
      %parallel_loop3A_217 = arith.index_cast %parallel_loop3A_216 : i32 to index
      %parallel_loop3A_218 = arith.constant 0 : index
      %parallel_loop3A_219 = tpu.vector_load %arg11[%parallel_loop3A_217, %parallel_loop3A_218] {strides = array<i32>} : memref<128x128xf32, #tpu.memory_space<vmem>>, vector<16xf32>,
      %parallel_loop3A_220 = arith.index_cast %parallel_loop3A_216 : i32 to index
      %parallel_loop3A_221 = arith.constant 16 : index
      %parallel_loop3A_222 = tpu.vector_load %arg11[%parallel_loop3A_220, %parallel_loop3A_221] {strides = array<i32>} : memref<128x128xf32, #tpu.memory_space<vmem>>, vector<16xf32>,
      %parallel_loop3A_223 = arith.index_cast %parallel_loop3A_216 : i32 to index
      %parallel_loop3A_224 = arith.constant 0 : index
      %parallel_loop3A_225 = tpu.vector_load %arg10[%parallel_loop3A_223, %parallel_loop3A_224] {strides = array<i32>} : memref<128x128xf32, #tpu.memory_space<vmem>>, vector<16xf32>,
      %parallel_loop3A_226 = arith.index_cast %parallel_loop3A_216 : i32 to index
      %parallel_loop3A_227 = arith.constant 16 : index
      %parallel_loop3A_228 = tpu.vector_load %arg10[%parallel_loop3A_226, %parallel_loop3A_227] {strides = array<i32>} : memref<128x128xf32, #tpu.memory_space<vmem>>, vector<16xf32>,
      %parallel_loop3A_229 = tpu.pack_subelements %parallel_loop3A_219, %parallel_loop3A_222 {pack_format = #tpu.pack_format<interleaved>, positions = array<i32: 0, 1>} : vector<16xf32>, vector<16xf32> -> vector<32xbf16>
      %parallel_loop3A_230 = arith.constant 0.000000e+00 : bf16
      %parallel_loop3A_231 = vector.broadcast %parallel_loop3A_230 : bf16 to vector<32xbf16>
      %parallel_loop3A_232 = arith.subf %parallel_loop3A_231, %parallel_loop3A_229 : vector<32xbf16>
      %parallel_loop3A_233 = math.exp %parallel_loop3A_232 : vector<32xbf16>
      %parallel_loop3A_234 = tpu.unpack_subelements %parallel_loop3A_233, 0 {pack_format = #tpu.pack_format<interleaved>} : vector<32xbf16> -> vector<16xf32>
      %parallel_loop3A_235 = tpu.unpack_subelements %parallel_loop3A_233, 1 {pack_format = #tpu.pack_format<interleaved>} : vector<32xbf16> -> vector<16xf32>
      %parallel_loop3A_236 = arith.constant 1.000000e+00 : f32
      %parallel_loop3A_237 = vector.broadcast %parallel_loop3A_236 : f32 to vector<16xf32>
      %parallel_loop3A_238 = arith.addf %parallel_loop3A_237, %parallel_loop3A_234 : vector<16xf32>
      %parallel_loop3A_239 = arith.constant 1.000000e+00 : f32
      %parallel_loop3A_240 = vector.broadcast %parallel_loop3A_239 : f32 to vector<16xf32>
      %parallel_loop3A_241 = arith.addf %parallel_loop3A_240, %parallel_loop3A_235 : vector<16xf32>
      %parallel_loop3A_242 = arith.mulf %parallel_loop3A_225, %parallel_loop3A_241 : vector<16xf32>
      %parallel_loop3A_243 = arith.mulf %parallel_loop3A_228, %parallel_loop3A_238 : vector<16xf32>
      %parallel_loop3A_244 = arith.addf %parallel_loop3A_242, %parallel_loop3A_243 : vector<16xf32>
      %parallel_loop3A_245 = arith.mulf %parallel_loop3A_238, %parallel_loop3A_241 : vector<16xf32>
      %parallel_loop3A_246 = arith.index_cast %parallel_loop3A_216 : i32 to index
      %parallel_loop3A_247 = arith.constant 32 : index
      %parallel_loop3A_248 = tpu.vector_load %arg11[%parallel_loop3A_246, %parallel_loop3A_247] {strides = array<i32>} : memref<128x128xf32, #tpu.memory_space<vmem>>, vector<16xf32>,
      %parallel_loop3A_249 = arith.index_cast %parallel_loop3A_216 : i32 to index
      %parallel_loop3A_250 = arith.constant 48 : index
      %parallel_loop3A_251 = tpu.vector_load %arg11[%parallel_loop3A_249, %parallel_loop3A_250] {strides = array<i32>} : memref<128x128xf32, #tpu.memory_space<vmem>>, vector<16xf32>,
      %parallel_loop3A_252 = arith.index_cast %parallel_loop3A_216 : i32 to index
      %parallel_loop3A_253 = arith.constant 32 : index
      %parallel_loop3A_254 = tpu.vector_load %arg10[%parallel_loop3A_252, %parallel_loop3A_253] {strides = array<i32>} : memref<128x128xf32, #tpu.memory_space<vmem>>, vector<16xf32>,
      %parallel_loop3A_255 = arith.index_cast %parallel_loop3A_216 : i32 to index
      %parallel_loop3A_256 = arith.constant 48 : index
      %parallel_loop3A_257 = tpu.vector_load %arg10[%parallel_loop3A_255, %parallel_loop3A_256] {strides = array<i32>} : memref<128x128xf32, #tpu.memory_space<vmem>>, vector<16xf32>,
      %parallel_loop3A_258 = tpu.pack_subelements %parallel_loop3A_248, %parallel_loop3A_251 {pack_format = #tpu.pack_format<interleaved>, positions = array<i32: 0, 1>} : vector<16xf32>, vector<16xf32> -> vector<32xbf16>
      %parallel_loop3A_259 = arith.constant 0.000000e+00 : bf16
      %parallel_loop3A_260 = vector.broadcast %parallel_loop3A_259 : bf16 to vector<32xbf16>
      %parallel_loop3A_261 = arith.subf %parallel_loop3A_260, %parallel_loop3A_258 : vector<32xbf16>
      %parallel_loop3A_262 = math.exp %parallel_loop3A_261 : vector<32xbf16>
      %parallel_loop3A_263 = tpu.unpack_subelements %parallel_loop3A_262, 0 {pack_format = #tpu.pack_format<interleaved>} : vector<32xbf16> -> vector<16xf32>
      %parallel_loop3A_264 = tpu.unpack_subelements %parallel_loop3A_262, 1 {pack_format = #tpu.pack_format<interleaved>} : vector<32xbf16> -> vector<16xf32>
      %parallel_loop3A_265 = arith.constant 1.000000e+00 : f32
      %parallel_loop3A_266 = vector.broadcast %parallel_loop3A_265 : f32 to vector<16xf32>
      %parallel_loop3A_267 = arith.addf %parallel_loop3A_266, %parallel_loop3A_263 : vector<16xf32>
      %parallel_loop3A_268 = arith.constant 1.000000e+00 : f32
      %parallel_loop3A_269 = vector.broadcast %parallel_loop3A_268 : f32 to vector<16xf32>
      %parallel_loop3A_270 = arith.addf %parallel_loop3A_269, %parallel_loop3A_264 : vector<16xf32>
      %parallel_loop3A_271 = arith.mulf %parallel_loop3A_254, %parallel_loop3A_270 : vector<16xf32>
      %parallel_loop3A_272 = arith.mulf %parallel_loop3A_257, %parallel_loop3A_267 : vector<16xf32>
      %parallel_loop3A_273 = arith.addf %parallel_loop3A_271, %parallel_loop3A_272 : vector<16xf32>
      %parallel_loop3A_274 = arith.mulf %parallel_loop3A_267, %parallel_loop3A_270 : vector<16xf32>
      %parallel_loop3A_275 = arith.mulf %parallel_loop3A_244, %parallel_loop3A_274 : vector<16xf32>
      %parallel_loop3A_276 = arith.mulf %parallel_loop3A_273, %parallel_loop3A_245 : vector<16xf32>
      %parallel_loop3A_277 = arith.addf %parallel_loop3A_275, %parallel_loop3A_276 : vector<16xf32>
      %parallel_loop3A_278 = arith.mulf %parallel_loop3A_245, %parallel_loop3A_274 : vector<16xf32>
      %parallel_loop3A_279 = arith.index_cast %parallel_loop3A_216 : i32 to index
      %parallel_loop3A_280 = arith.constant 64 : index
      %parallel_loop3A_281 = tpu.vector_load %arg11[%parallel_loop3A_279, %parallel_loop3A_280] {strides = array<i32>} : memref<128x128xf32, #tpu.memory_space<vmem>>, vector<16xf32>,
      %parallel_loop3A_282 = arith.index_cast %parallel_loop3A_216 : i32 to index
      %parallel_loop3A_283 = arith.constant 80 : index
      %parallel_loop3A_284 = tpu.vector_load %arg11[%parallel_loop3A_282, %parallel_loop3A_283] {strides = array<i32>} : memref<128x128xf32, #tpu.memory_space<vmem>>, vector<16xf32>,
      %parallel_loop3A_285 = arith.index_cast %parallel_loop3A_216 : i32 to index
      %parallel_loop3A_286 = arith.constant 64 : index
      %parallel_loop3A_287 = tpu.vector_load %arg10[%parallel_loop3A_285, %parallel_loop3A_286] {strides = array<i32>} : memref<128x128xf32, #tpu.memory_space<vmem>>, vector<16xf32>,
      %parallel_loop3A_288 = arith.index_cast %parallel_loop3A_216 : i32 to index
      %parallel_loop3A_289 = arith.constant 80 : index
      %parallel_loop3A_290 = tpu.vector_load %arg10[%parallel_loop3A_288, %parallel_loop3A_289] {strides = array<i32>} : memref<128x128xf32, #tpu.memory_space<vmem>>, vector<16xf32>,
      %parallel_loop3A_291 = tpu.pack_subelements %parallel_loop3A_281, %parallel_loop3A_284 {pack_format = #tpu.pack_format<interleaved>, positions = array<i32: 0, 1>} : vector<16xf32>, vector<16xf32> -> vector<32xbf16>
      %parallel_loop3A_292 = arith.constant 0.000000e+00 : bf16
      %parallel_loop3A_293 = vector.broadcast %parallel_loop3A_292 : bf16 to vector<32xbf16>
      %parallel_loop3A_294 = arith.subf %parallel_loop3A_293, %parallel_loop3A_291 : vector<32xbf16>
      %parallel_loop3A_295 = math.exp %parallel_loop3A_294 : vector<32xbf16>
      %parallel_loop3A_296 = tpu.unpack_subelements %parallel_loop3A_295, 0 {pack_format = #tpu.pack_format<interleaved>} : vector<32xbf16> -> vector<16xf32>
      %parallel_loop3A_297 = tpu.unpack_subelements %parallel_loop3A_295, 1 {pack_format = #tpu.pack_format<interleaved>} : vector<32xbf16> -> vector<16xf32>
      %parallel_loop3A_298 = arith.constant 1.000000e+00 : f32
      %parallel_loop3A_299 = vector.broadcast %parallel_loop3A_298 : f32 to vector<16xf32>
      %parallel_loop3A_300 = arith.addf %parallel_loop3A_299, %parallel_loop3A_296 : vector<16xf32>
      %parallel_loop3A_301 = arith.constant 1.000000e+00 : f32
      %parallel_loop3A_302 = vector.broadcast %parallel_loop3A_301 : f32 to vector<16xf32>
      %parallel_loop3A_303 = arith.addf %parallel_loop3A_302, %parallel_loop3A_297 : vector<16xf32>
      %parallel_loop3A_304 = arith.mulf %parallel_loop3A_287, %parallel_loop3A_303 : vector<16xf32>
      %parallel_loop3A_305 = arith.mulf %parallel_loop3A_290, %parallel_loop3A_300 : vector<16xf32>
      %parallel_loop3A_306 = arith.addf %parallel_loop3A_304, %parallel_loop3A_305 : vector<16xf32>
      %parallel_loop3A_307 = arith.mulf %parallel_loop3A_300, %parallel_loop3A_303 : vector<16xf32>
      %parallel_loop3A_308 = arith.mulf %parallel_loop3A_277, %parallel_loop3A_307 : vector<16xf32>
      %parallel_loop3A_309 = arith.mulf %parallel_loop3A_306, %parallel_loop3A_278 : vector<16xf32>
      %parallel_loop3A_310 = arith.addf %parallel_loop3A_308, %parallel_loop3A_309 : vector<16xf32>
      %parallel_loop3A_311 = arith.mulf %parallel_loop3A_278, %parallel_loop3A_307 : vector<16xf32>
      %parallel_loop3A_312 = arith.index_cast %parallel_loop3A_216 : i32 to index
      %parallel_loop3A_313 = arith.constant 96 : index
      %parallel_loop3A_314 = tpu.vector_load %arg11[%parallel_loop3A_312, %parallel_loop3A_313] {strides = array<i32>} : memref<128x128xf32, #tpu.memory_space<vmem>>, vector<16xf32>,
      %parallel_loop3A_315 = arith.index_cast %parallel_loop3A_216 : i32 to index
      %parallel_loop3A_316 = arith.constant 112 : index
      %parallel_loop3A_317 = tpu.vector_load %arg11[%parallel_loop3A_315, %parallel_loop3A_316] {strides = array<i32>} : memref<128x128xf32, #tpu.memory_space<vmem>>, vector<16xf32>,
      %parallel_loop3A_318 = arith.index_cast %parallel_loop3A_216 : i32 to index
      %parallel_loop3A_319 = arith.constant 96 : index
      %parallel_loop3A_320 = tpu.vector_load %arg10[%parallel_loop3A_318, %parallel_loop3A_319] {strides = array<i32>} : memref<128x128xf32, #tpu.memory_space<vmem>>, vector<16xf32>,
      %parallel_loop3A_321 = arith.index_cast %parallel_loop3A_216 : i32 to index
      %parallel_loop3A_322 = arith.constant 112 : index
      %parallel_loop3A_323 = tpu.vector_load %arg10[%parallel_loop3A_321, %parallel_loop3A_322] {strides = array<i32>} : memref<128x128xf32, #tpu.memory_space<vmem>>, vector<16xf32>,
      %parallel_loop3A_324 = tpu.pack_subelements %parallel_loop3A_314, %parallel_loop3A_317 {pack_format = #tpu.pack_format<interleaved>, positions = array<i32: 0, 1>} : vector<16xf32>, vector<16xf32> -> vector<32xbf16>
      %parallel_loop3A_325 = arith.constant 0.000000e+00 : bf16
      %parallel_loop3A_326 = vector.broadcast %parallel_loop3A_325 : bf16 to vector<32xbf16>
      %parallel_loop3A_327 = arith.subf %parallel_loop3A_326, %parallel_loop3A_324 : vector<32xbf16>
      %parallel_loop3A_328 = math.exp %parallel_loop3A_327 : vector<32xbf16>
      %parallel_loop3A_329 = tpu.unpack_subelements %parallel_loop3A_328, 0 {pack_format = #tpu.pack_format<interleaved>} : vector<32xbf16> -> vector<16xf32>
      %parallel_loop3A_330 = tpu.unpack_subelements %parallel_loop3A_328, 1 {pack_format = #tpu.pack_format<interleaved>} : vector<32xbf16> -> vector<16xf32>
      %parallel_loop3A_331 = arith.constant 1.000000e+00 : f32
      %parallel_loop3A_332 = vector.broadcast %parallel_loop3A_331 : f32 to vector<16xf32>
      %parallel_loop3A_333 = arith.addf %parallel_loop3A_332, %parallel_loop3A_329 : vector<16xf32>
      %parallel_loop3A_334 = arith.constant 1.000000e+00 : f32
      %parallel_loop3A_335 = vector.broadcast %parallel_loop3A_334 : f32 to vector<16xf32>
      %parallel_loop3A_336 = arith.addf %parallel_loop3A_335, %parallel_loop3A_330 : vector<16xf32>
      %parallel_loop3A_337 = arith.mulf %parallel_loop3A_320, %parallel_loop3A_336 : vector<16xf32>
      %parallel_loop3A_338 = arith.mulf %parallel_loop3A_323, %parallel_loop3A_333 : vector<16xf32>
      %parallel_loop3A_339 = arith.addf %parallel_loop3A_337, %parallel_loop3A_338 : vector<16xf32>
      %parallel_loop3A_340 = arith.mulf %parallel_loop3A_333, %parallel_loop3A_336 : vector<16xf32>
      %parallel_loop3A_341 = arith.mulf %parallel_loop3A_310, %parallel_loop3A_340 : vector<16xf32>
      %parallel_loop3A_342 = arith.mulf %parallel_loop3A_339, %parallel_loop3A_311 : vector<16xf32>
      %parallel_loop3A_343 = arith.addf %parallel_loop3A_341, %parallel_loop3A_342 : vector<16xf32>
      %parallel_loop3A_344 = arith.mulf %parallel_loop3A_311, %parallel_loop3A_340 : vector<16xf32>
      %parallel_loop3A_345 = arith.divf %parallel_loop3A_343, %parallel_loop3A_344 : vector<16xf32>
      %parallel_loop3A_346 = arith.index_cast %parallel_loop3A_216 : i32 to index
      %parallel_loop3A_347 = arith.constant 0 : index
      %parallel_loop3A_348 = tpu.vector_load %arg17[%parallel_loop3A_346, %parallel_loop3A_347] {strides = array<i32>} : memref<128x17xf32, #tpu.memory_space<vmem>>, vector<16xf32>,
      tpu.vector_store %arg17[%parallel_loop3A_346, %parallel_loop3A_347], %parallel_loop3A_345 {strides = array<i32>} : memref<128x17xf32, #tpu.memory_space<vmem>>, vector<16xf32>,
    } {sc.loop_unroll_factor = 1 : i64, sc.parallel_access}
    %parallel_loop3A_185 = arith.constant 0 : i32
    %parallel_loop3A_186 = arith.constant 8 : i32
    %parallel_loop3A_187 = arith.constant 1 : i32
    scf.for %parallel_loop3A_216 = %parallel_loop3A_185 to %parallel_loop3A_186 step %parallel_loop3A_187  : i32 {
      %parallel_loop3A_217 = arith.constant 16 : i32
      %parallel_loop3A_218 = arith.muli %parallel_loop3A_216, %parallel_loop3A_217 : i32
      %parallel_loop3A_219 = vector.broadcast %parallel_loop3A_218 : i32 to vector<16xi32>
      %parallel_loop3A_220 = arith.addi %parallel_loop3A_219, %iota3A : vector<16xi32>
      %parallel_loop3A_221 = arith.constant 0 : i32
      %parallel_loop3A_222 = vector.broadcast %parallel_loop3A_221 : i32 to vector<16xi32>
      %parallel_loop3A_223 = tpu.vector_load_idx %arg17[%parallel_loop3A_220, %parallel_loop3A_222] : memref<128x17xf32, #tpu.memory_space<vmem>>[vector<16xi32>, vector<16xi32>], vector<16xf32>,
      %parallel_loop3A_224 = arith.constant 1 : i32
      %parallel_loop3A_225 = vector.broadcast %parallel_loop3A_224 : i32 to vector<16xi32>
      %parallel_loop3A_226 = tpu.vector_load_idx %arg17[%parallel_loop3A_220, %parallel_loop3A_225] : memref<128x17xf32, #tpu.memory_space<vmem>>[vector<16xi32>, vector<16xi32>], vector<16xf32>,
      %parallel_loop3A_227 = arith.constant 2 : i32
      %parallel_loop3A_228 = vector.broadcast %parallel_loop3A_227 : i32 to vector<16xi32>
      %parallel_loop3A_229 = tpu.vector_load_idx %arg17[%parallel_loop3A_220, %parallel_loop3A_228] : memref<128x17xf32, #tpu.memory_space<vmem>>[vector<16xi32>, vector<16xi32>], vector<16xf32>,
      %parallel_loop3A_230 = arith.constant 3 : i32
      %parallel_loop3A_231 = vector.broadcast %parallel_loop3A_230 : i32 to vector<16xi32>
      %parallel_loop3A_232 = tpu.vector_load_idx %arg17[%parallel_loop3A_220, %parallel_loop3A_231] : memref<128x17xf32, #tpu.memory_space<vmem>>[vector<16xi32>, vector<16xi32>], vector<16xf32>,
      %parallel_loop3A_233 = arith.constant 4 : i32
      %parallel_loop3A_234 = vector.broadcast %parallel_loop3A_233 : i32 to vector<16xi32>
      %parallel_loop3A_235 = tpu.vector_load_idx %arg17[%parallel_loop3A_220, %parallel_loop3A_234] : memref<128x17xf32, #tpu.memory_space<vmem>>[vector<16xi32>, vector<16xi32>], vector<16xf32>,
      %parallel_loop3A_236 = arith.constant 5 : i32
      %parallel_loop3A_237 = vector.broadcast %parallel_loop3A_236 : i32 to vector<16xi32>
      %parallel_loop3A_238 = tpu.vector_load_idx %arg17[%parallel_loop3A_220, %parallel_loop3A_237] : memref<128x17xf32, #tpu.memory_space<vmem>>[vector<16xi32>, vector<16xi32>], vector<16xf32>,
      %parallel_loop3A_239 = arith.constant 6 : i32
      %parallel_loop3A_240 = vector.broadcast %parallel_loop3A_239 : i32 to vector<16xi32>
      %parallel_loop3A_241 = tpu.vector_load_idx %arg17[%parallel_loop3A_220, %parallel_loop3A_240] : memref<128x17xf32, #tpu.memory_space<vmem>>[vector<16xi32>, vector<16xi32>], vector<16xf32>,
      %parallel_loop3A_242 = arith.constant 7 : i32
      %parallel_loop3A_243 = vector.broadcast %parallel_loop3A_242 : i32 to vector<16xi32>
      %parallel_loop3A_244 = tpu.vector_load_idx %arg17[%parallel_loop3A_220, %parallel_loop3A_243] : memref<128x17xf32, #tpu.memory_space<vmem>>[vector<16xi32>, vector<16xi32>], vector<16xf32>,
      %parallel_loop3A_245 = arith.constant 8 : i32
      %parallel_loop3A_246 = vector.broadcast %parallel_loop3A_245 : i32 to vector<16xi32>
      %parallel_loop3A_247 = tpu.vector_load_idx %arg17[%parallel_loop3A_220, %parallel_loop3A_246] : memref<128x17xf32, #tpu.memory_space<vmem>>[vector<16xi32>, vector<16xi32>], vector<16xf32>,
      %parallel_loop3A_248 = arith.constant 9 : i32
      %parallel_loop3A_249 = vector.broadcast %parallel_loop3A_248 : i32 to vector<16xi32>
      %parallel_loop3A_250 = tpu.vector_load_idx %arg17[%parallel_loop3A_220, %parallel_loop3A_249] : memref<128x17xf32, #tpu.memory_space<vmem>>[vector<16xi32>, vector<16xi32>], vector<16xf32>,
      %parallel_loop3A_251 = arith.constant 10 : i32
      %parallel_loop3A_252 = vector.broadcast %parallel_loop3A_251 : i32 to vector<16xi32>
      %parallel_loop3A_253 = tpu.vector_load_idx %arg17[%parallel_loop3A_220, %parallel_loop3A_252] : memref<128x17xf32, #tpu.memory_space<vmem>>[vector<16xi32>, vector<16xi32>], vector<16xf32>,
      %parallel_loop3A_254 = arith.constant 11 : i32
      %parallel_loop3A_255 = vector.broadcast %parallel_loop3A_254 : i32 to vector<16xi32>
      %parallel_loop3A_256 = tpu.vector_load_idx %arg17[%parallel_loop3A_220, %parallel_loop3A_255] : memref<128x17xf32, #tpu.memory_space<vmem>>[vector<16xi32>, vector<16xi32>], vector<16xf32>,
      %parallel_loop3A_257 = arith.constant 12 : i32
      %parallel_loop3A_258 = vector.broadcast %parallel_loop3A_257 : i32 to vector<16xi32>
      %parallel_loop3A_259 = tpu.vector_load_idx %arg17[%parallel_loop3A_220, %parallel_loop3A_258] : memref<128x17xf32, #tpu.memory_space<vmem>>[vector<16xi32>, vector<16xi32>], vector<16xf32>,
      %parallel_loop3A_260 = arith.constant 13 : i32
      %parallel_loop3A_261 = vector.broadcast %parallel_loop3A_260 : i32 to vector<16xi32>
      %parallel_loop3A_262 = tpu.vector_load_idx %arg17[%parallel_loop3A_220, %parallel_loop3A_261] : memref<128x17xf32, #tpu.memory_space<vmem>>[vector<16xi32>, vector<16xi32>], vector<16xf32>,
      %parallel_loop3A_263 = arith.constant 14 : i32
      %parallel_loop3A_264 = vector.broadcast %parallel_loop3A_263 : i32 to vector<16xi32>
      %parallel_loop3A_265 = tpu.vector_load_idx %arg17[%parallel_loop3A_220, %parallel_loop3A_264] : memref<128x17xf32, #tpu.memory_space<vmem>>[vector<16xi32>, vector<16xi32>], vector<16xf32>,
      %parallel_loop3A_266 = arith.constant 15 : i32
      %parallel_loop3A_267 = vector.broadcast %parallel_loop3A_266 : i32 to vector<16xi32>
      %parallel_loop3A_268 = tpu.vector_load_idx %arg17[%parallel_loop3A_220, %parallel_loop3A_267] : memref<128x17xf32, #tpu.memory_space<vmem>>[vector<16xi32>, vector<16xi32>], vector<16xf32>,
      %parallel_loop3A_269 = arith.addf %parallel_loop3A_223, %parallel_loop3A_226 : vector<16xf32>
      %parallel_loop3A_270 = arith.addf %parallel_loop3A_229, %parallel_loop3A_232 : vector<16xf32>
      %parallel_loop3A_271 = arith.addf %parallel_loop3A_235, %parallel_loop3A_238 : vector<16xf32>
      %parallel_loop3A_272 = arith.addf %parallel_loop3A_241, %parallel_loop3A_244 : vector<16xf32>
      %parallel_loop3A_273 = arith.addf %parallel_loop3A_247, %parallel_loop3A_250 : vector<16xf32>
      %parallel_loop3A_274 = arith.addf %parallel_loop3A_253, %parallel_loop3A_256 : vector<16xf32>
      %parallel_loop3A_275 = arith.addf %parallel_loop3A_259, %parallel_loop3A_262 : vector<16xf32>
      %parallel_loop3A_276 = arith.addf %parallel_loop3A_265, %parallel_loop3A_268 : vector<16xf32>
      %parallel_loop3A_277 = arith.addf %parallel_loop3A_269, %parallel_loop3A_270 : vector<16xf32>
      %parallel_loop3A_278 = arith.addf %parallel_loop3A_271, %parallel_loop3A_272 : vector<16xf32>
      %parallel_loop3A_279 = arith.addf %parallel_loop3A_273, %parallel_loop3A_274 : vector<16xf32>
      %parallel_loop3A_280 = arith.addf %parallel_loop3A_275, %parallel_loop3A_276 : vector<16xf32>
      %parallel_loop3A_281 = arith.addf %parallel_loop3A_277, %parallel_loop3A_278 : vector<16xf32>
      %parallel_loop3A_282 = arith.addf %parallel_loop3A_279, %parallel_loop3A_280 : vector<16xf32>
      %parallel_loop3A_283 = arith.addf %parallel_loop3A_281, %parallel_loop3A_282 : vector<16xf32>
      %parallel_loop3A_284 = arith.constant 16 : i32
      %parallel_loop3A_285 = arith.muli %parallel_loop3A_216, %parallel_loop3A_284 : i32
      %parallel_loop3A_286 = arith.index_cast %parallel_loop3A_285 : i32 to index
      %parallel_loop3A_287 = tpu.vector_load %arg12[%parallel_loop3A_286] {strides = array<i32>} : memref<128xf32, #tpu.memory_space<vmem>>, vector<16xf32>,
      %parallel_loop3A_288 = arith.subf %parallel_loop3A_283, %parallel_loop3A_287 : vector<16xf32>
      %parallel_loop3A_289 = arith.constant 0.000000e+00 : f32
      %parallel_loop3A_290 = vector.broadcast %parallel_loop3A_289 : f32 to vector<16xf32>
      %parallel_loop3A_291 = arith.subf %parallel_loop3A_290, %parallel_loop3A_288 : vector<16xf32>
      %parallel_loop3A_292 = math.exp %parallel_loop3A_291 : vector<16xf32>
      %parallel_loop3A_293 = arith.constant 1.000000e+00 : f32
      %parallel_loop3A_294 = vector.broadcast %parallel_loop3A_293 : f32 to vector<16xf32>
      %parallel_loop3A_295 = arith.addf %parallel_loop3A_294, %parallel_loop3A_292 : vector<16xf32>
      %parallel_loop3A_296 = arith.constant 1.000000e+00 : f32
      %parallel_loop3A_297 = vector.broadcast %parallel_loop3A_296 : f32 to vector<16xf32>
      %parallel_loop3A_298 = arith.divf %parallel_loop3A_297, %parallel_loop3A_295 : vector<16xf32>
      %parallel_loop3A_299 = arith.constant 16 : i32
      %parallel_loop3A_300 = arith.muli %parallel_loop3A_216, %parallel_loop3A_299 : i32
      %parallel_loop3A_301 = arith.constant 2 : i32
      %parallel_loop3A_302 = arith.index_cast %parallel_loop3A_301 : i32 to index
      %parallel_loop3A_303 = arith.index_cast %parallel_loop3A_300 : i32 to index
      %parallel_loop3A_304 = tpu.vector_load %arg16[%parallel_loop3A_302, %parallel_loop3A_303] {strides = array<i32>} : memref<4x128xf32, #tpu.memory_space<vmem>>, vector<16xf32>,
      tpu.vector_store %arg16[%parallel_loop3A_302, %parallel_loop3A_303], %parallel_loop3A_298 {strides = array<i32>} : memref<4x128xf32, #tpu.memory_space<vmem>>, vector<16xf32>,
    } {sc.loop_unroll_factor = 1 : i64, sc.parallel_access}
    %dma_wait3A_188 = arith.constant 3 : i32
    %dma_wait3A_189 = arith.constant 0 : i32
    %dma_wait3A_190 = tpu.memref_slice %arg8[%dma_wait3A_188, %dma_wait3A_189] : memref<4x128xi32, #tpu.memory_space<vmem>> -> memref<1x128xi32, #tpu.memory_space<vmem>>
    %dma_wait3A_191 = tpu.memref_squeeze %dma_wait3A_190 : memref<1x128xi32, #tpu.memory_space<vmem>> -> memref<128xi32, #tpu.memory_space<vmem>>
    %dma_wait3A_192 = arith.constant 0 : i32
    %dma_wait3A_193 = arith.constant 0 : i32
    %dma_wait3A_194 = tpu.memref_slice %arg4[%dma_wait3A_192, %dma_wait3A_193] : memref<100000x128xf32, #tpu.memory_space<hbm>> -> memref<100000x128xf32, #tpu.memory_space<hbm>>
    tpu.wait_indirect_dma semaphore(%arg19 : memref<!tpu.dma_semaphore, #tpu.memory_space<semaphore_mem>>) src(%dma_wait3A_194 : memref<100000x128xf32, #tpu.memory_space<hbm>>) dst(%arg13 : memref<128x128xf32, #tpu.memory_space<vmem>>)
    %dma_wait3A_195 = arith.constant 3 : i32
    %dma_wait3A_196 = arith.constant 0 : i32
    %dma_wait3A_197 = tpu.memref_slice %arg9[%dma_wait3A_195, %dma_wait3A_196] : memref<4x128xi32, #tpu.memory_space<vmem>> -> memref<1x128xi32, #tpu.memory_space<vmem>>
    %dma_wait3A_198 = tpu.memref_squeeze %dma_wait3A_197 : memref<1x128xi32, #tpu.memory_space<vmem>> -> memref<128xi32, #tpu.memory_space<vmem>>
    %dma_wait3A_199 = arith.constant 0 : i32
    %dma_wait3A_200 = arith.constant 0 : i32
    %dma_wait3A_201 = tpu.memref_slice %arg5[%dma_wait3A_199, %dma_wait3A_200] : memref<100000x128xf32, #tpu.memory_space<hbm>> -> memref<100000x128xf32, #tpu.memory_space<hbm>>
    tpu.wait_indirect_dma semaphore(%arg19 : memref<!tpu.dma_semaphore, #tpu.memory_space<semaphore_mem>>) src(%dma_wait3A_201 : memref<100000x128xf32, #tpu.memory_space<hbm>>) dst(%arg14 : memref<128x128xf32, #tpu.memory_space<vmem>>)
    %dma_wait3A_202 = arith.constant 3 : i32
    %dma_wait3A_203 = arith.constant 0 : i32
    %dma_wait3A_204 = tpu.memref_slice %arg9[%dma_wait3A_202, %dma_wait3A_203] : memref<4x128xi32, #tpu.memory_space<vmem>> -> memref<1x128xi32, #tpu.memory_space<vmem>>
    %dma_wait3A_205 = tpu.memref_squeeze %dma_wait3A_204 : memref<1x128xi32, #tpu.memory_space<vmem>> -> memref<128xi32, #tpu.memory_space<vmem>>
    %dma_wait3A_206 = arith.constant 0 : i32
    %dma_wait3A_207 = tpu.memref_slice %arg6[%dma_wait3A_206] : memref<100000xf32, #tpu.memory_space<hbm>> -> memref<100000xf32, #tpu.memory_space<hbm>>
    tpu.wait_indirect_dma semaphore(%arg19 : memref<!tpu.dma_semaphore, #tpu.memory_space<semaphore_mem>>) src(%dma_wait3A_207 : memref<100000xf32, #tpu.memory_space<hbm>>) dst(%arg15 : memref<128xf32, #tpu.memory_space<vmem>>)
    %parallel_loop3A_208 = arith.constant 0 : i32
    %parallel_loop3A_209 = arith.constant 128 : i32
    %parallel_loop3A_210 = arith.constant 1 : i32
    scf.for %parallel_loop3A_216 = %parallel_loop3A_208 to %parallel_loop3A_209 step %parallel_loop3A_210  : i32 {
      %parallel_loop3A_217 = arith.index_cast %parallel_loop3A_216 : i32 to index
      %parallel_loop3A_218 = arith.constant 0 : index
      %parallel_loop3A_219 = tpu.vector_load %arg14[%parallel_loop3A_217, %parallel_loop3A_218] {strides = array<i32>} : memref<128x128xf32, #tpu.memory_space<vmem>>, vector<16xf32>,
      %parallel_loop3A_220 = arith.index_cast %parallel_loop3A_216 : i32 to index
      %parallel_loop3A_221 = arith.constant 16 : index
      %parallel_loop3A_222 = tpu.vector_load %arg14[%parallel_loop3A_220, %parallel_loop3A_221] {strides = array<i32>} : memref<128x128xf32, #tpu.memory_space<vmem>>, vector<16xf32>,
      %parallel_loop3A_223 = arith.index_cast %parallel_loop3A_216 : i32 to index
      %parallel_loop3A_224 = arith.constant 0 : index
      %parallel_loop3A_225 = tpu.vector_load %arg13[%parallel_loop3A_223, %parallel_loop3A_224] {strides = array<i32>} : memref<128x128xf32, #tpu.memory_space<vmem>>, vector<16xf32>,
      %parallel_loop3A_226 = arith.index_cast %parallel_loop3A_216 : i32 to index
      %parallel_loop3A_227 = arith.constant 16 : index
      %parallel_loop3A_228 = tpu.vector_load %arg13[%parallel_loop3A_226, %parallel_loop3A_227] {strides = array<i32>} : memref<128x128xf32, #tpu.memory_space<vmem>>, vector<16xf32>,
      %parallel_loop3A_229 = tpu.pack_subelements %parallel_loop3A_219, %parallel_loop3A_222 {pack_format = #tpu.pack_format<interleaved>, positions = array<i32: 0, 1>} : vector<16xf32>, vector<16xf32> -> vector<32xbf16>
      %parallel_loop3A_230 = arith.constant 0.000000e+00 : bf16
      %parallel_loop3A_231 = vector.broadcast %parallel_loop3A_230 : bf16 to vector<32xbf16>
      %parallel_loop3A_232 = arith.subf %parallel_loop3A_231, %parallel_loop3A_229 : vector<32xbf16>
      %parallel_loop3A_233 = math.exp %parallel_loop3A_232 : vector<32xbf16>
      %parallel_loop3A_234 = tpu.unpack_subelements %parallel_loop3A_233, 0 {pack_format = #tpu.pack_format<interleaved>} : vector<32xbf16> -> vector<16xf32>
      %parallel_loop3A_235 = tpu.unpack_subelements %parallel_loop3A_233, 1 {pack_format = #tpu.pack_format<interleaved>} : vector<32xbf16> -> vector<16xf32>
      %parallel_loop3A_236 = arith.constant 1.000000e+00 : f32
      %parallel_loop3A_237 = vector.broadcast %parallel_loop3A_236 : f32 to vector<16xf32>
      %parallel_loop3A_238 = arith.addf %parallel_loop3A_237, %parallel_loop3A_234 : vector<16xf32>
      %parallel_loop3A_239 = arith.constant 1.000000e+00 : f32
      %parallel_loop3A_240 = vector.broadcast %parallel_loop3A_239 : f32 to vector<16xf32>
      %parallel_loop3A_241 = arith.addf %parallel_loop3A_240, %parallel_loop3A_235 : vector<16xf32>
      %parallel_loop3A_242 = arith.mulf %parallel_loop3A_225, %parallel_loop3A_241 : vector<16xf32>
      %parallel_loop3A_243 = arith.mulf %parallel_loop3A_228, %parallel_loop3A_238 : vector<16xf32>
      %parallel_loop3A_244 = arith.addf %parallel_loop3A_242, %parallel_loop3A_243 : vector<16xf32>
      %parallel_loop3A_245 = arith.mulf %parallel_loop3A_238, %parallel_loop3A_241 : vector<16xf32>
      %parallel_loop3A_246 = arith.index_cast %parallel_loop3A_216 : i32 to index
      %parallel_loop3A_247 = arith.constant 32 : index
      %parallel_loop3A_248 = tpu.vector_load %arg14[%parallel_loop3A_246, %parallel_loop3A_247] {strides = array<i32>} : memref<128x128xf32, #tpu.memory_space<vmem>>, vector<16xf32>,
      %parallel_loop3A_249 = arith.index_cast %parallel_loop3A_216 : i32 to index
      %parallel_loop3A_250 = arith.constant 48 : index
      %parallel_loop3A_251 = tpu.vector_load %arg14[%parallel_loop3A_249, %parallel_loop3A_250] {strides = array<i32>} : memref<128x128xf32, #tpu.memory_space<vmem>>, vector<16xf32>,
      %parallel_loop3A_252 = arith.index_cast %parallel_loop3A_216 : i32 to index
      %parallel_loop3A_253 = arith.constant 32 : index
      %parallel_loop3A_254 = tpu.vector_load %arg13[%parallel_loop3A_252, %parallel_loop3A_253] {strides = array<i32>} : memref<128x128xf32, #tpu.memory_space<vmem>>, vector<16xf32>,
      %parallel_loop3A_255 = arith.index_cast %parallel_loop3A_216 : i32 to index
      %parallel_loop3A_256 = arith.constant 48 : index
      %parallel_loop3A_257 = tpu.vector_load %arg13[%parallel_loop3A_255, %parallel_loop3A_256] {strides = array<i32>} : memref<128x128xf32, #tpu.memory_space<vmem>>, vector<16xf32>,
      %parallel_loop3A_258 = tpu.pack_subelements %parallel_loop3A_248, %parallel_loop3A_251 {pack_format = #tpu.pack_format<interleaved>, positions = array<i32: 0, 1>} : vector<16xf32>, vector<16xf32> -> vector<32xbf16>
      %parallel_loop3A_259 = arith.constant 0.000000e+00 : bf16
      %parallel_loop3A_260 = vector.broadcast %parallel_loop3A_259 : bf16 to vector<32xbf16>
      %parallel_loop3A_261 = arith.subf %parallel_loop3A_260, %parallel_loop3A_258 : vector<32xbf16>
      %parallel_loop3A_262 = math.exp %parallel_loop3A_261 : vector<32xbf16>
      %parallel_loop3A_263 = tpu.unpack_subelements %parallel_loop3A_262, 0 {pack_format = #tpu.pack_format<interleaved>} : vector<32xbf16> -> vector<16xf32>
      %parallel_loop3A_264 = tpu.unpack_subelements %parallel_loop3A_262, 1 {pack_format = #tpu.pack_format<interleaved>} : vector<32xbf16> -> vector<16xf32>
      %parallel_loop3A_265 = arith.constant 1.000000e+00 : f32
      %parallel_loop3A_266 = vector.broadcast %parallel_loop3A_265 : f32 to vector<16xf32>
      %parallel_loop3A_267 = arith.addf %parallel_loop3A_266, %parallel_loop3A_263 : vector<16xf32>
      %parallel_loop3A_268 = arith.constant 1.000000e+00 : f32
      %parallel_loop3A_269 = vector.broadcast %parallel_loop3A_268 : f32 to vector<16xf32>
      %parallel_loop3A_270 = arith.addf %parallel_loop3A_269, %parallel_loop3A_264 : vector<16xf32>
      %parallel_loop3A_271 = arith.mulf %parallel_loop3A_254, %parallel_loop3A_270 : vector<16xf32>
      %parallel_loop3A_272 = arith.mulf %parallel_loop3A_257, %parallel_loop3A_267 : vector<16xf32>
      %parallel_loop3A_273 = arith.addf %parallel_loop3A_271, %parallel_loop3A_272 : vector<16xf32>
      %parallel_loop3A_274 = arith.mulf %parallel_loop3A_267, %parallel_loop3A_270 : vector<16xf32>
      %parallel_loop3A_275 = arith.mulf %parallel_loop3A_244, %parallel_loop3A_274 : vector<16xf32>
      %parallel_loop3A_276 = arith.mulf %parallel_loop3A_273, %parallel_loop3A_245 : vector<16xf32>
      %parallel_loop3A_277 = arith.addf %parallel_loop3A_275, %parallel_loop3A_276 : vector<16xf32>
      %parallel_loop3A_278 = arith.mulf %parallel_loop3A_245, %parallel_loop3A_274 : vector<16xf32>
      %parallel_loop3A_279 = arith.index_cast %parallel_loop3A_216 : i32 to index
      %parallel_loop3A_280 = arith.constant 64 : index
      %parallel_loop3A_281 = tpu.vector_load %arg14[%parallel_loop3A_279, %parallel_loop3A_280] {strides = array<i32>} : memref<128x128xf32, #tpu.memory_space<vmem>>, vector<16xf32>,
      %parallel_loop3A_282 = arith.index_cast %parallel_loop3A_216 : i32 to index
      %parallel_loop3A_283 = arith.constant 80 : index
      %parallel_loop3A_284 = tpu.vector_load %arg14[%parallel_loop3A_282, %parallel_loop3A_283] {strides = array<i32>} : memref<128x128xf32, #tpu.memory_space<vmem>>, vector<16xf32>,
      %parallel_loop3A_285 = arith.index_cast %parallel_loop3A_216 : i32 to index
      %parallel_loop3A_286 = arith.constant 64 : index
      %parallel_loop3A_287 = tpu.vector_load %arg13[%parallel_loop3A_285, %parallel_loop3A_286] {strides = array<i32>} : memref<128x128xf32, #tpu.memory_space<vmem>>, vector<16xf32>,
      %parallel_loop3A_288 = arith.index_cast %parallel_loop3A_216 : i32 to index
      %parallel_loop3A_289 = arith.constant 80 : index
      %parallel_loop3A_290 = tpu.vector_load %arg13[%parallel_loop3A_288, %parallel_loop3A_289] {strides = array<i32>} : memref<128x128xf32, #tpu.memory_space<vmem>>, vector<16xf32>,
      %parallel_loop3A_291 = tpu.pack_subelements %parallel_loop3A_281, %parallel_loop3A_284 {pack_format = #tpu.pack_format<interleaved>, positions = array<i32: 0, 1>} : vector<16xf32>, vector<16xf32> -> vector<32xbf16>
      %parallel_loop3A_292 = arith.constant 0.000000e+00 : bf16
      %parallel_loop3A_293 = vector.broadcast %parallel_loop3A_292 : bf16 to vector<32xbf16>
      %parallel_loop3A_294 = arith.subf %parallel_loop3A_293, %parallel_loop3A_291 : vector<32xbf16>
      %parallel_loop3A_295 = math.exp %parallel_loop3A_294 : vector<32xbf16>
      %parallel_loop3A_296 = tpu.unpack_subelements %parallel_loop3A_295, 0 {pack_format = #tpu.pack_format<interleaved>} : vector<32xbf16> -> vector<16xf32>
      %parallel_loop3A_297 = tpu.unpack_subelements %parallel_loop3A_295, 1 {pack_format = #tpu.pack_format<interleaved>} : vector<32xbf16> -> vector<16xf32>
      %parallel_loop3A_298 = arith.constant 1.000000e+00 : f32
      %parallel_loop3A_299 = vector.broadcast %parallel_loop3A_298 : f32 to vector<16xf32>
      %parallel_loop3A_300 = arith.addf %parallel_loop3A_299, %parallel_loop3A_296 : vector<16xf32>
      %parallel_loop3A_301 = arith.constant 1.000000e+00 : f32
      %parallel_loop3A_302 = vector.broadcast %parallel_loop3A_301 : f32 to vector<16xf32>
      %parallel_loop3A_303 = arith.addf %parallel_loop3A_302, %parallel_loop3A_297 : vector<16xf32>
      %parallel_loop3A_304 = arith.mulf %parallel_loop3A_287, %parallel_loop3A_303 : vector<16xf32>
      %parallel_loop3A_305 = arith.mulf %parallel_loop3A_290, %parallel_loop3A_300 : vector<16xf32>
      %parallel_loop3A_306 = arith.addf %parallel_loop3A_304, %parallel_loop3A_305 : vector<16xf32>
      %parallel_loop3A_307 = arith.mulf %parallel_loop3A_300, %parallel_loop3A_303 : vector<16xf32>
      %parallel_loop3A_308 = arith.mulf %parallel_loop3A_277, %parallel_loop3A_307 : vector<16xf32>
      %parallel_loop3A_309 = arith.mulf %parallel_loop3A_306, %parallel_loop3A_278 : vector<16xf32>
      %parallel_loop3A_310 = arith.addf %parallel_loop3A_308, %parallel_loop3A_309 : vector<16xf32>
      %parallel_loop3A_311 = arith.mulf %parallel_loop3A_278, %parallel_loop3A_307 : vector<16xf32>
      %parallel_loop3A_312 = arith.index_cast %parallel_loop3A_216 : i32 to index
      %parallel_loop3A_313 = arith.constant 96 : index
      %parallel_loop3A_314 = tpu.vector_load %arg14[%parallel_loop3A_312, %parallel_loop3A_313] {strides = array<i32>} : memref<128x128xf32, #tpu.memory_space<vmem>>, vector<16xf32>,
      %parallel_loop3A_315 = arith.index_cast %parallel_loop3A_216 : i32 to index
      %parallel_loop3A_316 = arith.constant 112 : index
      %parallel_loop3A_317 = tpu.vector_load %arg14[%parallel_loop3A_315, %parallel_loop3A_316] {strides = array<i32>} : memref<128x128xf32, #tpu.memory_space<vmem>>, vector<16xf32>,
      %parallel_loop3A_318 = arith.index_cast %parallel_loop3A_216 : i32 to index
      %parallel_loop3A_319 = arith.constant 96 : index
      %parallel_loop3A_320 = tpu.vector_load %arg13[%parallel_loop3A_318, %parallel_loop3A_319] {strides = array<i32>} : memref<128x128xf32, #tpu.memory_space<vmem>>, vector<16xf32>,
      %parallel_loop3A_321 = arith.index_cast %parallel_loop3A_216 : i32 to index
      %parallel_loop3A_322 = arith.constant 112 : index
      %parallel_loop3A_323 = tpu.vector_load %arg13[%parallel_loop3A_321, %parallel_loop3A_322] {strides = array<i32>} : memref<128x128xf32, #tpu.memory_space<vmem>>, vector<16xf32>,
      %parallel_loop3A_324 = tpu.pack_subelements %parallel_loop3A_314, %parallel_loop3A_317 {pack_format = #tpu.pack_format<interleaved>, positions = array<i32: 0, 1>} : vector<16xf32>, vector<16xf32> -> vector<32xbf16>
      %parallel_loop3A_325 = arith.constant 0.000000e+00 : bf16
      %parallel_loop3A_326 = vector.broadcast %parallel_loop3A_325 : bf16 to vector<32xbf16>
      %parallel_loop3A_327 = arith.subf %parallel_loop3A_326, %parallel_loop3A_324 : vector<32xbf16>
      %parallel_loop3A_328 = math.exp %parallel_loop3A_327 : vector<32xbf16>
      %parallel_loop3A_329 = tpu.unpack_subelements %parallel_loop3A_328, 0 {pack_format = #tpu.pack_format<interleaved>} : vector<32xbf16> -> vector<16xf32>
      %parallel_loop3A_330 = tpu.unpack_subelements %parallel_loop3A_328, 1 {pack_format = #tpu.pack_format<interleaved>} : vector<32xbf16> -> vector<16xf32>
      %parallel_loop3A_331 = arith.constant 1.000000e+00 : f32
      %parallel_loop3A_332 = vector.broadcast %parallel_loop3A_331 : f32 to vector<16xf32>
      %parallel_loop3A_333 = arith.addf %parallel_loop3A_332, %parallel_loop3A_329 : vector<16xf32>
      %parallel_loop3A_334 = arith.constant 1.000000e+00 : f32
      %parallel_loop3A_335 = vector.broadcast %parallel_loop3A_334 : f32 to vector<16xf32>
      %parallel_loop3A_336 = arith.addf %parallel_loop3A_335, %parallel_loop3A_330 : vector<16xf32>
      %parallel_loop3A_337 = arith.mulf %parallel_loop3A_320, %parallel_loop3A_336 : vector<16xf32>
      %parallel_loop3A_338 = arith.mulf %parallel_loop3A_323, %parallel_loop3A_333 : vector<16xf32>
      %parallel_loop3A_339 = arith.addf %parallel_loop3A_337, %parallel_loop3A_338 : vector<16xf32>
      %parallel_loop3A_340 = arith.mulf %parallel_loop3A_333, %parallel_loop3A_336 : vector<16xf32>
      %parallel_loop3A_341 = arith.mulf %parallel_loop3A_310, %parallel_loop3A_340 : vector<16xf32>
      %parallel_loop3A_342 = arith.mulf %parallel_loop3A_339, %parallel_loop3A_311 : vector<16xf32>
      %parallel_loop3A_343 = arith.addf %parallel_loop3A_341, %parallel_loop3A_342 : vector<16xf32>
      %parallel_loop3A_344 = arith.mulf %parallel_loop3A_311, %parallel_loop3A_340 : vector<16xf32>
      %parallel_loop3A_345 = arith.divf %parallel_loop3A_343, %parallel_loop3A_344 : vector<16xf32>
      %parallel_loop3A_346 = arith.index_cast %parallel_loop3A_216 : i32 to index
      %parallel_loop3A_347 = arith.constant 0 : index
      %parallel_loop3A_348 = tpu.vector_load %arg17[%parallel_loop3A_346, %parallel_loop3A_347] {strides = array<i32>} : memref<128x17xf32, #tpu.memory_space<vmem>>, vector<16xf32>,
      tpu.vector_store %arg17[%parallel_loop3A_346, %parallel_loop3A_347], %parallel_loop3A_345 {strides = array<i32>} : memref<128x17xf32, #tpu.memory_space<vmem>>, vector<16xf32>,
    } {sc.loop_unroll_factor = 1 : i64, sc.parallel_access}
    %parallel_loop3A_211 = arith.constant 0 : i32
    %parallel_loop3A_212 = arith.constant 8 : i32
    %parallel_loop3A_213 = arith.constant 1 : i32
    scf.for %parallel_loop3A_216 = %parallel_loop3A_211 to %parallel_loop3A_212 step %parallel_loop3A_213  : i32 {
      %parallel_loop3A_217 = arith.constant 16 : i32
      %parallel_loop3A_218 = arith.muli %parallel_loop3A_216, %parallel_loop3A_217 : i32
      %parallel_loop3A_219 = vector.broadcast %parallel_loop3A_218 : i32 to vector<16xi32>
      %parallel_loop3A_220 = arith.addi %parallel_loop3A_219, %iota3A : vector<16xi32>
      %parallel_loop3A_221 = arith.constant 0 : i32
      %parallel_loop3A_222 = vector.broadcast %parallel_loop3A_221 : i32 to vector<16xi32>
      %parallel_loop3A_223 = tpu.vector_load_idx %arg17[%parallel_loop3A_220, %parallel_loop3A_222] : memref<128x17xf32, #tpu.memory_space<vmem>>[vector<16xi32>, vector<16xi32>], vector<16xf32>,
      %parallel_loop3A_224 = arith.constant 1 : i32
      %parallel_loop3A_225 = vector.broadcast %parallel_loop3A_224 : i32 to vector<16xi32>
      %parallel_loop3A_226 = tpu.vector_load_idx %arg17[%parallel_loop3A_220, %parallel_loop3A_225] : memref<128x17xf32, #tpu.memory_space<vmem>>[vector<16xi32>, vector<16xi32>], vector<16xf32>,
      %parallel_loop3A_227 = arith.constant 2 : i32
      %parallel_loop3A_228 = vector.broadcast %parallel_loop3A_227 : i32 to vector<16xi32>
      %parallel_loop3A_229 = tpu.vector_load_idx %arg17[%parallel_loop3A_220, %parallel_loop3A_228] : memref<128x17xf32, #tpu.memory_space<vmem>>[vector<16xi32>, vector<16xi32>], vector<16xf32>,
      %parallel_loop3A_230 = arith.constant 3 : i32
      %parallel_loop3A_231 = vector.broadcast %parallel_loop3A_230 : i32 to vector<16xi32>
      %parallel_loop3A_232 = tpu.vector_load_idx %arg17[%parallel_loop3A_220, %parallel_loop3A_231] : memref<128x17xf32, #tpu.memory_space<vmem>>[vector<16xi32>, vector<16xi32>], vector<16xf32>,
      %parallel_loop3A_233 = arith.constant 4 : i32
      %parallel_loop3A_234 = vector.broadcast %parallel_loop3A_233 : i32 to vector<16xi32>
      %parallel_loop3A_235 = tpu.vector_load_idx %arg17[%parallel_loop3A_220, %parallel_loop3A_234] : memref<128x17xf32, #tpu.memory_space<vmem>>[vector<16xi32>, vector<16xi32>], vector<16xf32>,
      %parallel_loop3A_236 = arith.constant 5 : i32
      %parallel_loop3A_237 = vector.broadcast %parallel_loop3A_236 : i32 to vector<16xi32>
      %parallel_loop3A_238 = tpu.vector_load_idx %arg17[%parallel_loop3A_220, %parallel_loop3A_237] : memref<128x17xf32, #tpu.memory_space<vmem>>[vector<16xi32>, vector<16xi32>], vector<16xf32>,
      %parallel_loop3A_239 = arith.constant 6 : i32
      %parallel_loop3A_240 = vector.broadcast %parallel_loop3A_239 : i32 to vector<16xi32>
      %parallel_loop3A_241 = tpu.vector_load_idx %arg17[%parallel_loop3A_220, %parallel_loop3A_240] : memref<128x17xf32, #tpu.memory_space<vmem>>[vector<16xi32>, vector<16xi32>], vector<16xf32>,
      %parallel_loop3A_242 = arith.constant 7 : i32
      %parallel_loop3A_243 = vector.broadcast %parallel_loop3A_242 : i32 to vector<16xi32>
      %parallel_loop3A_244 = tpu.vector_load_idx %arg17[%parallel_loop3A_220, %parallel_loop3A_243] : memref<128x17xf32, #tpu.memory_space<vmem>>[vector<16xi32>, vector<16xi32>], vector<16xf32>,
      %parallel_loop3A_245 = arith.constant 8 : i32
      %parallel_loop3A_246 = vector.broadcast %parallel_loop3A_245 : i32 to vector<16xi32>
      %parallel_loop3A_247 = tpu.vector_load_idx %arg17[%parallel_loop3A_220, %parallel_loop3A_246] : memref<128x17xf32, #tpu.memory_space<vmem>>[vector<16xi32>, vector<16xi32>], vector<16xf32>,
      %parallel_loop3A_248 = arith.constant 9 : i32
      %parallel_loop3A_249 = vector.broadcast %parallel_loop3A_248 : i32 to vector<16xi32>
      %parallel_loop3A_250 = tpu.vector_load_idx %arg17[%parallel_loop3A_220, %parallel_loop3A_249] : memref<128x17xf32, #tpu.memory_space<vmem>>[vector<16xi32>, vector<16xi32>], vector<16xf32>,
      %parallel_loop3A_251 = arith.constant 10 : i32
      %parallel_loop3A_252 = vector.broadcast %parallel_loop3A_251 : i32 to vector<16xi32>
      %parallel_loop3A_253 = tpu.vector_load_idx %arg17[%parallel_loop3A_220, %parallel_loop3A_252] : memref<128x17xf32, #tpu.memory_space<vmem>>[vector<16xi32>, vector<16xi32>], vector<16xf32>,
      %parallel_loop3A_254 = arith.constant 11 : i32
      %parallel_loop3A_255 = vector.broadcast %parallel_loop3A_254 : i32 to vector<16xi32>
      %parallel_loop3A_256 = tpu.vector_load_idx %arg17[%parallel_loop3A_220, %parallel_loop3A_255] : memref<128x17xf32, #tpu.memory_space<vmem>>[vector<16xi32>, vector<16xi32>], vector<16xf32>,
      %parallel_loop3A_257 = arith.constant 12 : i32
      %parallel_loop3A_258 = vector.broadcast %parallel_loop3A_257 : i32 to vector<16xi32>
      %parallel_loop3A_259 = tpu.vector_load_idx %arg17[%parallel_loop3A_220, %parallel_loop3A_258] : memref<128x17xf32, #tpu.memory_space<vmem>>[vector<16xi32>, vector<16xi32>], vector<16xf32>,
      %parallel_loop3A_260 = arith.constant 13 : i32
      %parallel_loop3A_261 = vector.broadcast %parallel_loop3A_260 : i32 to vector<16xi32>
      %parallel_loop3A_262 = tpu.vector_load_idx %arg17[%parallel_loop3A_220, %parallel_loop3A_261] : memref<128x17xf32, #tpu.memory_space<vmem>>[vector<16xi32>, vector<16xi32>], vector<16xf32>,
      %parallel_loop3A_263 = arith.constant 14 : i32
      %parallel_loop3A_264 = vector.broadcast %parallel_loop3A_263 : i32 to vector<16xi32>
      %parallel_loop3A_265 = tpu.vector_load_idx %arg17[%parallel_loop3A_220, %parallel_loop3A_264] : memref<128x17xf32, #tpu.memory_space<vmem>>[vector<16xi32>, vector<16xi32>], vector<16xf32>,
      %parallel_loop3A_266 = arith.constant 15 : i32
      %parallel_loop3A_267 = vector.broadcast %parallel_loop3A_266 : i32 to vector<16xi32>
      %parallel_loop3A_268 = tpu.vector_load_idx %arg17[%parallel_loop3A_220, %parallel_loop3A_267] : memref<128x17xf32, #tpu.memory_space<vmem>>[vector<16xi32>, vector<16xi32>], vector<16xf32>,
      %parallel_loop3A_269 = arith.addf %parallel_loop3A_223, %parallel_loop3A_226 : vector<16xf32>
      %parallel_loop3A_270 = arith.addf %parallel_loop3A_229, %parallel_loop3A_232 : vector<16xf32>
      %parallel_loop3A_271 = arith.addf %parallel_loop3A_235, %parallel_loop3A_238 : vector<16xf32>
      %parallel_loop3A_272 = arith.addf %parallel_loop3A_241, %parallel_loop3A_244 : vector<16xf32>
      %parallel_loop3A_273 = arith.addf %parallel_loop3A_247, %parallel_loop3A_250 : vector<16xf32>
      %parallel_loop3A_274 = arith.addf %parallel_loop3A_253, %parallel_loop3A_256 : vector<16xf32>
      %parallel_loop3A_275 = arith.addf %parallel_loop3A_259, %parallel_loop3A_262 : vector<16xf32>
      %parallel_loop3A_276 = arith.addf %parallel_loop3A_265, %parallel_loop3A_268 : vector<16xf32>
      %parallel_loop3A_277 = arith.addf %parallel_loop3A_269, %parallel_loop3A_270 : vector<16xf32>
      %parallel_loop3A_278 = arith.addf %parallel_loop3A_271, %parallel_loop3A_272 : vector<16xf32>
      %parallel_loop3A_279 = arith.addf %parallel_loop3A_273, %parallel_loop3A_274 : vector<16xf32>
      %parallel_loop3A_280 = arith.addf %parallel_loop3A_275, %parallel_loop3A_276 : vector<16xf32>
      %parallel_loop3A_281 = arith.addf %parallel_loop3A_277, %parallel_loop3A_278 : vector<16xf32>
      %parallel_loop3A_282 = arith.addf %parallel_loop3A_279, %parallel_loop3A_280 : vector<16xf32>
      %parallel_loop3A_283 = arith.addf %parallel_loop3A_281, %parallel_loop3A_282 : vector<16xf32>
      %parallel_loop3A_284 = arith.constant 16 : i32
      %parallel_loop3A_285 = arith.muli %parallel_loop3A_216, %parallel_loop3A_284 : i32
      %parallel_loop3A_286 = arith.index_cast %parallel_loop3A_285 : i32 to index
      %parallel_loop3A_287 = tpu.vector_load %arg15[%parallel_loop3A_286] {strides = array<i32>} : memref<128xf32, #tpu.memory_space<vmem>>, vector<16xf32>,
      %parallel_loop3A_288 = arith.subf %parallel_loop3A_283, %parallel_loop3A_287 : vector<16xf32>
      %parallel_loop3A_289 = arith.constant 0.000000e+00 : f32
      %parallel_loop3A_290 = vector.broadcast %parallel_loop3A_289 : f32 to vector<16xf32>
      %parallel_loop3A_291 = arith.subf %parallel_loop3A_290, %parallel_loop3A_288 : vector<16xf32>
      %parallel_loop3A_292 = math.exp %parallel_loop3A_291 : vector<16xf32>
      %parallel_loop3A_293 = arith.constant 1.000000e+00 : f32
      %parallel_loop3A_294 = vector.broadcast %parallel_loop3A_293 : f32 to vector<16xf32>
      %parallel_loop3A_295 = arith.addf %parallel_loop3A_294, %parallel_loop3A_292 : vector<16xf32>
      %parallel_loop3A_296 = arith.constant 1.000000e+00 : f32
      %parallel_loop3A_297 = vector.broadcast %parallel_loop3A_296 : f32 to vector<16xf32>
      %parallel_loop3A_298 = arith.divf %parallel_loop3A_297, %parallel_loop3A_295 : vector<16xf32>
      %parallel_loop3A_299 = arith.constant 16 : i32
      %parallel_loop3A_300 = arith.muli %parallel_loop3A_216, %parallel_loop3A_299 : i32
      %parallel_loop3A_301 = arith.constant 3 : i32
      %parallel_loop3A_302 = arith.index_cast %parallel_loop3A_301 : i32 to index
      %parallel_loop3A_303 = arith.index_cast %parallel_loop3A_300 : i32 to index
      %parallel_loop3A_304 = tpu.vector_load %arg16[%parallel_loop3A_302, %parallel_loop3A_303] {strides = array<i32>} : memref<4x128xf32, #tpu.memory_space<vmem>>, vector<16xf32>,
      tpu.vector_store %arg16[%parallel_loop3A_302, %parallel_loop3A_303], %parallel_loop3A_298 {strides = array<i32>} : memref<4x128xf32, #tpu.memory_space<vmem>>, vector<16xf32>,
    } {sc.loop_unroll_factor = 1 : i64, sc.parallel_access}
    %mul3A_214 = arith.constant 4 : i32
    %mul3A_215 = arith.muli %add3A, %mul3A_214 : i32
    "tpu.region"() ({
      %run_scoped3A = tpu.sem_alloc : memref<!tpu.dma_semaphore, #tpu.memory_space<semaphore_mem>>
      %dma_start3A_216 = arith.constant 0 : i32
      %dma_start3A_217 = tpu.memref_slice %arg7[%mul3A_215, %dma_start3A_216] : memref<128x128xf32, #tpu.memory_space<hbm>> -> memref<4x128xf32, #tpu.memory_space<hbm>>
      %dma_start3A_218 = arith.constant 0 : i32
      %dma_start3A_219 = tpu.memref_slice %arg7[%mul3A_215, %dma_start3A_218] : memref<128x128xf32, #tpu.memory_space<hbm>> -> memref<4x128xf32, #tpu.memory_space<hbm>>
      tpu.enqueue_dma source(%arg16 : memref<4x128xf32, #tpu.memory_space<vmem>>) target(%dma_start3A_219 : memref<4x128xf32, #tpu.memory_space<hbm>>) target_semaphore(%run_scoped3A : memref<!tpu.dma_semaphore, #tpu.memory_space<semaphore_mem>>)
      %dma_wait3A_220 = arith.constant 0 : i32
      %dma_wait3A_221 = tpu.memref_slice %arg7[%mul3A_215, %dma_wait3A_220] : memref<128x128xf32, #tpu.memory_space<hbm>> -> memref<4x128xf32, #tpu.memory_space<hbm>>
      %dma_wait3A_222 = arith.constant 0 : i32
      %dma_wait3A_223 = tpu.memref_slice %arg7[%mul3A_215, %dma_wait3A_222] : memref<128x128xf32, #tpu.memory_space<hbm>> -> memref<4x128xf32, #tpu.memory_space<hbm>>
      tpu.wait_dma2 semaphore(%run_scoped3A : memref<!tpu.dma_semaphore, #tpu.memory_space<semaphore_mem>>) src(%arg16 : memref<4x128xf32, #tpu.memory_space<vmem>>) dst(%dma_wait3A_223 : memref<4x128xf32, #tpu.memory_space<hbm>>)
      tpu.yield
    }) : () -> ()
    return
  }
}

</mosaic_0001>

<sc_bundles>
// kernel: kernel.3.cloned.1.call-start
scs
__scs_entry_jumppad:
0x0: {  	(pc) =	sbr.rel $0x88, $3  }
0x1: {  	(tag) =	ssettag $0x0;
	lr =	simm.s32 $0x1  }
0x2: {  	[smem:$0x3F9C] =	sst lr;
	_ =	strace $0xD0000000  }
0x3: {  	_ = 	snop  }
0x4: {  	_ = 	snop  }
0x5: {  	_ = 	snop  }
0x6: {  	_ = 	snop  }
0x7: {  	_ = 	snop  }
__scs_overlays_trampoline_lowered:
0x8: {  	[smem:$0x3FAB] =	sst s0  }
0x9: {  	[smem:$0x3FAC] =	sst s1  }
0xa: {  	[smem:$0x3FAD] =	sst s2  }
0xb: {  	[smem:$0x3FAE] =	sst s3  }
0xc: {  	[smem:$0x3FAF] =	sst s4  }
0xd: {  	[smem:$0x3FB0] =	sst s5  }
0xe: {  	[smem:$0x3FB1] =	sst s6  }
0xf: {  	[smem:$0x3FB2] =	sst s7  }
0x10: {  	[smem:$0x3FB3] =	sst s8  }
0x11: {  	[smem:$0x3FB4] =	sst s9;
	s0 =	simm.s32 @!p0 $0x0  }
0x12: {  	s1 =	sld [smem:$0x3F9A];
	s0 =	simm.s32 @p0 $0x1  }
0x13: {  	[smem:$0x3FB5] =	sst s0;
	s0 =	simm.s32 @!p1 $0x0  }
0x14: {  	s2 =	sld [smem:$0x3F99];
	s0 =	simm.s32 @p1 $0x1  }
0x15: {  	[smem:$0x3FB6] =	sst s0;
	s0 =	simm.s32 @!p2 $0x0  }
0x16: {  	s3 =	sld [smem:$0x3FDB];
	s0 =	simm.s32 @p2 $0x1  }
0x17: {  	s4 =	simm.s32 $0x1BF5;
	[smem:$0x3FB8] =	sst s0  }
0x18: {  	s0 =	sld [smem:$0x3F9B];
	_ =	swait.ge [sflag:s4], $0x0  }
0x19: {  	s7 =	sld [smem:$0x3F9C]  }
0x1a: {  	s8 =	sadd.s32 $0xFFFFE003, lr  }
0x1b: {  	s9 =	sadd.s32 $0xFFFFFEF7, lr;
	s5 =	simm.s32 $0xFFFFFFFF;
	p2 =	slt.u32 s8, $0xFFFFF086  }
0x1c: {  	p1 =	slt.u32 s9, $0xF7A;
	s5 =	simm.s32 @!p2 $0x0  }
0x1d: {  	s5 =	simm.s32 @p1 $0x1;
	p0 =	seq.s32 s7, s2  }
0x1e: {  	s7 =	smul.u32 @!p0 $0xF7A, s2;
	p2 =	seq.s32 @!p0 s5, $0x0  }
0x1f: {  	s9 =	smul.u32 $0xF7A, s1;
	s8 =	simm.s32 @!p0 $0x1BF5;
	p2 =	por !p2, p0  }
0x20: {  	[sflag:s8] =	ssyncset.s32 @!p0 $0xFFFFF086;
	s6 =	sadd.s32 @!p0 s3, s7;
	s7 =	simm.s32 @!p0 $0x108  }
0x21: {  	s3 =	sadd.s32 s3, s9;
	s6 =	sadd.s32 @!p0 $0x88, s6;
	s7 =	simm.s32 @p2 $0x1082  }
0x22: {  	[simem:s7], [sflag:s8] =	dma.local @!p0 [hbm:s6], $0xF7A  }
0x23: {  	s9 =	sor.u32 $0xD0000000, s2;
	s6 =	simm.s32 $0x108;
	_ =	swait.ge @!p0 [sflag:s8], $0x0  }
0x24: {  	s3 =	sadd.s32 $0x88, s3;
	s6 =	simm.s32 @!p1 $0x1082;
	[sflag:s4] =	ssyncset.s32 $0xFFFFF086  }
0x25: {  	[simem:s6], [sflag:s4] =	dma.local [hbm:s3], $0xF7A  }
0x26: {  	[smem:$0x3F9C] =	sst s1;
	(tag) =	ssettag s2;
	_ =	strace s9  }
0x27: {  	s1 =	sld [smem:$0x3FAC]  }
0x28: {  	s2 =	sld [smem:$0x3FAD]  }
0x29: {  	s4 =	sld [smem:$0x3FAF]  }
0x2a: {  	p0 =	seq.s32 s5, $0x0;
	s5 =	sld [smem:$0x3FB0]  }
0x2b: {  	s6 =	sld [smem:$0x3FB1]  }
0x2c: {  	s7 =	sld [smem:$0x3FB2]  }
0x2d: {  	s3 =	simm.s32 $0x108;
	s8 =	sld [smem:$0x3FB3]  }
0x2e: {  	s3 =	simm.s32 @!p0 $0x1082;
	s9 =	sld [smem:$0x3FB4]  }
0x2f: {  	lr =	sadd.s32 s0, s3;
	s0 =	sld [smem:$0x3FAB]  }
0x30: {  	s3 =	sld [smem:$0x3FAE]  }
0x31: {  	[smem:$0x3FB7] =	sst s10  }
0x32: {  	s10 =	sld [smem:$0x3FB5];
	_ =	sdelay $0x3  }
0x33: {  	p0 =	seq.s32 s10, $0x1;
	s10 =	sld [smem:$0x3FB7];
	_ =	sdelay $0x3  }
0x34: {  	[smem:$0x3FB7] =	sst s10  }
0x35: {  	s10 =	sld [smem:$0x3FB6];
	_ =	sdelay $0x3  }
0x36: {  	p1 =	seq.s32 s10, $0x1;
	s10 =	sld [smem:$0x3FB7];
	_ =	sdelay $0x3  }
0x37: {  	[smem:$0x3FB7] =	sst s10  }
0x38: {  	s10 =	sld [smem:$0x3FB8]  }
0x39: {  	_ = 	snop;
	(pc) =	sbr.ind lr, $3  }
0x3a: {  	_ = 	snop  }
0x3b: {  	_ = 	snop  }
0x3c: {  	p2 =	seq.s32 s10, $0x1;
	s10 =	sld [smem:$0x3FB7]  }
0x3d: {  	_ =	shalt  }
0x3e: {  	_ =	shalt  }
0x3f: {  	_ =	shalt  }
0x40: {  	_ =	shalt  }
0x41: {  	_ =	shalt  }
0x42: {  	_ =	shalt  }
0x43: {  	_ =	shalt  }
0x44: {  	_ =	shalt  }
0x45: {  	_ =	shalt  }
0x46: {  	_ =	shalt  }
0x47: {  	_ =	shalt  }
0x48: {  	_ =	shalt  }
0x49: {  	_ =	shalt  }
0x4a: {  	_ =	shalt  }
0x4b: {  	_ =	shalt  }
0x4c: {  	_ =	shalt  }
0x4d: {  	_ =	shalt  }
0x4e: {  	_ =	shalt  }
0x4f: {  	_ =	shalt  }
0x50: {  	_ =	shalt  }
0x51: {  	_ =	shalt  }
0x52: {  	_ =	shalt  }
0x53: {  	_ =	shalt  }
0x54: {  	_ =	shalt  }
0x55: {  	_ =	shalt  }
0x56: {  	_ =	shalt  }
0x57: {  	_ =	shalt  }
0x58: {  	_ =	shalt  }
0x59: {  	_ =	shalt  }
0x5a: {  	_ =	shalt  }
0x5b: {  	_ =	shalt  }
0x5c: {  	_ =	shalt  }
0x5d: {  	_ =	shalt  }
0x5e: {  	_ =	shalt  }
0x5f: {  	_ =	shalt  }
0x60: {  	_ =	shalt  }
0x61: {  	_ =	shalt  }
0x62: {  	_ =	shalt  }
0x63: {  	_ =	shalt  }
0x64: {  	_ =	shalt  }
0x65: {  	_ =	shalt  }
0x66: {  	_ =	shalt  }
0x67: {  	_ =	shalt  }
0x68: {  	_ =	shalt  }
0x69: {  	_ =	shalt  }
0x6a: {  	_ =	shalt  }
0x6b: {  	_ =	shalt  }
0x6c: {  	_ =	shalt  }
0x6d: {  	_ =	shalt  }
0x6e: {  	_ =	shalt  }
0x6f: {  	_ =	shalt  }
0x70: {  	_ =	shalt  }
0x71: {  	_ =	shalt  }
0x72: {  	_ =	shalt  }
0x73: {  	_ =	shalt  }
0x74: {  	_ =	shalt  }
0x75: {  	_ =	shalt  }
0x76: {  	_ =	shalt  }
0x77: {  	_ =	shalt  }
0x78: {  	_ =	shalt  }
0x79: {  	_ =	shalt  }
0x7a: {  	_ =	shalt  }
0x7b: {  	_ =	shalt  }
0x7c: {  	_ =	shalt  }
0x7d: {  	_ =	shalt  }
0x7e: {  	_ =	shalt  }
0x7f: {  	_ =	shalt  }
0x80: {  	_ =	shalt  }
0x81: {  	_ =	shalt  }
0x82: {  	_ =	shalt  }
0x83: {  	_ =	shalt  }
0x84: {  	_ =	shalt  }
0x85: {  	_ =	shalt  }
0x86: {  	_ =	shalt  }
0x87: {  	_ =	shalt  }
.Lfunc_end0:
.L_simem_size_0:
called_computation_lowered:
.L_overlay_start_0:
0x88: {  	s2 =	sld [smem:$0x3FD9]  }
0x89: {  	s3 =	sld [smem:$0x3FFE];
	_ =	sdelay $0x1  }
0x8a: {  	s1 =	srdreg.scid  }
0x8b: {  	s0 =	sand.u32 $0x1, s1  }
0x8c: {  	s17 =	sshll.u32 s0, $0xA;
	s2 =	sadd.s32 s3, s2  }
0x8d: {  	s2 =	sadd.s32 s2, s17  }
0x8e: {  	[smem:$0x3FC3] =	sst s2  }
0x8f: {  	_ = 	snop  }
0x90: {  	s2 =	sld [smem:$0x3FC9]  }
0x91: {  	s18 =	sld [smem:$0x3FC8]  }
0x92: {  	s4 =	sld [smem:$0x3FC7]  }
0x93: {  	s5 =	sld [smem:$0x3FC6]  }
0x94: {  	s6 =	sld [smem:$0x3FD0];
	(tm) =	ssettm $0x1  }
0x95: {  	s7 =	sld [smem:$0x3FFB];
	_ =	sdelay $0x3  }
0x96: {  	_ =	strace s7  }
0x97: {  	s7 =	sld [smem:$0x3FFC];
	_ =	sdelay $0x3  }
0x98: {  	_ =	strace s7  }
0x99: {  	s7 =	sld [smem:$0x3FFD];
	_ =	sdelay $0x3  }
0x9a: {  	_ =	strace s7  }
0x9b: {  	_ =	strace $0x8FFFFFFF  }
0x9c: {  	s19 =	sld [smem:$0x3FDB];
	_ =	sdelay $0x1  }
0x9d: {  	s8 =	simm.s32 $_scs_section_size  }
0x9e: {  	s9 =	simm.s32 $_size__tile_overlayer_lowered;
	s10 =	simm.s32 $_tile_overlayer_lowered  }
0x9f: {  	s22 =	simm.s32 $0x1BFF;
	s21 =	sshll.u32 s10, $0x1;
	s7 =	sadd.s32 s8, s19  }
0xa0: {  	s11 =	simm.s32 $0x0;
	s20 =	sshll.u32 s9, $0x1;
	s9 =	sadd.s32 s21, s7  }
0xa1: {  	[timem:s11], [sflag:s22] =	dma.local [hbm:s9], s20  }
0xa2: {  	_ =	swait.ge [sflag:s22], s20  }
0xa3: {  	s8 =	ssub.s32 $0x0, s20;
	[sflag:s22] =	ssyncset.done $0x0  }
0xa4: {  	[sflag:s22] =	ssyncadd.s32 s8;
	_ =	sdelay $0x1  }
0xa5: {  	s23 =	simm.s32 $0x1B8B  }
0xa6: {  	_ =	swait.ge [sflag:s23], $0x1  }
0xa7: {  	[sflag:s23] =	ssyncset.done $0x0  }
0xa8: {  	s25 =	simm.s32 $0x1B8E;
	s24 =	sld [smem:$0x3FFE];
	[sflag:s23] =	ssyncadd.s32 $0xFFFFFFFF  }
0xa9: {  	s26 =	simm.s32 $execute0_lowered;
	[smem:$0x3FD2] =	sst s25  }
0xaa: {  	s9 =	sshll.u32 s26, $0x1;
	_ =	strace $0x80000046;
	[dreg:$0x1] =	wrdreg $0xFFFFFFFF  }
0xab: {  	s28 =	simm.s32 $_size_execute0_lowered;
	s7 =	sadd.s32 s7, s9;
	[dreg:$0x0] =	wrdreg $0x0  }
0xac: {  	s9 =	sshll.u32 s28, $0x1;
	[dreg:$0x2] =	wrdreg s7  }
0xad: {  	[dreg:$0x3] =	wrdreg s9  }
0xae: {  	[dreg:$0x4] =	wrdreg $0xC0  }
0xaf: {  	_ =	task [dreg:s11], $0x5FFFF  }
0xb0: {  	[dreg:$0x1] =	wrdreg $0xFFFFFFFF  }
0xb1: {  	[dreg:$0x0] =	wrdreg $0x60  }
0xb2: {  	[dreg:$0x2] =	wrdreg s2  }
0xb3: {  	[dreg:$0x3] =	wrdreg s18  }
0xb4: {  	[dreg:$0x4] =	wrdreg s4  }
0xb5: {  	[dreg:$0x5] =	wrdreg s5  }
0xb6: {  	[dreg:$0x6] =	wrdreg s24  }
0xb7: {  	[dreg:$0x7] =	wrdreg s6  }
0xb8: {  	[dreg:$0x8] =	wrdreg $0x9  }
0xb9: {  	_ =	task.clear_ibuf [dreg:s11], $0x9FFFF;
	_ =	strace $0x90000046  }
0xba: {  	s29 =	simm.s32 $0x9;
	_ =	strace $0x80000048  }
0xbb: {  	_ =	swait.ge [sflag:s29], $0x1  }
0xbc: {  	[sflag:s29] =	ssyncadd.s32 $0xFFFFFFFF  }
0xbd: {  	_ =	strace $0x90000048  }
0xbe: {  	_ =	sfence  }
0xbf: {  	s30 =	sld [smem:$0x0];
	_ =	sdelay $0x2  }
0xc0: {  	s31 =	sshll.u32 s1, $0xD;
	s1 =	sshrl.u32 s1, $0x2  }
0xc1: {  	s3 =	sand.u32 $0x4000, s31;
	s1 =	sadd.s32 s1, s30  }
0xc2: {  	s0 =	sor.u32 s3, s0;
	s1 =	sshll.u32 s1, $0x11  }
0xc3: {  	s0 =	sor.u32 s1, s0  }
0xc4: {  	s0 =	sadd.s32 $0x8F2B, s0  }
0xc5: {  	[sflag:s0] =	ssyncadd.remote.s32 $0x1  }
0xc6: {  	_ =	sfence.sel $0xFFFF  }
0xc7: {  	[dreg:$0x0] =	wrdreg $0xFFFFFFFF;
	(pc) =	sbr.abs _section_cstart, $3  }
0xc8: {  	[dreg:$0x1] =	wrdreg $0xFFFFFFFF  }
0xc9: {  	_ =	task.clear_ibuf [dreg:s11], $0x2FFFF;
	_ =	strace $0x9FFFFFFF  }
0xca: {  	(tm) =	ssettm $0x7FFFFFFF  }
0xcb: {  	_ =	shalt  }
tec
execute0_lowered:
.L_overlay_start_1:
0x0: {  	(tag) =	ssettag $0x1  }
0x1: {  	s0 =	rddreg [dreg:$0x0]  }
0x2: {  	s4 =	rddreg [dreg:$0x1]  }
0x3: {  	s1 =	rddreg [dreg:$0x2]  }
0x4: {  	s2 =	rddreg [dreg:$0x3]  }
0x5: {  	s3 =	rddreg [dreg:$0x4]  }
0x6: {  	s8 =	rddreg [dreg:$0x5];
	s6 =	srdreg.scid  }
0x7: {  	s5 =	simm.s32 $0x0;
	s10 =	stileid.u32;
	s12 =	simm.s32 $0x2  }
0x8: {  	s13 =	simm.s32 $0x80;
	s14 =	simm.s32 $0x400;
	s15 =	simm.s32 $0x4400  }
0x9: {  	s16 =	simm.s32 $0x8400;
	s17 =	simm.s32 $0x8480;
	s18 =	simm.s32 $0x280  }
0xa: {  	s19 =	simm.s32 $0xC480;
	s20 =	simm.s32 $0x10480;
	s21 =	simm.s32 $0x10700  }
0xb: {  	s23 =	simm.s32 $0x300;
	s25 =	simm.s32 $0x380;
	s26 =	simm.s32 $0x10500  }
0xc: {  	s28 =	simm.s32 $0x3;
	s29 =	simm.s32 $0x0;
	s6 =	sand.u32 $0x1, s6  }
0xd: {  	[smem:$0x7FF] =	sst s5;
	s10 =	sshll.u32 s10, $0x7;
	s7 =	ssub.s32 $0x2, s6  }
0xe: {  	s11 =	sshll.u32 s6, $0x6;
	_ =	strace $0x80000047;
	s9 =	sshrl.u32 s7, $0x1  }
0xf: {  	s30 =	sor.u32 s11, s10;
	s31 =	sadd.s32 s8, s11;
	s11 =	simm.s32 $0x1  }
0x10: {  	v2 =	vlaneseq.u32;
	s9 =	ssub.s32 s7, s9;
	s6 =	sadd.s32 s0, s30;
	s7 =	sadd.s32 s4, s30  }
0x11: {  	v0 =	vimm.bf16 $0.0e+00;
	v1 =	vimm.bf16 $1.4450e+00;
	v2 =	vmul.u32 $0x80, v2;
	s8 =	sadd.s32 s10, s31;
	s10 =	simm.s32 $0x200;
	s9 =	smax.u32 s9, $0x1  }
.LBB2_1:
0x12: {  	[tilespmem:s5], [sflag:$0x1] =	stream.linear.gather [hbm4b:s6+s5], $0x200, $0x38;
	[tilespmem:$0x14700] =	vst v63  }
0x13: {  	_ = 	snop  }
0x14: {  	[tilespmem:s10], [sflag:$0x2] =	stream.linear.gather [hbm4b:s7+s5], $0x200, $0x38;
	[tilespmem:$0x14700] =	vst v63  }
0x15: {  	_ =	swait.ge [sflag:s11], $0x200  }
0x16: {  	[sflag:s11] =	ssyncset.done $0x0  }
0x17: {  	[sflag:s11] =	ssyncadd.s32 $0xFFFFFE00  }
0x18: {  	_ =	swait.ge [sflag:s12], $0x200  }
0x19: {  	[sflag:s12] =	ssyncset.done $0x0  }
0x1a: {  	[sflag:s12] =	ssyncadd.s32 $0xFFFFFE00  }
0x1b: {  	[tilespmem:s14], [sflag:$0x1] =	stream.indirect.gather [hbm4b:s1+s13], $0x80, s5, s13, $0xb8;
	[tilespmem:$0x14700] =	vst v63  }
0x1c: {  	_ = 	snop  }
0x1d: {  	[tilespmem:s15], [sflag:$0x1] =	stream.indirect.gather [hbm4b:s2+s13], $0x80, s10, s13, $0xb8;
	[tilespmem:$0x14700] =	vst v63  }
0x1e: {  	_ = 	snop  }
0x1f: {  	[tilespmem:s16], [sflag:$0x1] =	stream.indirect.gather [hbm4b:s3+s13], $0x1, s10, s13, $0xb8;
	[tilespmem:$0x14700] =	vst v63  }
0x20: {  	_ = 	snop  }
0x21: {  	[tilespmem:s17], [sflag:$0x2] =	stream.indirect.gather [hbm4b:s1+s13], $0x80, s13, s13, $0xb8;
	[tilespmem:$0x14700] =	vst v63  }
0x22: {  	_ = 	snop  }
0x23: {  	[tilespmem:s19], [sflag:$0x2] =	stream.indirect.gather [hbm4b:s2+s13], $0x80, s18, s13, $0xb8;
	[tilespmem:$0x14700] =	vst v63  }
0x24: {  	_ = 	snop  }
0x25: {  	[tilespmem:s20], [sflag:$0x2] =	stream.indirect.gather [hbm4b:s3+s13], $0x1, s18, s13, $0xb8;
	[tilespmem:$0x14700] =	vst v63  }
0x26: {  	_ =	swait.ge [sflag:s11], $0x4000  }
0x27: {  	[sflag:s11] =	ssyncset.done $0x0  }
0x28: {  	[sflag:s11] =	ssyncadd.s32 $0xFFFFC000  }
0x29: {  	_ =	swait.ge [sflag:s11], $0x4000  }
0x2a: {  	[sflag:s11] =	ssyncset.done $0x0  }
0x2b: {  	[sflag:s11] =	ssyncadd.s32 $0xFFFFC000  }
0x2c: {  	_ =	swait.ge [sflag:s11], $0x80  }
0x2d: {  	[sflag:s11] =	ssyncset.done $0x0  }
0x2e: {  	s30 =	simm.s32 $0x0;
	[sflag:s11] =	ssyncadd.s32 $0xFFFFFF80  }
0x2f: {  	v3 =	vld [tilespmem:s30+$0x4470]  }
0x30: {  	v4 =	vld [tilespmem:s30+$0x4460]  }
0x31: {  	v5 =	vld [tilespmem:s30+$0x4430]  }
0x32: {  	v6 =	vld [tilespmem:s30+$0x4420]  }
0x33: {  	v7 =	vld [tilespmem:s30+$0x4410]  }
0x34: {  	v8 =	vld [tilespmem:s30+$0x4400]  }
0x35: {  	v9 =	vld [tilespmem:s30+$0x4450];
	v3 =	vpack.i.f32.bf16 v3, v4  }
0x36: {  	v4 =	vld [tilespmem:s30+$0x4440];
	v3 =	vsub.bf16 v0, v3  }
0x37: {  	v5 =	vpack.i.f32.bf16 v5, v6  }
0x38: {  	s31 =	simm.s32 $0x80;
	v5 =	vsub.bf16 v0, v5;
	v3 =	vmul.bf16 v1, v3  }
0x39: {  	v10 =	vld [tilespmem:s31+$0x4420];
	v6 =	vpack.i.f32.bf16 v7, v8  }
0x3a: {  	v7 =	vld [tilespmem:s31+$0x4470];
	v6 =	vsub.bf16 v0, v6;
	v5 =	vmul.bf16 v1, v5;
	(erf) = vpow2.bf16 v3  }
0x3b: {  	v8 =	vld [tilespmem:s31+$0x4460];
	v3 =	vpack.i.f32.bf16 v9, v4  }
0x3c: {  	v6 =	vmul.bf16 v1, v6;
	v4 =	vld [tilespmem:s31+$0x4450];
	v3 =	vsub.bf16 v0, v3;
	(erf) = vpow2.bf16 v5  }
0x3d: {  	v9 =	vld [tilespmem:s31+$0x4440]  }
0x3e: {  	v5 =	vld [tilespmem:s31+$0x4410];
	v3 =	vmul.bf16 v1, v3;
	(erf) = vpow2.bf16 v6  }
0x3f: {  	v6 =	vld [tilespmem:s31+$0x4430]  }
0x40: {  	(erf) = vpow2.bf16 v3;
	v3 =	vld [tilespmem:s31+$0x4400]  }
0x41: {  	v7 =	vpack.i.f32.bf16 v7, v8  }
0x42: {  	v11 =	vld [tilespmem:s30+$0x420];
	v7 =	vsub.bf16 v0, v7;
	v4 =	vpack.i.f32.bf16 v4, v9  }
0x43: {  	v12 =	vld [tilespmem:s30+$0x450];
	v4 =	vsub.bf16 v0, v4  }
0x44: {  	v14 =	vld [tilespmem:s30+$0x400];
	v7 =	vmul.bf16 v1, v7  }
0x45: {  	v4 =	vmul.bf16 v1, v4;
	v8 =	vpop (erf);
	v3 =	vpack.i.f32.bf16 v5, v3;
	v5 =	vpack.i.f32.bf16 v6, v10;
	v6 =	vld [tilespmem:s30+$0x430]  }
0x46: {  	s0 =	simm.s32 $0x100;
	v17 =	vld [tilespmem:s30+$0x440];
	(erf) = vpow2.bf16 v7;
	v15 =	vunpack.i.u.bf16.f32 v8;
	v5 =	vsub.bf16 v0, v5;
	v10 =	vpop (erf)  }
0x47: {  	v19 =	vld [tilespmem:s0+$0x4470];
	v7 =	vunpack.i.l.bf16.f32 v8;
	v3 =	vsub.bf16 v0, v3;
	v13 =	vunpack.i.l.bf16.f32 v10  }
0x48: {  	v22 =	vld [tilespmem:s0+$0x4450];
	v10 =	vunpack.i.u.bf16.f32 v10;
	v5 =	vmul.bf16 v1, v5;
	v16 =	vpop (erf);
	v13 =	vadd.f32 $1.000000000e+00, v13  }
0x49: {  	v23 =	vld [tilespmem:s0+$0x4410];
	v10 =	vadd.f32 $1.000000000e+00, v10;
	v3 =	vmul.bf16 v1, v3;
	v20 =	vunpack.i.u.bf16.f32 v16  }
0x4a: {  	v24 =	vld [tilespmem:s0+$0x4440];
	v18 =	vpop (erf);
	v20 =	vadd.f32 $1.000000000e+00, v20;
	(erf) = vpow2.bf16 v5;
	v5 =	vmul.f32 v13, v6  }
0x4b: {  	v9 =	vld [tilespmem:s30+$0x410];
	v6 =	vunpack.i.l.bf16.f32 v16;
	v21 =	vunpack.i.u.bf16.f32 v18;
	v18 =	vunpack.i.l.bf16.f32 v18  }
0x4c: {  	v11 =	vmul.f32 v10, v11;
	v16 =	vld [tilespmem:s0+$0x4430];
	v8 =	vadd.f32 $1.000000000e+00, v21;
	v18 =	vadd.f32 $1.000000000e+00, v18  }
0x4d: {  	v25 =	vmul.f32 v13, v10;
	v13 =	vld [tilespmem:s0+$0x4420];
	v10 =	vadd.f32 $1.000000000e+00, v15;
	(erf) = vpow2.bf16 v3  }
0x4e: {  	v15 =	vld [tilespmem:s0+$0x4400];
	v14 =	vmul.f32 v20, v14;
	v3 =	vadd.f32 $1.000000000e+00, v6;
	v6 =	vmul.f32 v18, v8  }
0x4f: {  	v7 =	vadd.f32 $1.000000000e+00, v7;
	v21 =	vld [tilespmem:s0+$0x4460];
	v17 =	vmul.f32 v8, v17;
	(erf) = vpow2.bf16 v4  }
0x50: {  	v5 =	vadd.f32 v5, v11;
	v4 =	vmul.f32 v3, v20;
	v11 =	vmul.f32 v18, v12  }
0x51: {  	v9 =	vmul.f32 v3, v9;
	v8 =	vpack.i.f32.bf16 v22, v24;
	v3 =	vmul.f32 v7, v10  }
0x52: {  	v12 =	vsub.bf16 v0, v8;
	v29 =	vmul.f32 v5, v4;
	v30 =	vadd.f32 v11, v17  }
0x53: {  	v24 =	vld [tilespmem:s31+$0x430];
	v9 =	vadd.f32 v9, v14;
	v11 =	vpack.i.f32.bf16 v16, v13;
	v14 =	vpack.i.f32.bf16 v23, v15  }
0x54: {  	v8 =	vld [tilespmem:s31+$0x420];
	v31 =	vmul.f32 v25, v4;
	v19 =	vpack.i.f32.bf16 v19, v21;
	v15 =	vsub.bf16 v0, v11  }
0x55: {  	v5 =	vld [tilespmem:s0+$0x420];
	v13 =	vpop (erf);
	v11 =	vmul.bf16 v1, v12;
	v17 =	vsub.bf16 v0, v14;
	v19 =	vsub.bf16 v0, v19  }
0x56: {  	v23 =	vld [tilespmem:s30+$0x460];
	v14 =	vunpack.i.u.bf16.f32 v13;
	v9 =	vmul.f32 v25, v9;
	v20 =	vmul.bf16 v1, v15;
	v4 =	vpop (erf)  }
0x57: {  	v16 =	vld [tilespmem:s30+$0x470];
	v26 =	vmul.bf16 v1, v19;
	v18 =	vunpack.i.l.bf16.f32 v4;
	v22 =	vunpack.i.u.bf16.f32 v4  }
0x58: {  	v12 =	vld [tilespmem:s31+$0x410];
	v4 =	vmul.f32 v6, v31;
	v21 =	vpop (erf);
	v18 =	vadd.f32 $1.000000000e+00, v18;
	v19 =	vadd.f32 $1.000000000e+00, v22  }
0x59: {  	v25 =	vld [tilespmem:s31+$0x400];
	v22 =	vmul.bf16 v1, v17;
	v17 =	vadd.f32 v29, v9;
	v9 =	vmul.f32 v30, v31;
	v27 =	vpop (erf)  }
0x5a: {  	s4 =	simm.s32 $0x600;
	v15 =	vld [tilespmem:s31+$0x450];
	v28 =	vunpack.i.u.bf16.f32 v21;
	v30 =	vmul.f32 v3, v4;
	v29 =	vunpack.i.u.bf16.f32 v27  }
.LBB2_2:
0x5b: {  	s22 =	sshra.s32 s4, $0x2;
	p0 =	sne.s32 s4, $0xFE00;
	s4 =	sadd.s32 $0x200, s4;
	v28 =	vadd.f32 $1.000000000e+00, v28;
	v31 =	vld [tilespmem:s31+$0x440];
	v13 =	vunpack.i.l.bf16.f32 v13;
	v23 =	vmul.f32 v10, v23  }
0x5c: {  	v10 =	vadd.f32 $1.000000000e+00, v29;
	v32 =	vld [tilespmem:s22+$0x4470];
	v13 =	vadd.f32 $1.000000000e+00, v13;
	(erf) = vrcp.f32 v30  }
0x5d: {  	v29 =	vld [tilespmem:s22+$0x4450];
	(erf) = vpow2.bf16 v26;
	v24 =	vmul.f32 v18, v24;
	v26 =	vunpack.i.l.bf16.f32 v27  }
0x5e: {  	v21 =	vunpack.i.l.bf16.f32 v21;
	v16 =	vmul.f32 v7, v16;
	v27 =	vld [tilespmem:s22+$0x4460];
	v26 =	vadd.f32 $1.000000000e+00, v26;
	v7 =	vmovc v13  }
0x5f: {  	v13 =	vadd.f32 $1.000000000e+00, v21;
	v30 =	vld [tilespmem:s22+$0x4410];
	(erf) = vpow2.bf16 v20;
	v20 =	vmul.f32 v28, v25  }
0x60: {  	v25 =	vmul.f32 v19, v8;
	v8 =	vmov v5;
	v21 =	vld [tilespmem:s22+$0x4440];
	v33 =	vmul.f32 v26, v10  }
0x61: {  	v18 =	vmul.f32 v18, v19;
	v19 =	vmul.f32 v10, v31;
	v10 =	vadd.f32 $1.000000000e+00, v14;
	v34 =	vld [tilespmem:s22+$0x4430]  }
0x62: {  	v24 =	vadd.f32 v24, v25;
	v14 =	vld [tilespmem:s22+$0x4420];
	(erf) = vpow2.bf16 v22;
	v22 =	vmul.f32 v13, v28  }
0x63: {  	v15 =	vmul.f32 v26, v15;
	v26 =	vmul.f32 v6, v17;
	v6 =	vmovc v33;
	v25 =	vld [tilespmem:s22+$0x4400];
	v27 =	vpack.i.f32.bf16 v32, v27  }
0x64: {  	v5 =	vld [tilespmem:s22+$0x420];
	(erf) = vpow2.bf16 v11;
	v11 =	vmul.f32 v13, v12;
	v12 =	vadd.f32 v16, v23  }
0x65: {  	v9 =	vadd.f32 v9, v26;
	v16 =	vmul.f32 v7, v10;
	v23 =	vpack.i.f32.bf16 v29, v21;
	v17 =	vpop (erf)  }
0x66: {  	v31 =	vadd.f32 v15, v19;
	v29 =	vmul.f32 v24, v22;
	v21 =	vsub.bf16 v0, v23  }
0x67: {  	v9 =	vmul.f32 v3, v9;
	v15 =	vadd.f32 v11, v20;
	v4 =	vmul.f32 v12, v4;
	v13 =	vpop (erf)  }
0x68: {  	v3 =	vmovc v16;
	v11 =	vpack.i.f32.bf16 v34, v14;
	v12 =	vpack.i.f32.bf16 v30, v25;
	v30 =	vmul.f32 v18, v22  }
0x69: {  	v14 =	vsub.bf16 v0, v11;
	v11 =	vmul.bf16 v1, v21;
	v25 =	vmul.f32 v18, v15;
	v19 =	vpop (erf)  }
0x6a: {  	v9 =	vadd.f32 v4, v9;
	v15 =	vsub.bf16 v0, v12;
	v18 =	vunpack.i.l.bf16.f32 v19;
	v16 =	vld [tilespmem:s31+$0x470]  }
.Ltmp0:
0x6b: {  	v22 =	vsub.bf16 v0, v27;
	v19 =	vunpack.i.u.bf16.f32 v19;
	v4 =	vmul.f32 v6, v30;
	v23 =	vld [tilespmem:s31+$0x460];
	(pc) =	sbr.rel @p0 .LBB2_2-.Ltmp0, $4  }
0x6c: {  	v20 =	vmul.bf16 v1, v14;
	v14 =	vunpack.i.u.bf16.f32 v13;
	v9 =	vmul.f32 v9, v17;
	v12 =	vld [tilespmem:s0+$0x410];
	v21 =	vpop (erf)  }
0x6d: {  	v26 =	vmul.bf16 v1, v22;
	v18 =	vadd.f32 $1.000000000e+00, v18;
	v19 =	vadd.f32 $1.000000000e+00, v19;
	v24 =	vld [tilespmem:s0+$0x430]  }
0x6e: {  	v17 =	vadd.f32 v29, v25;
	v22 =	vmul.bf16 v1, v15;
	v28 =	vunpack.i.u.bf16.f32 v21;
	v15 =	vld [tilespmem:s0+$0x450];
	v27 =	vpop (erf);
	[tilespmem:s30+$0x10700] =	vst v9;
	s30 =	smov.u32 s31;
	s31 =	smov.u32 s0;
	s0 =	smov.u32 s22  }
0x6f: {  	v9 =	vmul.f32 v31, v30;
	v30 =	vmul.f32 v3, v4;
	v25 =	vld [tilespmem:s31+$0x400];
	v29 =	vunpack.i.u.bf16.f32 v27  }
0x70: {  	_ = 	snop  }
0x71: {  	(erf) = vrcp.f32 v30  }
0x72: {  	(erf) = vpow2.bf16 v26  }
0x73: {  	v10 =	vmul.f32 v10, v23  }
0x74: {  	v23 =	vadd.f32 $1.000000000e+00, v29;
	v7 =	vmul.f32 v7, v16;
	(erf) = vpow2.bf16 v20  }
0x75: {  	v36 =	vunpack.i.l.bf16.f32 v27;
	v8 =	vmul.f32 v19, v8;
	v6 =	vmul.f32 v6, v17  }
0x76: {  	v13 =	vunpack.i.l.bf16.f32 v13;
	v24 =	vmul.f32 v18, v24;
	(erf) = vpow2.bf16 v22  }
0x77: {  	v18 =	vmul.f32 v18, v19;
	v6 =	vadd.f32 v9, v6;
	v7 =	vadd.f32 v7, v10  }
0x78: {  	v20 =	vadd.f32 $1.000000000e+00, v28;
	v22 =	vld [tilespmem:s31+$0x440];
	(erf) = vpow2.bf16 v11;
	v11 =	vunpack.i.l.bf16.f32 v21  }
0x79: {  	v3 =	vmul.f32 v3, v6;
	v21 =	vadd.f32 $1.000000000e+00, v36;
	v11 =	vadd.f32 $1.000000000e+00, v11  }
0x7a: {  	v14 =	vadd.f32 $1.000000000e+00, v14;
	v4 =	vmul.f32 v7, v4;
	v16 =	vmul.f32 v20, v25  }
0x7b: {  	v13 =	vadd.f32 $1.000000000e+00, v13;
	v15 =	vmul.f32 v21, v15;
	v12 =	vmul.f32 v11, v12  }
0x7c: {  	v8 =	vadd.f32 v24, v8;
	v37 =	vmul.f32 v21, v23;
	v11 =	vmul.f32 v11, v20  }
0x7d: {  	v17 =	vpop (erf);
	v19 =	vmul.f32 v23, v22;
	v22 =	vld [tilespmem:s31+$0x460];
	v12 =	vadd.f32 v12, v16;
	v16 =	vmul.f32 v13, v14  }
0x7e: {  	v20 =	vpop (erf);
	v21 =	vmul.f32 v18, v11;
	v8 =	vmul.f32 v8, v11  }
0x7f: {  	v39 =	vld [tilespmem:s0+$0x400];
	v11 =	vadd.f32 v15, v19;
	v40 =	vunpack.i.u.bf16.f32 v20;
	v20 =	vunpack.i.l.bf16.f32 v20;
	v15 =	vpop (erf)  }
0x80: {  	v12 =	vmul.f32 v18, v12;
	v18 =	vld [tilespmem:s0+$0x430];
	v19 =	vunpack.i.l.bf16.f32 v15;
	v15 =	vunpack.i.u.bf16.f32 v15  }
0x81: {  	v23 =	vmul.f32 v37, v21;
	v11 =	vmul.f32 v11, v21;
	v38 =	vpop (erf);
	v19 =	vadd.f32 $1.000000000e+00, v19  }
0x82: {  	v42 =	vld [tilespmem:s0+$0x410];
	v15 =	vadd.f32 $1.000000000e+00, v15;
	v14 =	vmul.f32 v14, v22;
	v43 =	vunpack.i.u.bf16.f32 v38  }
0x83: {  	v22 =	vunpack.i.l.bf16.f32 v38;
	v48 =	vmul.f32 v16, v23;
	v41 =	vpop (erf);
	v30 =	vadd.f32 $1.000000000e+00, v43  }
0x84: {  	v21 =	vld [tilespmem:s0+$0x450];
	v22 =	vadd.f32 $1.000000000e+00, v22;
	v31 =	vunpack.i.u.bf16.f32 v41;
	v28 =	vunpack.i.l.bf16.f32 v41  }
0x85: {  	v31 =	vadd.f32 $1.000000000e+00, v31;
	v18 =	vmul.f32 v19, v18;
	v26 =	vmul.f32 v30, v39  }
0x86: {  	v44 =	vld [tilespmem:s0+$0x440];
	v28 =	vadd.f32 $1.000000000e+00, v28;
	v19 =	vmul.f32 v19, v15;
	v30 =	vmul.f32 v22, v30  }
0x87: {  	v20 =	vadd.f32 $1.000000000e+00, v20;
	v5 =	vmul.f32 v15, v5;
	v22 =	vmul.f32 v22, v42  }
0x88: {  	v32 =	vld [tilespmem:s31+$0x470];
	v27 =	vadd.f32 $1.000000000e+00, v40;
	v15 =	vmul.f32 v28, v31;
	v45 =	vmul.f32 v19, v30  }
0x89: {  	v49 =	vld [tilespmem:s0+$0x470];
	(erf) = vrcp.f32 v48;
	v5 =	vadd.f32 v18, v5;
	v18 =	vmul.f32 v28, v21  }
0x8a: {  	v21 =	vmul.f32 v20, v27;
	v22 =	vadd.f32 v22, v26;
	v46 =	vmul.f32 v15, v45  }
0x8b: {  	v47 =	vld [tilespmem:s0+$0x460];
	v8 =	vadd.f32 v8, v12;
	v24 =	vmul.f32 v31, v44;
	v5 =	vmul.f32 v5, v30  }
0x8c: {  	v12 =	vmul.f32 v19, v22;
	v19 =	vmul.f32 v21, v46  }
0x8d: {  	v13 =	vmul.f32 v13, v32;
	v8 =	vmul.f32 v37, v8;
	v18 =	vadd.f32 v18, v24  }
0x8e: {  	v10 =	vmul.f32 v20, v49;
	v5 =	vadd.f32 v5, v12;
	(erf) = vrcp.f32 v19  }
0x8f: {  	v6 =	vadd.f32 v13, v14;
	v8 =	vadd.f32 v11, v8;
	v9 =	vmul.f32 v18, v45  }
0x90: {  	v12 =	vmul.f32 v27, v47;
	v5 =	vmul.f32 v15, v5  }
0x91: {  	v6 =	vmul.f32 v6, v23;
	v8 =	vmul.f32 v16, v8  }
0x92: {  	s4 =	simm.s32 $0x0;
	v7 =	vadd.f32 v10, v12;
	v5 =	vadd.f32 v9, v5  }
0x93: {  	v3 =	vadd.f32 v4, v3;
	v6 =	vadd.f32 v6, v8;
	v9 =	vmov s4  }
0x94: {  	v4 =	vmul.f32 v21, v5;
	v5 =	vmul.f32 v7, v46;
	v7 =	vshll.u32 v9, $0x7  }
0x95: {  	v3 =	vmul.f32 v3, v17;
	v8 =	vpop (erf)  }
0x96: {  	v6 =	vmul.f32 v6, v8;
	v4 =	vadd.f32 v5, v4;
	v5 =	vor.u32 v2, v7  }
0x97: {  	[tilespmem:s30+$0x10700] =	vst v3;
	v8 =	vor.u32 $0x1, v5;
	v7 =	vpop (erf)  }
0x98: {  	[tilespmem:s31+$0x10700] =	vst v6;
	v6 =	vor.u32 $0x3, v5;
	v3 =	vmul.f32 v4, v7  }
0x99: {  	v9 =	vor.u32 $0x5, v5  }
0x9a: {  	v10 =	vor.u32 $0x6, v5;
	[tilespmem:s0+$0x10700] =	vst v3  }
0x9b: {  	v11 =	vor.u32 $0x7, v5;
	v7 =	vld.idx.msk [tilespmem:v5+s21+$0x0], $0xffff  }
0x9c: {  	v12 =	vor.u32 $0x8, v5;
	v8 =	vld.idx.msk [tilespmem:v8+s21+$0x0], $0xffff  }
0x9d: {  	v13 =	vor.u32 $0x9, v5;
	v6 =	vld.idx.msk [tilespmem:v6+s21+$0x0], $0xffff  }
0x9e: {  	v14 =	vor.u32 $0xA, v5;
	v9 =	vld.idx.msk [tilespmem:v9+s21+$0x0], $0xffff  }
0x9f: {  	v15 =	vor.u32 $0xB, v5;
	v10 =	vld.idx.msk [tilespmem:v10+s21+$0x0], $0xffff  }
0xa0: {  	v16 =	vor.u32 $0xC, v5;
	v11 =	vld.idx.msk [tilespmem:v11+s21+$0x0], $0xffff  }
0xa1: {  	s4 =	simm.s32 $0x10;
	v17 =	vor.u32 $0xD, v5;
	v12 =	vld.idx.msk [tilespmem:v12+s21+$0x0], $0xffff  }
0xa2: {  	v19 =	vmov s4;
	v18 =	vor.u32 $0xE, v5;
	v13 =	vld.idx.msk [tilespmem:v13+s21+$0x0], $0xffff  }
0xa3: {  	v19 =	vshll.u32 v19, $0x7;
	v14 =	vld.idx.msk [tilespmem:v14+s21+$0x0], $0xffff  }
0xa4: {  	v19 =	vor.u32 v2, v19;
	v15 =	vld.idx.msk [tilespmem:v15+s21+$0x0], $0xffff  }
0xa5: {  	v4 =	vor.u32 $0x2, v5;
	v16 =	vld.idx.msk [tilespmem:v16+s21+$0x0], $0xffff  }
0xa6: {  	v3 =	vor.u32 $0x4, v5;
	v17 =	vld.idx.msk [tilespmem:v17+s21+$0x0], $0xffff  }
0xa7: {  	s22 =	simm.s32 $0x8400;
	v5 =	vor.u32 $0xF, v5;
	v18 =	vld.idx.msk [tilespmem:v18+s21+$0x0], $0xffff  }
0xa8: {  	v20 =	vor.u32 $0x1, v19;
	v50 =	vld [tilespmem:s22+$0x0]  }
0xa9: {  	v51 =	vld.idx.msk [tilespmem:v19+s21+$0x0], $0xffff  }
0xaa: {  	v23 =	vor.u32 $0x4, v19;
	v4 =	vld.idx.msk [tilespmem:v4+s21+$0x0], $0xffff  }
0xab: {  	v52 =	vor.u32 $0x5, v19;
	v3 =	vld.idx.msk [tilespmem:v3+s21+$0x0], $0xffff  }
0xac: {  	v21 =	vor.u32 $0x2, v19;
	v5 =	vld.idx.msk [tilespmem:v5+s21+$0x0], $0xffff  }
0xad: {  	s30 =	simm.s32 $0x8410;
	v22 =	vor.u32 $0x3, v19;
	v20 =	vld.idx.msk [tilespmem:v20+s21+$0x0], $0xffff;
	v7 =	vadd.f32 v8, v7  }
0xae: {  	v53 =	vor.u32 $0x6, v19;
	v54 =	vld [tilespmem:s30+$0x0];
	v12 =	vadd.f32 v13, v12;
	v13 =	vadd.f32 v15, v14  }
0xaf: {  	v8 =	vor.u32 $0x7, v19;
	v14 =	vld.idx.msk [tilespmem:v23+s21+$0x0], $0xffff;
	v16 =	vadd.f32 v17, v16;
	v4 =	vadd.f32 v6, v4  }
0xb0: {  	v17 =	vld.idx.msk [tilespmem:v52+s21+$0x0], $0xffff;
	v12 =	vadd.f32 v13, v12;
	v13 =	vor.u32 $0xC, v19;
	v3 =	vadd.f32 v9, v3  }
0xb1: {  	v15 =	vor.u32 $0x9, v19;
	v6 =	vld.idx.msk [tilespmem:v21+s21+$0x0], $0xffff;
	v9 =	vadd.f32 v11, v10;
	v5 =	vadd.f32 v5, v18  }
0xb2: {  	v10 =	vld.idx.msk [tilespmem:v22+s21+$0x0], $0xffff;
	v11 =	vor.u32 $0x8, v19;
	v4 =	vadd.f32 v4, v7  }
0xb3: {  	v7 =	vld.idx.msk [tilespmem:v53+s21+$0x0], $0xffff;
	v18 =	vor.u32 $0xA, v19;
	v3 =	vadd.f32 v9, v3;
	v5 =	vadd.f32 v5, v16  }
0xb4: {  	v8 =	vld.idx.msk [tilespmem:v8+s21+$0x0], $0xffff;
	v9 =	vor.u32 $0xB, v19  }
0xb5: {  	s24 =	simm.s32 $0x20;
	v16 =	vor.u32 $0xD, v19;
	v13 =	vld.idx.msk [tilespmem:v13+s21+$0x0], $0xffff;
	v3 =	vadd.f32 v3, v4;
	v4 =	vadd.f32 v5, v12  }
0xb6: {  	v5 =	vld.idx.msk [tilespmem:v15+s21+$0x0], $0xffff;
	v12 =	vor.u32 $0xE, v19;
	v15 =	vmov s24  }
0xb7: {  	v11 =	vld.idx.msk [tilespmem:v11+s21+$0x0], $0xffff;
	v19 =	vor.u32 $0xF, v19;
	v3 =	vadd.f32 v4, v3;
	v4 =	vshll.u32 v15, $0x7  }
0xb8: {  	v18 =	vld.idx.msk [tilespmem:v18+s21+$0x0], $0xffff;
	v4 =	vor.u32 v2, v4  }
0xb9: {  	v9 =	vld.idx.msk [tilespmem:v9+s21+$0x0], $0xffff;
	v3 =	vsub.f32 v50, v3;
	v15 =	vor.u32 $0x1, v4  }
0xba: {  	v16 =	vld.idx.msk [tilespmem:v16+s21+$0x0], $0xffff;
	v21 =	vor.u32 $0x2, v4  }
0xbb: {  	v22 =	vor.u32 $0x3, v4;
	v12 =	vld.idx.msk [tilespmem:v12+s21+$0x0], $0xffff;
	v3 =	vadd.f32 $0.0e+00, v3  }
0xbc: {  	v20 =	vadd.f32 v20, v51;
	v23 =	vor.u32 $0x4, v4;
	v19 =	vld.idx.msk [tilespmem:v19+s21+$0x0], $0xffff  }
0xbd: {  	v6 =	vadd.f32 v10, v6;
	v56 =	vor.u32 $0x5, v4;
	v3 =	vmul.f32 $1.442695020e+00, v3;
	v55 =	vld.idx.msk [tilespmem:v4+s21+$0x0], $0xffff  }
0xbe: {  	v10 =	vadd.f32 v17, v14;
	v7 =	vadd.f32 v8, v7;
	v14 =	vor.u32 $0x8, v4;
	v15 =	vld.idx.msk [tilespmem:v15+s21+$0x0], $0xffff  }
0xbf: {  	v6 =	vadd.f32 v6, v20;
	v21 =	vld.idx.msk [tilespmem:v21+s21+$0x0], $0xffff;
	(erf) = vpow2.f32 v3;
	v3 =	vor.u32 $0x7, v4  }
0xc0: {  	v20 =	vor.u32 $0xD, v4;
	v5 =	vadd.f32 v5, v11;
	v9 =	vadd.f32 v9, v18;
	v8 =	vld.idx.msk [tilespmem:v22+s21+$0x0], $0xffff  }
0xc1: {  	v57 =	vor.u32 $0x6, v4;
	v13 =	vadd.f32 v16, v13;
	v11 =	vld.idx.msk [tilespmem:v23+s21+$0x0], $0xffff;
	v12 =	vadd.f32 v19, v12  }
0xc2: {  	v7 =	vadd.f32 v7, v10;
	v17 =	vor.u32 $0x9, v4;
	v16 =	vld.idx.msk [tilespmem:v56+s21+$0x0], $0xffff  }
0xc3: {  	v18 =	vor.u32 $0xA, v4;
	v5 =	vadd.f32 v9, v5;
	v14 =	vld.idx.msk [tilespmem:v14+s21+$0x0], $0xffff;
	v9 =	vadd.f32 v12, v13  }
0xc4: {  	v10 =	vor.u32 $0xB, v4;
	v12 =	vld.idx.msk [tilespmem:v3+s21+$0x0], $0xffff;
	v3 =	vadd.f32 v7, v6  }
0xc5: {  	v20 =	vld.idx.msk [tilespmem:v20+s21+$0x0], $0xffff;
	v13 =	vor.u32 $0xC, v4;
	v5 =	vadd.f32 v9, v5  }
0xc6: {  	s31 =	simm.s32 $0x30;
	v19 =	vld.idx.msk [tilespmem:v57+s21+$0x0], $0xffff;
	v6 =	vor.u32 $0xE, v4  }
0xc7: {  	v9 =	vld.idx.msk [tilespmem:v17+s21+$0x0], $0xffff;
	v7 =	vmov s31;
	v4 =	vor.u32 $0xF, v4;
	v5 =	vadd.f32 v5, v3  }
0xc8: {  	v17 =	vld.idx.msk [tilespmem:v18+s21+$0x0], $0xffff;
	v7 =	vshll.u32 v7, $0x7;
	v3 =	vpop (erf)  }
0xc9: {  	v18 =	vld.idx.msk [tilespmem:v10+s21+$0x0], $0xffff;
	v5 =	vsub.f32 v54, v5;
	v10 =	vadd.f32 $1.000000000e+00, v3;
	v3 =	vor.u32 v2, v7  }
0xca: {  	v22 =	vld.idx.msk [tilespmem:v13+s21+$0x0], $0xffff;
	v13 =	vor.u32 $0x1, v3  }
0xcb: {  	v58 =	vld.idx.msk [tilespmem:v6+s21+$0x0], $0xffff;
	v23 =	vor.u32 $0x2, v3;
	v5 =	vadd.f32 $0.0e+00, v5;
	(erf) = vrcp.f32 v10  }
0xcc: {  	s0 =	simm.s32 $0x8420;
	v59 =	vld.idx.msk [tilespmem:v4+s21+$0x0], $0xffff;
	v6 =	vor.u32 $0x3, v3  }
0xcd: {  	v7 =	vld [tilespmem:s0+$0x0];
	v60 =	vor.u32 $0x4, v3;
	v5 =	vmul.f32 $1.442695020e+00, v5  }
0xce: {  	v26 =	vadd.f32 v15, v55;
	v61 =	vor.u32 $0x5, v3;
	v10 =	vld.idx.msk [tilespmem:v3+s21+$0x0], $0xffff  }
0xcf: {  	v21 =	vadd.f32 v8, v21;
	v62 =	vor.u32 $0x6, v3;
	(erf) = vpow2.f32 v5;
	v4 =	vld.idx.msk [tilespmem:v13+s21+$0x0], $0xffff  }
0xd0: {  	v11 =	vadd.f32 v16, v11;
	v12 =	vadd.f32 v12, v19;
	v5 =	vld.idx.msk [tilespmem:v23+s21+$0x0], $0xffff;
	v23 =	vor.u32 $0x7, v3  }
0xd1: {  	v63 =	vadd.f32 v9, v14;
	v17 =	vadd.f32 v18, v17;
	v6 =	vld.idx.msk [tilespmem:v6+s21+$0x0], $0xffff;
	v13 =	vor.u32 $0x8, v3  }
0xd2: {  	v14 =	vor.u32 $0x9, v3;
	v22 =	vadd.f32 v20, v22;
	v24 =	vadd.f32 v59, v58;
	v8 =	vld.idx.msk [tilespmem:v60+s21+$0x0], $0xffff  }
0xd3: {  	v18 =	vadd.f32 v21, v26;
	v15 =	vor.u32 $0xA, v3;
	v19 =	vadd.f32 v12, v11;
	v9 =	vld.idx.msk [tilespmem:v61+s21+$0x0], $0xffff  }
0xd4: {  	s4 =	simm.s32 $0x10500;
	v16 =	vor.u32 $0xB, v3;
	v20 =	vadd.f32 v17, v63;
	v11 =	vld.idx.msk [tilespmem:v62+s21+$0x0], $0xffff;
	v21 =	vadd.f32 v24, v22;
	v12 =	vpop (erf)  }
0xd5: {  	s22 =	simm.s32 $0x40;
	v17 =	vor.u32 $0xC, v3;
	[tilespmem:s4+$0x0] =	vst v12;
	v12 =	vld.idx.msk [tilespmem:v23+s21+$0x0], $0xffff  }
.LBB2_4:
0xd6: {  	p0 =	sne.s32 s22, $0x70;
	v22 =	vld.idx.msk [tilespmem:v13+s21+$0x0], $0xffff;
	v13 =	vor.u32 $0xD, v3;
	v18 =	vadd.f32 v19, v18;
	v19 =	vadd.f32 v21, v20  }
0xd7: {  	v20 =	vor.u32 $0xE, v3;
	v14 =	vld.idx.msk [tilespmem:v14+s21+$0x0], $0xffff  }
0xd8: {  	v21 =	vmov s22;
	v23 =	vor.u32 $0xF, v3;
	v15 =	vld.idx.msk [tilespmem:v15+s21+$0x0], $0xffff;
	v18 =	vadd.f32 v19, v18;
	v3 =	vpop (erf)  }
0xd9: {  	v19 =	vshll.u32 v21, $0x7;
	v16 =	vld.idx.msk [tilespmem:v16+s21+$0x0], $0xffff;
	v21 =	vadd.f32 $1.000000000e+00, v3  }
0xda: {  	v3 =	vor.u32 v2, v19;
	v17 =	vld.idx.msk [tilespmem:v17+s21+$0x0], $0xffff;
	v7 =	vsub.f32 v7, v18  }
0xdb: {  	v18 =	vor.u32 $0x1, v3;
	v19 =	vld.idx.msk [tilespmem:v13+s21+$0x0], $0xffff;
	(erf) = vrcp.f32 v21  }
0xdc: {  	v13 =	vor.u32 $0x2, v3;
	v20 =	vld.idx.msk [tilespmem:v20+s21+$0x0], $0xffff;
	v21 =	vadd.f32 $0.0e+00, v7  }
0xdd: {  	s0 =	sadd.s32 $0x10, s0;
	v24 =	vor.u32 $0x3, v3;
	v23 =	vld.idx.msk [tilespmem:v23+s21+$0x0], $0xffff  }
0xde: {  	v25 =	vor.u32 $0x4, v3;
	v7 =	vld [tilespmem:s0+$0x0];
	v21 =	vmul.f32 $1.442695020e+00, v21  }
0xdf: {  	v27 =	vor.u32 $0x5, v3;
	v28 =	vor.u32 $0x6, v3;
	v26 =	vld.idx.msk [tilespmem:v3+s21+$0x0], $0xffff  }
0xe0: {  	v10 =	vadd.f32 v4, v10;
	v4 =	vld.idx.msk [tilespmem:v18+s21+$0x0], $0xffff;
	v18 =	vadd.f32 v6, v5;
	(erf) = vpow2.f32 v21  }
0xe1: {  	v29 =	vor.u32 $0x7, v3;
	v11 =	vadd.f32 v12, v11;
	v21 =	vadd.f32 v9, v8;
	v5 =	vld.idx.msk [tilespmem:v13+s21+$0x0], $0xffff  }
.Ltmp1:
0xe2: {  	v12 =	vadd.f32 v14, v22;
	v22 =	vadd.f32 v16, v15;
	v13 =	vor.u32 $0x8, v3;
	v6 =	vld.idx.msk [tilespmem:v24+s21+$0x0], $0xffff;
	(pc) =	sbr.rel @p0 .LBB2_4-.Ltmp1, $4  }
0xe3: {  	v14 =	vor.u32 $0x9, v3;
	v17 =	vadd.f32 v19, v17;
	v23 =	vadd.f32 v23, v20;
	v8 =	vld.idx.msk [tilespmem:v25+s21+$0x0], $0xffff  }
0xe4: {  	s4 =	sadd.s32 $0x10, s4;
	v15 =	vor.u32 $0xA, v3;
	v18 =	vadd.f32 v18, v10;
	v19 =	vadd.f32 v11, v21;
	v9 =	vld.idx.msk [tilespmem:v27+s21+$0x0], $0xffff;
	v10 =	vpop (erf)  }
0xe5: {  	v16 =	vor.u32 $0xB, v3;
	v20 =	vadd.f32 v22, v12;
	v21 =	vadd.f32 v23, v17;
	v11 =	vld.idx.msk [tilespmem:v28+s21+$0x0], $0xffff;
	[tilespmem:s4+$0x0] =	vst v10  }
0xe6: {  	s22 =	sadd.s32 $0x10, s22;
	v17 =	vor.u32 $0xC, v3;
	v10 =	vmov v26;
	v12 =	vld.idx.msk [tilespmem:v29+s21+$0x0], $0xffff  }
0xe7: {  	_ =	sdelay $0x3  }
0xe8: {  	v13 =	vld.idx.msk [tilespmem:v13+s21+$0x0], $0xffff;
	v22 =	vor.u32 $0xD, v3  }
0xe9: {  	v14 =	vld.idx.msk [tilespmem:v14+s21+$0x0], $0xffff;
	v23 =	vor.u32 $0xE, v3  }
0xea: {  	v18 =	vadd.f32 v19, v18;
	v19 =	vadd.f32 v21, v20;
	v15 =	vld.idx.msk [tilespmem:v15+s21+$0x0], $0xffff;
	v3 =	vor.u32 $0xF, v3  }
0xeb: {  	v16 =	vld.idx.msk [tilespmem:v16+s21+$0x0], $0xffff  }
0xec: {  	v17 =	vld.idx.msk [tilespmem:v17+s21+$0x0], $0xffff;
	v18 =	vadd.f32 v19, v18  }
0xed: {  	v19 =	vld.idx.msk [tilespmem:v22+s21+$0x0], $0xffff  }
0xee: {  	v7 =	vsub.f32 v7, v18;
	v18 =	vld.idx.msk [tilespmem:v23+s21+$0x0], $0xffff  }
0xef: {  	v3 =	vld.idx.msk [tilespmem:v3+s21+$0x0], $0xffff  }
0xf0: {  	v4 =	vadd.f32 v4, v10;
	v5 =	vadd.f32 v6, v5  }
0xf1: {  	v20 =	vpop (erf);
	v6 =	vadd.f32 v9, v8;
	v7 =	vadd.f32 $0.0e+00, v7  }
0xf2: {  	v20 =	vadd.f32 $1.000000000e+00, v20;
	v8 =	vadd.f32 v12, v11  }
0xf3: {  	v9 =	vadd.f32 v14, v13;
	v10 =	vadd.f32 v16, v15;
	v7 =	vmul.f32 $1.442695020e+00, v7  }
0xf4: {  	(erf) = vrcp.f32 v20;
	v11 =	vadd.f32 v19, v17;
	v3 =	vadd.f32 v3, v18  }
0xf5: {  	v4 =	vadd.f32 v5, v4;
	v5 =	vadd.f32 v8, v6;
	(erf) = vpow2.f32 v7  }
0xf6: {  	s0 =	sadd.s32 $0x10, s0;
	v6 =	vadd.f32 v10, v9;
	v3 =	vadd.f32 v3, v11  }
0xf7: {  	v7 =	vld [tilespmem:s0+$0x0]  }
0xf8: {  	v4 =	vadd.f32 v5, v4;
	v3 =	vadd.f32 v3, v6;
	_ =	sdelay $0x1  }
0xf9: {  	v3 =	vadd.f32 v3, v4;
	_ =	sdelay $0x1  }
0xfa: {  	v3 =	vsub.f32 v7, v3  }
0xfb: {  	v4 =	vpop (erf)  }
0xfc: {  	v5 =	vpop (erf);
	v3 =	vadd.f32 $0.0e+00, v3  }
0xfd: {  	v5 =	vadd.f32 $1.000000000e+00, v5  }
0xfe: {  	v3 =	vmul.f32 $1.442695020e+00, v3  }
0xff: {  	(erf) = vrcp.f32 v5  }
0x100: {  	(erf) = vpow2.f32 v3;
	_ =	sdelay $0x7  }
0x101: {  	v3 =	vpop (erf)  }
0x102: {  	v5 =	vpop (erf)  }
0x103: {  	v5 =	vadd.f32 $1.000000000e+00, v5;
	_ =	sdelay $0x1  }
0x104: {  	(erf) = vrcp.f32 v5;
	_ =	sdelay $0x6  }
0x105: {  	s22 =	sadd.s32 $0x10, s4  }
0x106: {  	s0 =	sadd.s32 $0x10, s22;
	[tilespmem:s22+$0x0] =	vst v4  }
0x107: {  	[tilespmem:s0+$0x0] =	vst v3;
	s0 =	sadd.s32 $0x10, s0;
	v3 =	vpop (erf)  }
0x108: {  	s24 =	simm.s32 $0x100;
	[tilespmem:s0+$0x0] =	vst v3  }
0x109: {  	[tilespmem:s14], [sflag:$0x1] =	stream.indirect.gather [hbm4b:s1+s13], $0x80, s24, s13, $0xb8;
	[tilespmem:$0x14700] =	vst v63  }
0x10a: {  	_ = 	snop  }
0x10b: {  	[tilespmem:s15], [sflag:$0x1] =	stream.indirect.gather [hbm4b:s2+s13], $0x80, s23, s13, $0xb8;
	[tilespmem:$0x14700] =	vst v63  }
0x10c: {  	_ = 	snop  }
0x10d: {  	[tilespmem:s16], [sflag:$0x1] =	stream.indirect.gather [hbm4b:s3+s13], $0x1, s23, s13, $0xb8;
	[tilespmem:$0x14700] =	vst v63  }
0x10e: {  	_ =	swait.ge [sflag:s12], $0x4000  }
0x10f: {  	[sflag:s12] =	ssyncset.done $0x0  }
0x110: {  	[sflag:s12] =	ssyncadd.s32 $0xFFFFC000  }
0x111: {  	_ =	swait.ge [sflag:s12], $0x4000  }
0x112: {  	[sflag:s12] =	ssyncset.done $0x0  }
0x113: {  	[sflag:s12] =	ssyncadd.s32 $0xFFFFC000  }
0x114: {  	_ =	swait.ge [sflag:s12], $0x80  }
0x115: {  	[sflag:s12] =	ssyncset.done $0x0  }
0x116: {  	s30 =	simm.s32 $0x0;
	[sflag:s12] =	ssyncadd.s32 $0xFFFFFF80  }
0x117: {  	v3 =	vld [tilespmem:s30+$0xC4F0]  }
0x118: {  	v4 =	vld [tilespmem:s30+$0xC4E0]  }
0x119: {  	v5 =	vld [tilespmem:s30+$0xC4B0]  }
0x11a: {  	v6 =	vld [tilespmem:s30+$0xC4A0]  }
0x11b: {  	v7 =	vld [tilespmem:s30+$0xC490]  }
0x11c: {  	v8 =	vld [tilespmem:s30+$0xC480]  }
0x11d: {  	v9 =	vld [tilespmem:s30+$0xC4D0];
	v3 =	vpack.i.f32.bf16 v3, v4  }
0x11e: {  	v4 =	vld [tilespmem:s30+$0xC4C0];
	v3 =	vsub.bf16 v0, v3  }
0x11f: {  	v5 =	vpack.i.f32.bf16 v5, v6  }
0x120: {  	s31 =	simm.s32 $0x80;
	v5 =	vsub.bf16 v0, v5;
	v3 =	vmul.bf16 v1, v3  }
0x121: {  	v10 =	vld [tilespmem:s31+$0xC4A0];
	v6 =	vpack.i.f32.bf16 v7, v8  }
0x122: {  	v7 =	vld [tilespmem:s31+$0xC4F0];
	v6 =	vsub.bf16 v0, v6;
	v5 =	vmul.bf16 v1, v5;
	(erf) = vpow2.bf16 v3  }
0x123: {  	v8 =	vld [tilespmem:s31+$0xC4E0];
	v3 =	vpack.i.f32.bf16 v9, v4  }
0x124: {  	v6 =	vmul.bf16 v1, v6;
	v4 =	vld [tilespmem:s31+$0xC4D0];
	v3 =	vsub.bf16 v0, v3;
	(erf) = vpow2.bf16 v5  }
0x125: {  	v9 =	vld [tilespmem:s31+$0xC4C0]  }
0x126: {  	v5 =	vld [tilespmem:s31+$0xC490];
	v3 =	vmul.bf16 v1, v3;
	(erf) = vpow2.bf16 v6  }
0x127: {  	v6 =	vld [tilespmem:s31+$0xC4B0]  }
0x128: {  	(erf) = vpow2.bf16 v3;
	v3 =	vld [tilespmem:s31+$0xC480];
	_ =	sdelay $0x1  }
0x129: {  	v11 =	vld [tilespmem:s30+$0x84A0]  }
0x12a: {  	v12 =	vld [tilespmem:s30+$0x8490];
	v4 =	vpack.i.f32.bf16 v4, v9  }
0x12b: {  	s0 =	simm.s32 $0x100;
	v14 =	vld [tilespmem:s30+$0x8480];
	v7 =	vpack.i.f32.bf16 v7, v8;
	v4 =	vsub.bf16 v0, v4  }
0x12c: {  	v19 =	vld [tilespmem:s0+$0xC4F0];
	v7 =	vsub.bf16 v0, v7;
	v8 =	vpop (erf);
	v3 =	vpack.i.f32.bf16 v5, v3;
	v5 =	vpack.i.f32.bf16 v6, v10  }
0x12d: {  	v22 =	vld [tilespmem:s0+$0xC4D0];
	v4 =	vmul.bf16 v1, v4;
	v16 =	vunpack.i.u.bf16.f32 v8;
	v5 =	vsub.bf16 v0, v5;
	v9 =	vpop (erf)  }
0x12e: {  	v23 =	vld [tilespmem:s0+$0xC490];
	v3 =	vsub.bf16 v0, v3;
	v13 =	vunpack.i.l.bf16.f32 v9;
	v9 =	vunpack.i.u.bf16.f32 v9  }
0x12f: {  	v6 =	vld [tilespmem:s30+$0x84B0];
	v15 =	vmul.bf16 v1, v5;
	v17 =	vpop (erf);
	v5 =	vmul.bf16 v1, v7;
	v13 =	vadd.f32 $1.000000000e+00, v13  }
0x130: {  	v24 =	vld [tilespmem:s0+$0xC4C0];
	v9 =	vadd.f32 $1.000000000e+00, v9;
	v3 =	vmul.bf16 v1, v3;
	v20 =	vunpack.i.u.bf16.f32 v17  }
0x131: {  	v25 =	vld [tilespmem:s0+$0xC4A0];
	v18 =	vpop (erf);
	(erf) = vpow2.bf16 v5;
	v20 =	vadd.f32 $1.000000000e+00, v20;
	v5 =	vunpack.i.l.bf16.f32 v8  }
0x132: {  	v7 =	vld [tilespmem:s30+$0x84C0];
	v11 =	vmul.f32 v9, v11;
	v21 =	vunpack.i.u.bf16.f32 v18;
	v5 =	vadd.f32 $1.000000000e+00, v5  }
0x133: {  	v10 =	vld [tilespmem:s30+$0x84D0];
	v18 =	vunpack.i.l.bf16.f32 v18;
	v8 =	vadd.f32 $1.000000000e+00, v21;
	(erf) = vpow2.bf16 v15  }
0x134: {  	v21 =	vld [tilespmem:s0+$0xC4E0];
	v15 =	vmul.f32 v13, v6;
	v18 =	vadd.f32 $1.000000000e+00, v18;
	v14 =	vmul.f32 v20, v14  }
0x135: {  	v6 =	vunpack.i.l.bf16.f32 v17;
	v17 =	vld [tilespmem:s0+$0xC4B0];
	v13 =	vmul.f32 v13, v9;
	(erf) = vpow2.bf16 v3  }
0x136: {  	v9 =	vadd.f32 $1.000000000e+00, v16;
	v16 =	vld [tilespmem:s0+$0xC480];
	v3 =	vadd.f32 $1.000000000e+00, v6;
	v6 =	vmul.f32 v18, v8  }
0x137: {  	v26 =	vmul.f32 v8, v7;
	(erf) = vpow2.bf16 v4  }
0x138: {  	v10 =	vmul.f32 v18, v10;
	v8 =	vpack.i.f32.bf16 v22, v24;
	v7 =	vmul.f32 v5, v9  }
0x139: {  	v20 =	vmul.f32 v3, v20;
	v4 =	vadd.f32 v15, v11;
	v3 =	vmul.f32 v3, v12  }
0x13a: {  	v12 =	vsub.bf16 v0, v8;
	v30 =	vadd.f32 v10, v26;
	v11 =	vpack.i.f32.bf16 v19, v21  }
0x13b: {  	v24 =	vld [tilespmem:s31+$0x84B0];
	v10 =	vpack.i.f32.bf16 v17, v25;
	v15 =	vpack.i.f32.bf16 v23, v16;
	v3 =	vadd.f32 v3, v14  }
0x13c: {  	v8 =	vld [tilespmem:s31+$0x84A0];
	v29 =	vmul.f32 v4, v20;
	v16 =	vmul.f32 v13, v20;
	v17 =	vsub.bf16 v0, v10  }
0x13d: {  	v23 =	vld [tilespmem:s30+$0x84E0];
	v10 =	vmul.bf16 v1, v12;
	v19 =	vsub.bf16 v0, v11;
	v25 =	vmul.f32 v13, v3  }
0x13e: {  	v4 =	vld [tilespmem:s0+$0x84A0];
	v14 =	vpop (erf);
	v13 =	vsub.bf16 v0, v15;
	v3 =	vmul.f32 v6, v16;
	v20 =	vmul.bf16 v1, v17  }
0x13f: {  	v11 =	vld [tilespmem:s31+$0x8490];
	v26 =	vmul.bf16 v1, v19;
	v16 =	vmul.f32 v30, v16;
	v12 =	vpop (erf);
	v17 =	vadd.f32 v29, v25  }
0x140: {  	v15 =	vld [tilespmem:s30+$0x84F0];
	v30 =	vmul.f32 v7, v3;
	v18 =	vunpack.i.l.bf16.f32 v12;
	v21 =	vunpack.i.u.bf16.f32 v12;
	v22 =	vpop (erf)  }
0x141: {  	v25 =	vld [tilespmem:s31+$0x8480];
	v12 =	vunpack.i.u.bf16.f32 v14;
	v18 =	vadd.f32 $1.000000000e+00, v18;
	v19 =	vadd.f32 $1.000000000e+00, v21;
	v27 =	vpop (erf)  }
0x142: {  	s4 =	simm.s32 $0x0;
	s22 =	simm.s32 $0x600;
	v21 =	vmul.bf16 v1, v13;
	v13 =	vld [tilespmem:s31+$0x84D0];
	v28 =	vunpack.i.u.bf16.f32 v22;
	v29 =	vunpack.i.u.bf16.f32 v27  }
.LBB2_6:
0x143: {  	s24 =	sshra.s32 s22, $0x2;
	p0 =	sne.s32 s22, $0xFE00;
	s22 =	sadd.s32 $0x200, s22;
	v28 =	vadd.f32 $1.000000000e+00, v28;
	v31 =	vld [tilespmem:s31+$0x84C0];
	v14 =	vunpack.i.l.bf16.f32 v14;
	v23 =	vmul.f32 v9, v23  }
0x144: {  	v9 =	vadd.f32 $1.000000000e+00, v29;
	v32 =	vld [tilespmem:s24+$0xC4F0];
	v14 =	vadd.f32 $1.000000000e+00, v14;
	(erf) = vrcp.f32 v30  }
0x145: {  	v29 =	vld [tilespmem:s24+$0xC4D0];
	(erf) = vpow2.bf16 v26;
	v24 =	vmul.f32 v18, v24;
	v26 =	vunpack.i.l.bf16.f32 v27  }
0x146: {  	v22 =	vunpack.i.l.bf16.f32 v22;
	v15 =	vmul.f32 v5, v15;
	v27 =	vld [tilespmem:s24+$0xC4E0];
	v26 =	vadd.f32 $1.000000000e+00, v26;
	v5 =	vmovc v14  }
0x147: {  	v14 =	vadd.f32 $1.000000000e+00, v22;
	v30 =	vld [tilespmem:s24+$0xC490];
	(erf) = vpow2.bf16 v20;
	v20 =	vmul.f32 v28, v25  }
0x148: {  	v25 =	vmul.f32 v19, v8;
	v8 =	vmov v4;
	v22 =	vld [tilespmem:s24+$0xC4C0];
	v33 =	vmul.f32 v26, v9  }
0x149: {  	v18 =	vmul.f32 v18, v19;
	v19 =	vmul.f32 v9, v31;
	v9 =	vadd.f32 $1.000000000e+00, v12;
	v34 =	vld [tilespmem:s24+$0xC4B0]  }
0x14a: {  	v24 =	vadd.f32 v24, v25;
	v12 =	vld [tilespmem:s24+$0xC4A0];
	(erf) = vpow2.bf16 v21;
	v21 =	vmul.f32 v14, v28  }
0x14b: {  	v13 =	vmul.f32 v26, v13;
	v26 =	vmul.f32 v6, v17;
	v6 =	vmovc v33;
	v25 =	vld [tilespmem:s24+$0xC480];
	v27 =	vpack.i.f32.bf16 v32, v27  }
0x14c: {  	v4 =	vld [tilespmem:s24+$0x84A0];
	(erf) = vpow2.bf16 v10;
	v10 =	vmul.f32 v14, v11;
	v11 =	vadd.f32 v15, v23  }
0x14d: {  	v16 =	vadd.f32 v16, v26;
	v15 =	vmul.f32 v5, v9;
	v23 =	vpack.i.f32.bf16 v29, v22;
	v17 =	vpop (erf)  }
0x14e: {  	v31 =	vadd.f32 v13, v19;
	v29 =	vmul.f32 v24, v21;
	v22 =	vsub.bf16 v0, v23  }
0x14f: {  	v16 =	vmul.f32 v7, v16;
	v13 =	vadd.f32 v10, v20;
	v3 =	vmul.f32 v11, v3;
	v14 =	vpop (erf)  }
0x150: {  	v7 =	vmovc v15;
	v10 =	vpack.i.f32.bf16 v34, v12;
	v11 =	vpack.i.f32.bf16 v30, v25;
	v30 =	vmul.f32 v18, v21  }
0x151: {  	v12 =	vsub.bf16 v0, v10;
	v10 =	vmul.bf16 v1, v22;
	v25 =	vmul.f32 v18, v13;
	v19 =	vpop (erf)  }
0x152: {  	v16 =	vadd.f32 v3, v16;
	v13 =	vsub.bf16 v0, v11;
	v18 =	vunpack.i.l.bf16.f32 v19;
	v15 =	vld [tilespmem:s31+$0x84F0]  }
.Ltmp2:
0x153: {  	v21 =	vsub.bf16 v0, v27;
	v19 =	vunpack.i.u.bf16.f32 v19;
	v3 =	vmul.f32 v6, v30;
	v23 =	vld [tilespmem:s31+$0x84E0];
	(pc) =	sbr.rel @p0 .LBB2_6-.Ltmp2, $4  }
0x154: {  	v20 =	vmul.bf16 v1, v12;
	v12 =	vunpack.i.u.bf16.f32 v14;
	v16 =	vmul.f32 v16, v17;
	v11 =	vld [tilespmem:s0+$0x8490];
	v22 =	vpop (erf)  }
0x155: {  	v26 =	vmul.bf16 v1, v21;
	v18 =	vadd.f32 $1.000000000e+00, v18;
	v19 =	vadd.f32 $1.000000000e+00, v19;
	v24 =	vld [tilespmem:s0+$0x84B0]  }
0x156: {  	v17 =	vadd.f32 v29, v25;
	v21 =	vmul.bf16 v1, v13;
	v28 =	vunpack.i.u.bf16.f32 v22;
	v13 =	vld [tilespmem:s0+$0x84D0];
	v27 =	vpop (erf);
	[tilespmem:s30+$0x10700] =	vst v16;
	s30 =	smov.u32 s31;
	s31 =	smov.u32 s0;
	s0 =	smov.u32 s24  }
0x157: {  	v16 =	vmul.f32 v31, v30;
	v30 =	vmul.f32 v7, v3;
	v25 =	vld [tilespmem:s31+$0x8480];
	v29 =	vunpack.i.u.bf16.f32 v27  }
0x158: {  	_ = 	snop  }
0x159: {  	(erf) = vrcp.f32 v30  }
0x15a: {  	v14 =	vunpack.i.l.bf16.f32 v14;
	v9 =	vmul.f32 v9, v23;
	(erf) = vpow2.bf16 v26  }
0x15b: {  	v23 =	vunpack.i.l.bf16.f32 v27;
	v5 =	vmul.f32 v5, v15;
	v8 =	vmul.f32 v19, v8  }
0x15c: {  	v12 =	vadd.f32 $1.000000000e+00, v12;
	v6 =	vmul.f32 v6, v17;
	(erf) = vpow2.bf16 v20  }
0x15d: {  	v23 =	vadd.f32 $1.000000000e+00, v23;
	v14 =	vadd.f32 $1.000000000e+00, v14;
	v24 =	vmul.f32 v18, v24  }
0x15e: {  	v39 =	vld [tilespmem:s31+$0x84C0];
	v18 =	vmul.f32 v18, v19;
	v6 =	vadd.f32 v16, v6;
	(erf) = vpow2.bf16 v21  }
0x15f: {  	v46 =	vld [tilespmem:s31+$0x84F0];
	v5 =	vadd.f32 v5, v9;
	v13 =	vmul.f32 v23, v13;
	v20 =	vadd.f32 $1.000000000e+00, v28  }
0x160: {  	v17 =	vmul.f32 v14, v12;
	(erf) = vpow2.bf16 v10;
	v10 =	vunpack.i.l.bf16.f32 v22  }
0x161: {  	v21 =	vadd.f32 $1.000000000e+00, v29;
	v15 =	vmul.f32 v20, v25;
	v10 =	vadd.f32 $1.000000000e+00, v10  }
0x162: {  	v6 =	vmul.f32 v7, v6;
	v3 =	vmul.f32 v5, v3  }
0x163: {  	v19 =	vmul.f32 v21, v39;
	v11 =	vmul.f32 v10, v11  }
0x164: {  	v8 =	vadd.f32 v24, v8;
	v14 =	vmul.f32 v14, v46;
	v16 =	vpop (erf);
	v10 =	vmul.f32 v10, v20  }
0x165: {  	v22 =	vmul.f32 v23, v21;
	v13 =	vadd.f32 v13, v19;
	v20 =	vld [tilespmem:s31+$0x84E0];
	v11 =	vadd.f32 v11, v15;
	v15 =	vpop (erf)  }
0x166: {  	v40 =	vld [tilespmem:s0+$0x8480];
	v8 =	vmul.f32 v8, v10;
	v10 =	vmul.f32 v18, v10;
	v7 =	vpop (erf);
	v41 =	vunpack.i.u.bf16.f32 v15  }
0x167: {  	v15 =	vunpack.i.l.bf16.f32 v15;
	v11 =	vmul.f32 v18, v11;
	v18 =	vld [tilespmem:s0+$0x84B0];
	v19 =	vunpack.i.l.bf16.f32 v7  }
0x168: {  	v7 =	vunpack.i.u.bf16.f32 v7;
	v21 =	vmul.f32 v22, v10;
	v10 =	vmul.f32 v13, v10;
	v23 =	vpop (erf)  }
0x169: {  	v13 =	vld [tilespmem:s0+$0x8490];
	v19 =	vadd.f32 $1.000000000e+00, v19;
	v7 =	vadd.f32 $1.000000000e+00, v7;
	v43 =	vunpack.i.u.bf16.f32 v23  }
0x16a: {  	v12 =	vmul.f32 v12, v20;
	v20 =	vunpack.i.l.bf16.f32 v23;
	v42 =	vpop (erf);
	v27 =	vadd.f32 $1.000000000e+00, v43  }
0x16b: {  	v23 =	vld [tilespmem:s0+$0x84C0];
	v20 =	vadd.f32 $1.000000000e+00, v20;
	v44 =	vunpack.i.u.bf16.f32 v42;
	v26 =	vunpack.i.l.bf16.f32 v42  }
0x16c: {  	v28 =	vadd.f32 $1.000000000e+00, v44;
	v18 =	vmul.f32 v19, v18;
	v24 =	vmul.f32 v27, v40  }
0x16d: {  	v45 =	vld [tilespmem:s0+$0x84D0];
	v26 =	vadd.f32 $1.000000000e+00, v26;
	v19 =	vmul.f32 v19, v7;
	v27 =	vmul.f32 v20, v27  }
0x16e: {  	v15 =	vadd.f32 $1.000000000e+00, v15;
	v4 =	vmul.f32 v7, v4;
	v13 =	vmul.f32 v20, v13  }
0x16f: {  	v25 =	vadd.f32 $1.000000000e+00, v41;
	v7 =	vmul.f32 v26, v28;
	v20 =	vmul.f32 v19, v27  }
0x170: {  	v48 =	vld [tilespmem:s0+$0x84E0];
	v31 =	vmul.f32 v17, v21;
	v23 =	vmul.f32 v28, v23;
	v4 =	vadd.f32 v18, v4  }
0x171: {  	v49 =	vld [tilespmem:s0+$0x84F0];
	v18 =	vmul.f32 v15, v25;
	v13 =	vadd.f32 v13, v24;
	v47 =	vmul.f32 v7, v20  }
0x172: {  	v8 =	vadd.f32 v8, v11;
	v26 =	vmul.f32 v26, v45;
	v4 =	vmul.f32 v4, v27  }
0x173: {  	v11 =	vmul.f32 v19, v13;
	v13 =	vmul.f32 v18, v47  }
0x174: {  	(erf) = vrcp.f32 v31;
	v8 =	vmul.f32 v22, v8  }
0x175: {  	v19 =	vadd.f32 v26, v23;
	v4 =	vadd.f32 v4, v11;
	(erf) = vrcp.f32 v13  }
0x176: {  	v11 =	vmul.f32 v25, v48;
	v13 =	vmul.f32 v15, v49  }
0x177: {  	v5 =	vadd.f32 v14, v12;
	v9 =	vmul.f32 v19, v20;
	v4 =	vmul.f32 v7, v4  }
0x178: {  	v7 =	vadd.f32 v10, v8;
	v8 =	vadd.f32 v13, v11  }
0x179: {  	v3 =	vadd.f32 v3, v6;
	v5 =	vmul.f32 v5, v21;
	v4 =	vadd.f32 v9, v4  }
0x17a: {  	v6 =	vmul.f32 v17, v7;
	v7 =	vmul.f32 v8, v47;
	v8 =	vmov s4  }
0x17b: {  	v4 =	vmul.f32 v18, v4  }
0x17c: {  	v5 =	vadd.f32 v5, v6;
	v6 =	vshll.u32 v8, $0x7  }
0x17d: {  	v3 =	vmul.f32 v3, v16;
	v4 =	vadd.f32 v7, v4;
	v6 =	vor.u32 v2, v6;
	v8 =	vpop (erf)  }
0x17e: {  	v5 =	vmul.f32 v5, v8;
	v8 =	vor.u32 $0x1, v6;
	v7 =	vpop (erf)  }
0x17f: {  	[tilespmem:s30+$0x10700] =	vst v3;
	v9 =	vor.u32 $0x5, v6;
	v3 =	vmul.f32 v4, v7  }
0x180: {  	v10 =	vor.u32 $0x6, v6;
	[tilespmem:s31+$0x10700] =	vst v5  }
0x181: {  	v11 =	vor.u32 $0x7, v6;
	[tilespmem:s0+$0x10700] =	vst v3  }
0x182: {  	v12 =	vor.u32 $0x8, v6;
	v7 =	vld.idx.msk [tilespmem:v6+s21+$0x0], $0xffff  }
0x183: {  	v13 =	vor.u32 $0x9, v6;
	v8 =	vld.idx.msk [tilespmem:v8+s21+$0x0], $0xffff  }
0x184: {  	v14 =	vor.u32 $0xA, v6;
	v9 =	vld.idx.msk [tilespmem:v9+s21+$0x0], $0xffff  }
0x185: {  	v15 =	vor.u32 $0xB, v6;
	v10 =	vld.idx.msk [tilespmem:v10+s21+$0x0], $0xffff  }
0x186: {  	v16 =	vor.u32 $0xC, v6;
	v11 =	vld.idx.msk [tilespmem:v11+s21+$0x0], $0xffff  }
0x187: {  	s4 =	simm.s32 $0x10;
	v17 =	vor.u32 $0xD, v6;
	v12 =	vld.idx.msk [tilespmem:v12+s21+$0x0], $0xffff  }
0x188: {  	v19 =	vmov s4;
	v18 =	vor.u32 $0xE, v6;
	v13 =	vld.idx.msk [tilespmem:v13+s21+$0x0], $0xffff  }
0x189: {  	v19 =	vshll.u32 v19, $0x7;
	v14 =	vld.idx.msk [tilespmem:v14+s21+$0x0], $0xffff  }
0x18a: {  	v19 =	vor.u32 v2, v19;
	v15 =	vld.idx.msk [tilespmem:v15+s21+$0x0], $0xffff  }
0x18b: {  	v4 =	vor.u32 $0x2, v6;
	v16 =	vld.idx.msk [tilespmem:v16+s21+$0x0], $0xffff  }
0x18c: {  	v5 =	vor.u32 $0x3, v6;
	v17 =	vld.idx.msk [tilespmem:v17+s21+$0x0], $0xffff  }
0x18d: {  	s22 =	simm.s32 $0x10480;
	v3 =	vor.u32 $0x4, v6;
	v18 =	vld.idx.msk [tilespmem:v18+s21+$0x0], $0xffff  }
0x18e: {  	v6 =	vor.u32 $0xF, v6;
	v50 =	vld [tilespmem:s22+$0x0]  }
0x18f: {  	v20 =	vor.u32 $0x1, v19;
	v51 =	vld.idx.msk [tilespmem:v19+s21+$0x0], $0xffff  }
0x190: {  	v4 =	vld.idx.msk [tilespmem:v4+s21+$0x0], $0xffff  }
0x191: {  	v23 =	vor.u32 $0x4, v19;
	v5 =	vld.idx.msk [tilespmem:v5+s21+$0x0], $0xffff  }
0x192: {  	v52 =	vor.u32 $0x5, v19;
	v3 =	vld.idx.msk [tilespmem:v3+s21+$0x0], $0xffff  }
0x193: {  	v21 =	vor.u32 $0x2, v19;
	v6 =	vld.idx.msk [tilespmem:v6+s21+$0x0], $0xffff  }
0x194: {  	s30 =	simm.s32 $0x10490;
	v22 =	vor.u32 $0x3, v19;
	v20 =	vld.idx.msk [tilespmem:v20+s21+$0x0], $0xffff;
	v7 =	vadd.f32 v8, v7  }
0x195: {  	v53 =	vor.u32 $0x6, v19;
	v54 =	vld [tilespmem:s30+$0x0];
	v12 =	vadd.f32 v13, v12;
	v13 =	vadd.f32 v15, v14  }
0x196: {  	v8 =	vor.u32 $0x7, v19;
	v14 =	vld.idx.msk [tilespmem:v23+s21+$0x0], $0xffff;
	v16 =	vadd.f32 v17, v16;
	v4 =	vadd.f32 v5, v4  }
0x197: {  	v17 =	vld.idx.msk [tilespmem:v52+s21+$0x0], $0xffff;
	v12 =	vadd.f32 v13, v12;
	v13 =	vor.u32 $0xC, v19;
	v3 =	vadd.f32 v9, v3  }
0x198: {  	v15 =	vor.u32 $0x9, v19;
	v5 =	vld.idx.msk [tilespmem:v21+s21+$0x0], $0xffff;
	v9 =	vadd.f32 v11, v10;
	v6 =	vadd.f32 v6, v18  }
0x199: {  	v10 =	vld.idx.msk [tilespmem:v22+s21+$0x0], $0xffff;
	v11 =	vor.u32 $0x8, v19;
	v4 =	vadd.f32 v4, v7  }
0x19a: {  	v7 =	vld.idx.msk [tilespmem:v53+s21+$0x0], $0xffff;
	v18 =	vor.u32 $0xA, v19;
	v3 =	vadd.f32 v9, v3;
	v6 =	vadd.f32 v6, v16  }
0x19b: {  	v8 =	vld.idx.msk [tilespmem:v8+s21+$0x0], $0xffff;
	v9 =	vor.u32 $0xB, v19  }
0x19c: {  	s24 =	simm.s32 $0x20;
	v16 =	vor.u32 $0xD, v19;
	v13 =	vld.idx.msk [tilespmem:v13+s21+$0x0], $0xffff;
	v3 =	vadd.f32 v3, v4;
	v4 =	vadd.f32 v6, v12  }
0x19d: {  	v6 =	vld.idx.msk [tilespmem:v15+s21+$0x0], $0xffff;
	v12 =	vor.u32 $0xE, v19;
	v15 =	vmov s24  }
0x19e: {  	v11 =	vld.idx.msk [tilespmem:v11+s21+$0x0], $0xffff;
	v19 =	vor.u32 $0xF, v19;
	v3 =	vadd.f32 v4, v3;
	v4 =	vshll.u32 v15, $0x7  }
0x19f: {  	v18 =	vld.idx.msk [tilespmem:v18+s21+$0x0], $0xffff;
	v4 =	vor.u32 v2, v4  }
0x1a0: {  	v9 =	vld.idx.msk [tilespmem:v9+s21+$0x0], $0xffff;
	v3 =	vsub.f32 v50, v3;
	v15 =	vor.u32 $0x1, v4  }
0x1a1: {  	v16 =	vld.idx.msk [tilespmem:v16+s21+$0x0], $0xffff;
	v21 =	vor.u32 $0x2, v4  }
0x1a2: {  	v22 =	vor.u32 $0x3, v4;
	v12 =	vld.idx.msk [tilespmem:v12+s21+$0x0], $0xffff;
	v3 =	vadd.f32 $0.0e+00, v3  }
0x1a3: {  	v20 =	vadd.f32 v20, v51;
	v23 =	vor.u32 $0x4, v4;
	v19 =	vld.idx.msk [tilespmem:v19+s21+$0x0], $0xffff  }
0x1a4: {  	v5 =	vadd.f32 v10, v5;
	v56 =	vor.u32 $0x5, v4;
	v3 =	vmul.f32 $1.442695020e+00, v3;
	v55 =	vld.idx.msk [tilespmem:v4+s21+$0x0], $0xffff  }
0x1a5: {  	v10 =	vadd.f32 v17, v14;
	v7 =	vadd.f32 v8, v7;
	v14 =	vor.u32 $0x8, v4;
	v15 =	vld.idx.msk [tilespmem:v15+s21+$0x0], $0xffff  }
0x1a6: {  	v5 =	vadd.f32 v5, v20;
	v21 =	vld.idx.msk [tilespmem:v21+s21+$0x0], $0xffff;
	(erf) = vpow2.f32 v3;
	v3 =	vor.u32 $0x7, v4  }
0x1a7: {  	v20 =	vor.u32 $0xD, v4;
	v6 =	vadd.f32 v6, v11;
	v9 =	vadd.f32 v9, v18;
	v8 =	vld.idx.msk [tilespmem:v22+s21+$0x0], $0xffff  }
0x1a8: {  	v57 =	vor.u32 $0x6, v4;
	v13 =	vadd.f32 v16, v13;
	v11 =	vld.idx.msk [tilespmem:v23+s21+$0x0], $0xffff;
	v12 =	vadd.f32 v19, v12  }
0x1a9: {  	v7 =	vadd.f32 v7, v10;
	v17 =	vor.u32 $0x9, v4;
	v16 =	vld.idx.msk [tilespmem:v56+s21+$0x0], $0xffff  }
0x1aa: {  	v18 =	vor.u32 $0xA, v4;
	v6 =	vadd.f32 v9, v6;
	v14 =	vld.idx.msk [tilespmem:v14+s21+$0x0], $0xffff;
	v9 =	vadd.f32 v12, v13  }
0x1ab: {  	v10 =	vor.u32 $0xB, v4;
	v12 =	vld.idx.msk [tilespmem:v3+s21+$0x0], $0xffff;
	v3 =	vadd.f32 v7, v5  }
0x1ac: {  	v20 =	vld.idx.msk [tilespmem:v20+s21+$0x0], $0xffff;
	v13 =	vor.u32 $0xC, v4;
	v5 =	vadd.f32 v9, v6  }
0x1ad: {  	s31 =	simm.s32 $0x30;
	v19 =	vld.idx.msk [tilespmem:v57+s21+$0x0], $0xffff;
	v6 =	vor.u32 $0xE, v4  }
0x1ae: {  	v9 =	vld.idx.msk [tilespmem:v17+s21+$0x0], $0xffff;
	v7 =	vmov s31;
	v4 =	vor.u32 $0xF, v4;
	v5 =	vadd.f32 v5, v3  }
0x1af: {  	v17 =	vld.idx.msk [tilespmem:v18+s21+$0x0], $0xffff;
	v7 =	vshll.u32 v7, $0x7;
	v3 =	vpop (erf)  }
0x1b0: {  	v18 =	vld.idx.msk [tilespmem:v10+s21+$0x0], $0xffff;
	v5 =	vsub.f32 v54, v5;
	v10 =	vadd.f32 $1.000000000e+00, v3;
	v3 =	vor.u32 v2, v7  }
0x1b1: {  	v22 =	vld.idx.msk [tilespmem:v13+s21+$0x0], $0xffff;
	v13 =	vor.u32 $0x1, v3  }
0x1b2: {  	v58 =	vld.idx.msk [tilespmem:v6+s21+$0x0], $0xffff;
	v23 =	vor.u32 $0x2, v3;
	v5 =	vadd.f32 $0.0e+00, v5;
	(erf) = vrcp.f32 v10  }
0x1b3: {  	s0 =	simm.s32 $0x104A0;
	v59 =	vld.idx.msk [tilespmem:v4+s21+$0x0], $0xffff;
	v6 =	vor.u32 $0x3, v3  }
0x1b4: {  	v7 =	vld [tilespmem:s0+$0x0];
	v60 =	vor.u32 $0x4, v3;
	v5 =	vmul.f32 $1.442695020e+00, v5  }
0x1b5: {  	v26 =	vadd.f32 v15, v55;
	v61 =	vor.u32 $0x5, v3;
	v10 =	vld.idx.msk [tilespmem:v3+s21+$0x0], $0xffff  }
0x1b6: {  	v21 =	vadd.f32 v8, v21;
	v62 =	vor.u32 $0x6, v3;
	(erf) = vpow2.f32 v5;
	v4 =	vld.idx.msk [tilespmem:v13+s21+$0x0], $0xffff  }
0x1b7: {  	v11 =	vadd.f32 v16, v11;
	v12 =	vadd.f32 v12, v19;
	v5 =	vld.idx.msk [tilespmem:v23+s21+$0x0], $0xffff;
	v23 =	vor.u32 $0x7, v3  }
0x1b8: {  	v63 =	vadd.f32 v9, v14;
	v17 =	vadd.f32 v18, v17;
	v6 =	vld.idx.msk [tilespmem:v6+s21+$0x0], $0xffff;
	v13 =	vor.u32 $0x8, v3  }
0x1b9: {  	v14 =	vor.u32 $0x9, v3;
	v22 =	vadd.f32 v20, v22;
	v24 =	vadd.f32 v59, v58;
	v8 =	vld.idx.msk [tilespmem:v60+s21+$0x0], $0xffff  }
0x1ba: {  	v18 =	vadd.f32 v21, v26;
	v15 =	vor.u32 $0xA, v3;
	v19 =	vadd.f32 v12, v11;
	v9 =	vld.idx.msk [tilespmem:v61+s21+$0x0], $0xffff  }
0x1bb: {  	s4 =	simm.s32 $0x10580;
	v16 =	vor.u32 $0xB, v3;
	v20 =	vadd.f32 v17, v63;
	v11 =	vld.idx.msk [tilespmem:v62+s21+$0x0], $0xffff;
	v21 =	vadd.f32 v24, v22;
	v12 =	vpop (erf)  }
0x1bc: {  	s22 =	simm.s32 $0x40;
	v17 =	vor.u32 $0xC, v3;
	[tilespmem:s4+$0x0] =	vst v12;
	v12 =	vld.idx.msk [tilespmem:v23+s21+$0x0], $0xffff  }
.LBB2_8:
0x1bd: {  	p0 =	sne.s32 s22, $0x70;
	v22 =	vld.idx.msk [tilespmem:v13+s21+$0x0], $0xffff;
	v13 =	vor.u32 $0xD, v3;
	v18 =	vadd.f32 v19, v18;
	v19 =	vadd.f32 v21, v20  }
0x1be: {  	v20 =	vor.u32 $0xE, v3;
	v14 =	vld.idx.msk [tilespmem:v14+s21+$0x0], $0xffff  }
0x1bf: {  	v21 =	vmov s22;
	v23 =	vor.u32 $0xF, v3;
	v15 =	vld.idx.msk [tilespmem:v15+s21+$0x0], $0xffff;
	v18 =	vadd.f32 v19, v18;
	v3 =	vpop (erf)  }
0x1c0: {  	v19 =	vshll.u32 v21, $0x7;
	v16 =	vld.idx.msk [tilespmem:v16+s21+$0x0], $0xffff;
	v21 =	vadd.f32 $1.000000000e+00, v3  }
0x1c1: {  	v3 =	vor.u32 v2, v19;
	v17 =	vld.idx.msk [tilespmem:v17+s21+$0x0], $0xffff;
	v7 =	vsub.f32 v7, v18  }
0x1c2: {  	v18 =	vor.u32 $0x1, v3;
	v19 =	vld.idx.msk [tilespmem:v13+s21+$0x0], $0xffff;
	(erf) = vrcp.f32 v21  }
0x1c3: {  	v13 =	vor.u32 $0x2, v3;
	v20 =	vld.idx.msk [tilespmem:v20+s21+$0x0], $0xffff;
	v21 =	vadd.f32 $0.0e+00, v7  }
0x1c4: {  	s0 =	sadd.s32 $0x10, s0;
	v24 =	vor.u32 $0x3, v3;
	v23 =	vld.idx.msk [tilespmem:v23+s21+$0x0], $0xffff  }
0x1c5: {  	v25 =	vor.u32 $0x4, v3;
	v7 =	vld [tilespmem:s0+$0x0];
	v21 =	vmul.f32 $1.442695020e+00, v21  }
0x1c6: {  	v27 =	vor.u32 $0x5, v3;
	v28 =	vor.u32 $0x6, v3;
	v26 =	vld.idx.msk [tilespmem:v3+s21+$0x0], $0xffff  }
0x1c7: {  	v10 =	vadd.f32 v4, v10;
	v4 =	vld.idx.msk [tilespmem:v18+s21+$0x0], $0xffff;
	v18 =	vadd.f32 v6, v5;
	(erf) = vpow2.f32 v21  }
0x1c8: {  	v29 =	vor.u32 $0x7, v3;
	v11 =	vadd.f32 v12, v11;
	v21 =	vadd.f32 v9, v8;
	v5 =	vld.idx.msk [tilespmem:v13+s21+$0x0], $0xffff  }
.Ltmp3:
0x1c9: {  	v12 =	vadd.f32 v14, v22;
	v22 =	vadd.f32 v16, v15;
	v13 =	vor.u32 $0x8, v3;
	v6 =	vld.idx.msk [tilespmem:v24+s21+$0x0], $0xffff;
	(pc) =	sbr.rel @p0 .LBB2_8-.Ltmp3, $4  }
0x1ca: {  	v14 =	vor.u32 $0x9, v3;
	v17 =	vadd.f32 v19, v17;
	v23 =	vadd.f32 v23, v20;
	v8 =	vld.idx.msk [tilespmem:v25+s21+$0x0], $0xffff  }
0x1cb: {  	s4 =	sadd.s32 $0x10, s4;
	v15 =	vor.u32 $0xA, v3;
	v18 =	vadd.f32 v18, v10;
	v19 =	vadd.f32 v11, v21;
	v9 =	vld.idx.msk [tilespmem:v27+s21+$0x0], $0xffff;
	v10 =	vpop (erf)  }
0x1cc: {  	v16 =	vor.u32 $0xB, v3;
	v20 =	vadd.f32 v22, v12;
	v21 =	vadd.f32 v23, v17;
	v11 =	vld.idx.msk [tilespmem:v28+s21+$0x0], $0xffff;
	[tilespmem:s4+$0x0] =	vst v10  }
0x1cd: {  	s22 =	sadd.s32 $0x10, s22;
	v17 =	vor.u32 $0xC, v3;
	v10 =	vmov v26;
	v12 =	vld.idx.msk [tilespmem:v29+s21+$0x0], $0xffff  }
0x1ce: {  	_ =	sdelay $0x3  }
0x1cf: {  	v13 =	vld.idx.msk [tilespmem:v13+s21+$0x0], $0xffff;
	v22 =	vor.u32 $0xD, v3  }
0x1d0: {  	v14 =	vld.idx.msk [tilespmem:v14+s21+$0x0], $0xffff;
	v23 =	vor.u32 $0xE, v3  }
0x1d1: {  	v18 =	vadd.f32 v19, v18;
	v19 =	vadd.f32 v21, v20;
	v15 =	vld.idx.msk [tilespmem:v15+s21+$0x0], $0xffff;
	v3 =	vor.u32 $0xF, v3  }
0x1d2: {  	v16 =	vld.idx.msk [tilespmem:v16+s21+$0x0], $0xffff  }
0x1d3: {  	v17 =	vld.idx.msk [tilespmem:v17+s21+$0x0], $0xffff;
	v18 =	vadd.f32 v19, v18  }
0x1d4: {  	v19 =	vld.idx.msk [tilespmem:v22+s21+$0x0], $0xffff  }
0x1d5: {  	v7 =	vsub.f32 v7, v18;
	v18 =	vld.idx.msk [tilespmem:v23+s21+$0x0], $0xffff  }
0x1d6: {  	v3 =	vld.idx.msk [tilespmem:v3+s21+$0x0], $0xffff  }
0x1d7: {  	v4 =	vadd.f32 v4, v10;
	v5 =	vadd.f32 v6, v5  }
0x1d8: {  	v20 =	vpop (erf);
	v6 =	vadd.f32 v9, v8;
	v7 =	vadd.f32 $0.0e+00, v7  }
0x1d9: {  	v20 =	vadd.f32 $1.000000000e+00, v20;
	v8 =	vadd.f32 v12, v11  }
0x1da: {  	v9 =	vadd.f32 v14, v13;
	v10 =	vadd.f32 v16, v15;
	v7 =	vmul.f32 $1.442695020e+00, v7  }
0x1db: {  	(erf) = vrcp.f32 v20;
	v11 =	vadd.f32 v19, v17;
	v3 =	vadd.f32 v3, v18  }
0x1dc: {  	v4 =	vadd.f32 v5, v4;
	v5 =	vadd.f32 v8, v6;
	(erf) = vpow2.f32 v7  }
0x1dd: {  	s0 =	sadd.s32 $0x10, s0;
	v6 =	vadd.f32 v10, v9;
	v3 =	vadd.f32 v3, v11  }
0x1de: {  	v7 =	vld [tilespmem:s0+$0x0]  }
0x1df: {  	v4 =	vadd.f32 v5, v4;
	v3 =	vadd.f32 v3, v6;
	_ =	sdelay $0x1  }
0x1e0: {  	v3 =	vadd.f32 v3, v4;
	_ =	sdelay $0x1  }
0x1e1: {  	v3 =	vsub.f32 v7, v3  }
0x1e2: {  	v4 =	vpop (erf)  }
0x1e3: {  	v5 =	vpop (erf);
	v3 =	vadd.f32 $0.0e+00, v3  }
0x1e4: {  	v5 =	vadd.f32 $1.000000000e+00, v5  }
0x1e5: {  	v3 =	vmul.f32 $1.442695020e+00, v3  }
0x1e6: {  	(erf) = vrcp.f32 v5  }
0x1e7: {  	(erf) = vpow2.f32 v3;
	_ =	sdelay $0x7  }
0x1e8: {  	v3 =	vpop (erf)  }
0x1e9: {  	v5 =	vpop (erf)  }
0x1ea: {  	v5 =	vadd.f32 $1.000000000e+00, v5;
	_ =	sdelay $0x1  }
0x1eb: {  	(erf) = vrcp.f32 v5;
	_ =	sdelay $0x6  }
0x1ec: {  	s22 =	sadd.s32 $0x10, s4  }
0x1ed: {  	s0 =	sadd.s32 $0x10, s22;
	[tilespmem:s22+$0x0] =	vst v4  }
0x1ee: {  	[tilespmem:s0+$0x0] =	vst v3;
	s0 =	sadd.s32 $0x10, s0;
	v3 =	vpop (erf)  }
0x1ef: {  	s24 =	simm.s32 $0x180;
	[tilespmem:s0+$0x0] =	vst v3  }
0x1f0: {  	[tilespmem:s17], [sflag:$0x2] =	stream.indirect.gather [hbm4b:s1+s13], $0x80, s24, s13, $0xb8;
	[tilespmem:$0x14700] =	vst v63  }
0x1f1: {  	_ = 	snop  }
0x1f2: {  	[tilespmem:s19], [sflag:$0x2] =	stream.indirect.gather [hbm4b:s2+s13], $0x80, s25, s13, $0xb8;
	[tilespmem:$0x14700] =	vst v63  }
0x1f3: {  	_ = 	snop  }
0x1f4: {  	[tilespmem:s20], [sflag:$0x2] =	stream.indirect.gather [hbm4b:s3+s13], $0x1, s25, s13, $0xb8;
	[tilespmem:$0x14700] =	vst v63  }
0x1f5: {  	_ =	swait.ge [sflag:s11], $0x4000  }
0x1f6: {  	[sflag:s11] =	ssyncset.done $0x0  }
0x1f7: {  	[sflag:s11] =	ssyncadd.s32 $0xFFFFC000  }
0x1f8: {  	_ =	swait.ge [sflag:s11], $0x4000  }
0x1f9: {  	[sflag:s11] =	ssyncset.done $0x0  }
0x1fa: {  	[sflag:s11] =	ssyncadd.s32 $0xFFFFC000  }
0x1fb: {  	_ =	swait.ge [sflag:s11], $0x80  }
0x1fc: {  	[sflag:s11] =	ssyncset.done $0x0  }
0x1fd: {  	s30 =	simm.s32 $0x0;
	[sflag:s11] =	ssyncadd.s32 $0xFFFFFF80  }
0x1fe: {  	v3 =	vld [tilespmem:s30+$0x4470]  }
0x1ff: {  	v4 =	vld [tilespmem:s30+$0x4460]  }
0x200: {  	v5 =	vld [tilespmem:s30+$0x4430]  }
0x201: {  	v6 =	vld [tilespmem:s30+$0x4420]  }
0x202: {  	v7 =	vld [tilespmem:s30+$0x4410]  }
0x203: {  	v8 =	vld [tilespmem:s30+$0x4400]  }
0x204: {  	v9 =	vld [tilespmem:s30+$0x4450];
	v3 =	vpack.i.f32.bf16 v3, v4  }
0x205: {  	v4 =	vld [tilespmem:s30+$0x4440];
	v3 =	vsub.bf16 v0, v3  }
0x206: {  	v5 =	vpack.i.f32.bf16 v5, v6  }
0x207: {  	s31 =	simm.s32 $0x80;
	v5 =	vsub.bf16 v0, v5;
	v3 =	vmul.bf16 v1, v3  }
0x208: {  	v10 =	vld [tilespmem:s31+$0x4420];
	v6 =	vpack.i.f32.bf16 v7, v8  }
0x209: {  	v7 =	vld [tilespmem:s31+$0x4470];
	v6 =	vsub.bf16 v0, v6;
	v5 =	vmul.bf16 v1, v5;
	(erf) = vpow2.bf16 v3  }
0x20a: {  	v8 =	vld [tilespmem:s31+$0x4460];
	v3 =	vpack.i.f32.bf16 v9, v4  }
0x20b: {  	v6 =	vmul.bf16 v1, v6;
	v4 =	vld [tilespmem:s31+$0x4450];
	v3 =	vsub.bf16 v0, v3;
	(erf) = vpow2.bf16 v5  }
0x20c: {  	v9 =	vld [tilespmem:s31+$0x4440]  }
0x20d: {  	v5 =	vld [tilespmem:s31+$0x4410];
	v3 =	vmul.bf16 v1, v3;
	(erf) = vpow2.bf16 v6  }
0x20e: {  	v6 =	vld [tilespmem:s31+$0x4430]  }
0x20f: {  	(erf) = vpow2.bf16 v3;
	v3 =	vld [tilespmem:s31+$0x4400];
	_ =	sdelay $0x1  }
0x210: {  	v11 =	vld [tilespmem:s30+$0x420]  }
0x211: {  	v12 =	vld [tilespmem:s30+$0x410];
	v4 =	vpack.i.f32.bf16 v4, v9  }
0x212: {  	s0 =	simm.s32 $0x100;
	v14 =	vld [tilespmem:s30+$0x400];
	v7 =	vpack.i.f32.bf16 v7, v8;
	v4 =	vsub.bf16 v0, v4  }
0x213: {  	v19 =	vld [tilespmem:s0+$0x4470];
	v7 =	vsub.bf16 v0, v7;
	v8 =	vpop (erf);
	v3 =	vpack.i.f32.bf16 v5, v3;
	v5 =	vpack.i.f32.bf16 v6, v10  }
0x214: {  	v22 =	vld [tilespmem:s0+$0x4450];
	v4 =	vmul.bf16 v1, v4;
	v16 =	vunpack.i.u.bf16.f32 v8;
	v5 =	vsub.bf16 v0, v5;
	v9 =	vpop (erf)  }
0x215: {  	v23 =	vld [tilespmem:s0+$0x4410];
	v3 =	vsub.bf16 v0, v3;
	v13 =	vunpack.i.l.bf16.f32 v9;
	v9 =	vunpack.i.u.bf16.f32 v9  }
0x216: {  	v6 =	vld [tilespmem:s30+$0x430];
	v15 =	vmul.bf16 v1, v5;
	v17 =	vpop (erf);
	v5 =	vmul.bf16 v1, v7;
	v13 =	vadd.f32 $1.000000000e+00, v13  }
0x217: {  	v24 =	vld [tilespmem:s0+$0x4440];
	v9 =	vadd.f32 $1.000000000e+00, v9;
	v3 =	vmul.bf16 v1, v3;
	v20 =	vunpack.i.u.bf16.f32 v17  }
0x218: {  	v25 =	vld [tilespmem:s0+$0x4420];
	v18 =	vpop (erf);
	(erf) = vpow2.bf16 v5;
	v20 =	vadd.f32 $1.000000000e+00, v20;
	v5 =	vunpack.i.l.bf16.f32 v8  }
0x219: {  	v7 =	vld [tilespmem:s30+$0x440];
	v11 =	vmul.f32 v9, v11;
	v21 =	vunpack.i.u.bf16.f32 v18;
	v5 =	vadd.f32 $1.000000000e+00, v5  }
0x21a: {  	v10 =	vld [tilespmem:s30+$0x450];
	v18 =	vunpack.i.l.bf16.f32 v18;
	v8 =	vadd.f32 $1.000000000e+00, v21;
	(erf) = vpow2.bf16 v15  }
0x21b: {  	v21 =	vld [tilespmem:s0+$0x4460];
	v15 =	vmul.f32 v13, v6;
	v18 =	vadd.f32 $1.000000000e+00, v18;
	v14 =	vmul.f32 v20, v14  }
0x21c: {  	v6 =	vunpack.i.l.bf16.f32 v17;
	v17 =	vld [tilespmem:s0+$0x4430];
	v13 =	vmul.f32 v13, v9;
	(erf) = vpow2.bf16 v3  }
0x21d: {  	v9 =	vadd.f32 $1.000000000e+00, v16;
	v16 =	vld [tilespmem:s0+$0x4400];
	v3 =	vadd.f32 $1.000000000e+00, v6;
	v6 =	vmul.f32 v18, v8  }
0x21e: {  	v26 =	vmul.f32 v8, v7;
	(erf) = vpow2.bf16 v4  }
0x21f: {  	v10 =	vmul.f32 v18, v10;
	v8 =	vpack.i.f32.bf16 v22, v24;
	v7 =	vmul.f32 v5, v9  }
0x220: {  	v20 =	vmul.f32 v3, v20;
	v4 =	vadd.f32 v15, v11;
	v3 =	vmul.f32 v3, v12  }
0x221: {  	v12 =	vsub.bf16 v0, v8;
	v30 =	vadd.f32 v10, v26;
	v11 =	vpack.i.f32.bf16 v19, v21  }
0x222: {  	v24 =	vld [tilespmem:s31+$0x430];
	v10 =	vpack.i.f32.bf16 v17, v25;
	v15 =	vpack.i.f32.bf16 v23, v16;
	v3 =	vadd.f32 v3, v14  }
0x223: {  	v8 =	vld [tilespmem:s31+$0x420];
	v29 =	vmul.f32 v4, v20;
	v16 =	vmul.f32 v13, v20;
	v17 =	vsub.bf16 v0, v10  }
0x224: {  	v23 =	vld [tilespmem:s30+$0x460];
	v10 =	vmul.bf16 v1, v12;
	v19 =	vsub.bf16 v0, v11;
	v25 =	vmul.f32 v13, v3  }
0x225: {  	v4 =	vld [tilespmem:s0+$0x420];
	v14 =	vpop (erf);
	v13 =	vsub.bf16 v0, v15;
	v3 =	vmul.f32 v6, v16;
	v20 =	vmul.bf16 v1, v17  }
0x226: {  	v11 =	vld [tilespmem:s31+$0x410];
	v26 =	vmul.bf16 v1, v19;
	v16 =	vmul.f32 v30, v16;
	v12 =	vpop (erf);
	v17 =	vadd.f32 v29, v25  }
0x227: {  	v15 =	vld [tilespmem:s30+$0x470];
	v30 =	vmul.f32 v7, v3;
	v18 =	vunpack.i.l.bf16.f32 v12;
	v21 =	vunpack.i.u.bf16.f32 v12;
	v22 =	vpop (erf)  }
0x228: {  	v25 =	vld [tilespmem:s31+$0x400];
	v12 =	vunpack.i.u.bf16.f32 v14;
	v18 =	vadd.f32 $1.000000000e+00, v18;
	v19 =	vadd.f32 $1.000000000e+00, v21;
	v27 =	vpop (erf)  }
0x229: {  	s4 =	simm.s32 $0x0;
	s22 =	simm.s32 $0x600;
	v21 =	vmul.bf16 v1, v13;
	v13 =	vld [tilespmem:s31+$0x450];
	v28 =	vunpack.i.u.bf16.f32 v22;
	v29 =	vunpack.i.u.bf16.f32 v27  }
.LBB2_10:
0x22a: {  	s24 =	sshra.s32 s22, $0x2;
	p0 =	sne.s32 s22, $0xFE00;
	s22 =	sadd.s32 $0x200, s22;
	v28 =	vadd.f32 $1.000000000e+00, v28;
	v31 =	vld [tilespmem:s31+$0x440];
	v14 =	vunpack.i.l.bf16.f32 v14;
	v23 =	vmul.f32 v9, v23  }
0x22b: {  	v9 =	vadd.f32 $1.000000000e+00, v29;
	v32 =	vld [tilespmem:s24+$0x4470];
	v14 =	vadd.f32 $1.000000000e+00, v14;
	(erf) = vrcp.f32 v30  }
0x22c: {  	v29 =	vld [tilespmem:s24+$0x4450];
	(erf) = vpow2.bf16 v26;
	v24 =	vmul.f32 v18, v24;
	v26 =	vunpack.i.l.bf16.f32 v27  }
0x22d: {  	v22 =	vunpack.i.l.bf16.f32 v22;
	v15 =	vmul.f32 v5, v15;
	v27 =	vld [tilespmem:s24+$0x4460];
	v26 =	vadd.f32 $1.000000000e+00, v26;
	v5 =	vmovc v14  }
0x22e: {  	v14 =	vadd.f32 $1.000000000e+00, v22;
	v30 =	vld [tilespmem:s24+$0x4410];
	(erf) = vpow2.bf16 v20;
	v20 =	vmul.f32 v28, v25  }
0x22f: {  	v25 =	vmul.f32 v19, v8;
	v8 =	vmov v4;
	v22 =	vld [tilespmem:s24+$0x4440];
	v33 =	vmul.f32 v26, v9  }
0x230: {  	v18 =	vmul.f32 v18, v19;
	v19 =	vmul.f32 v9, v31;
	v9 =	vadd.f32 $1.000000000e+00, v12;
	v34 =	vld [tilespmem:s24+$0x4430]  }
0x231: {  	v24 =	vadd.f32 v24, v25;
	v12 =	vld [tilespmem:s24+$0x4420];
	(erf) = vpow2.bf16 v21;
	v21 =	vmul.f32 v14, v28  }
0x232: {  	v13 =	vmul.f32 v26, v13;
	v26 =	vmul.f32 v6, v17;
	v6 =	vmovc v33;
	v25 =	vld [tilespmem:s24+$0x4400];
	v27 =	vpack.i.f32.bf16 v32, v27  }
0x233: {  	v4 =	vld [tilespmem:s24+$0x420];
	(erf) = vpow2.bf16 v10;
	v10 =	vmul.f32 v14, v11;
	v11 =	vadd.f32 v15, v23  }
0x234: {  	v16 =	vadd.f32 v16, v26;
	v15 =	vmul.f32 v5, v9;
	v23 =	vpack.i.f32.bf16 v29, v22;
	v17 =	vpop (erf)  }
0x235: {  	v31 =	vadd.f32 v13, v19;
	v29 =	vmul.f32 v24, v21;
	v22 =	vsub.bf16 v0, v23  }
0x236: {  	v16 =	vmul.f32 v7, v16;
	v13 =	vadd.f32 v10, v20;
	v3 =	vmul.f32 v11, v3;
	v14 =	vpop (erf)  }
0x237: {  	v7 =	vmovc v15;
	v10 =	vpack.i.f32.bf16 v34, v12;
	v11 =	vpack.i.f32.bf16 v30, v25;
	v30 =	vmul.f32 v18, v21  }
0x238: {  	v12 =	vsub.bf16 v0, v10;
	v10 =	vmul.bf16 v1, v22;
	v25 =	vmul.f32 v18, v13;
	v19 =	vpop (erf)  }
0x239: {  	v16 =	vadd.f32 v3, v16;
	v13 =	vsub.bf16 v0, v11;
	v18 =	vunpack.i.l.bf16.f32 v19;
	v15 =	vld [tilespmem:s31+$0x470]  }
.Ltmp4:
0x23a: {  	v21 =	vsub.bf16 v0, v27;
	v19 =	vunpack.i.u.bf16.f32 v19;
	v3 =	vmul.f32 v6, v30;
	v23 =	vld [tilespmem:s31+$0x460];
	(pc) =	sbr.rel @p0 .LBB2_10-.Ltmp4, $4  }
0x23b: {  	v20 =	vmul.bf16 v1, v12;
	v12 =	vunpack.i.u.bf16.f32 v14;
	v16 =	vmul.f32 v16, v17;
	v11 =	vld [tilespmem:s0+$0x410];
	v22 =	vpop (erf)  }
0x23c: {  	v26 =	vmul.bf16 v1, v21;
	v18 =	vadd.f32 $1.000000000e+00, v18;
	v19 =	vadd.f32 $1.000000000e+00, v19;
	v24 =	vld [tilespmem:s0+$0x430]  }
0x23d: {  	v17 =	vadd.f32 v29, v25;
	v21 =	vmul.bf16 v1, v13;
	v28 =	vunpack.i.u.bf16.f32 v22;
	v13 =	vld [tilespmem:s0+$0x450];
	v27 =	vpop (erf);
	[tilespmem:s30+$0x10700] =	vst v16;
	s30 =	smov.u32 s31;
	s31 =	smov.u32 s0;
	s0 =	smov.u32 s24  }
0x23e: {  	v16 =	vmul.f32 v31, v30;
	v30 =	vmul.f32 v7, v3;
	v25 =	vld [tilespmem:s31+$0x400];
	v29 =	vunpack.i.u.bf16.f32 v27  }
0x23f: {  	_ = 	snop  }
0x240: {  	(erf) = vrcp.f32 v30  }
0x241: {  	v14 =	vunpack.i.l.bf16.f32 v14;
	v9 =	vmul.f32 v9, v23;
	(erf) = vpow2.bf16 v26  }
0x242: {  	v23 =	vunpack.i.l.bf16.f32 v27;
	v5 =	vmul.f32 v5, v15;
	v8 =	vmul.f32 v19, v8  }
0x243: {  	v12 =	vadd.f32 $1.000000000e+00, v12;
	v6 =	vmul.f32 v6, v17;
	(erf) = vpow2.bf16 v20  }
0x244: {  	v23 =	vadd.f32 $1.000000000e+00, v23;
	v14 =	vadd.f32 $1.000000000e+00, v14;
	v24 =	vmul.f32 v18, v24  }
0x245: {  	v39 =	vld [tilespmem:s31+$0x440];
	v18 =	vmul.f32 v18, v19;
	v6 =	vadd.f32 v16, v6;
	(erf) = vpow2.bf16 v21  }
0x246: {  	v46 =	vld [tilespmem:s31+$0x470];
	v5 =	vadd.f32 v5, v9;
	v13 =	vmul.f32 v23, v13;
	v20 =	vadd.f32 $1.000000000e+00, v28  }
0x247: {  	v17 =	vmul.f32 v14, v12;
	(erf) = vpow2.bf16 v10;
	v10 =	vunpack.i.l.bf16.f32 v22  }
0x248: {  	v21 =	vadd.f32 $1.000000000e+00, v29;
	v15 =	vmul.f32 v20, v25;
	v10 =	vadd.f32 $1.000000000e+00, v10  }
0x249: {  	v6 =	vmul.f32 v7, v6;
	v3 =	vmul.f32 v5, v3  }
0x24a: {  	v19 =	vmul.f32 v21, v39;
	v11 =	vmul.f32 v10, v11  }
0x24b: {  	v8 =	vadd.f32 v24, v8;
	v14 =	vmul.f32 v14, v46;
	v16 =	vpop (erf);
	v10 =	vmul.f32 v10, v20  }
0x24c: {  	v22 =	vmul.f32 v23, v21;
	v13 =	vadd.f32 v13, v19;
	v20 =	vld [tilespmem:s31+$0x460];
	v11 =	vadd.f32 v11, v15;
	v15 =	vpop (erf)  }
0x24d: {  	v40 =	vld [tilespmem:s0+$0x400];
	v8 =	vmul.f32 v8, v10;
	v10 =	vmul.f32 v18, v10;
	v7 =	vpop (erf);
	v41 =	vunpack.i.u.bf16.f32 v15  }
0x24e: {  	v15 =	vunpack.i.l.bf16.f32 v15;
	v11 =	vmul.f32 v18, v11;
	v18 =	vld [tilespmem:s0+$0x430];
	v19 =	vunpack.i.l.bf16.f32 v7  }
0x24f: {  	v7 =	vunpack.i.u.bf16.f32 v7;
	v21 =	vmul.f32 v22, v10;
	v10 =	vmul.f32 v13, v10;
	v23 =	vpop (erf)  }
0x250: {  	v13 =	vld [tilespmem:s0+$0x410];
	v19 =	vadd.f32 $1.000000000e+00, v19;
	v7 =	vadd.f32 $1.000000000e+00, v7;
	v43 =	vunpack.i.u.bf16.f32 v23  }
0x251: {  	v12 =	vmul.f32 v12, v20;
	v20 =	vunpack.i.l.bf16.f32 v23;
	v42 =	vpop (erf);
	v27 =	vadd.f32 $1.000000000e+00, v43  }
0x252: {  	v23 =	vld [tilespmem:s0+$0x440];
	v20 =	vadd.f32 $1.000000000e+00, v20;
	v44 =	vunpack.i.u.bf16.f32 v42;
	v26 =	vunpack.i.l.bf16.f32 v42  }
0x253: {  	v28 =	vadd.f32 $1.000000000e+00, v44;
	v18 =	vmul.f32 v19, v18;
	v24 =	vmul.f32 v27, v40  }
0x254: {  	v45 =	vld [tilespmem:s0+$0x450];
	v26 =	vadd.f32 $1.000000000e+00, v26;
	v19 =	vmul.f32 v19, v7;
	v27 =	vmul.f32 v20, v27  }
0x255: {  	v15 =	vadd.f32 $1.000000000e+00, v15;
	v4 =	vmul.f32 v7, v4;
	v13 =	vmul.f32 v20, v13  }
0x256: {  	v25 =	vadd.f32 $1.000000000e+00, v41;
	v7 =	vmul.f32 v26, v28;
	v20 =	vmul.f32 v19, v27  }
0x257: {  	v48 =	vld [tilespmem:s0+$0x460];
	v31 =	vmul.f32 v17, v21;
	v23 =	vmul.f32 v28, v23;
	v4 =	vadd.f32 v18, v4  }
0x258: {  	v49 =	vld [tilespmem:s0+$0x470];
	v18 =	vmul.f32 v15, v25;
	v13 =	vadd.f32 v13, v24;
	v47 =	vmul.f32 v7, v20  }
0x259: {  	v8 =	vadd.f32 v8, v11;
	v26 =	vmul.f32 v26, v45;
	v4 =	vmul.f32 v4, v27  }
0x25a: {  	v11 =	vmul.f32 v19, v13;
	v13 =	vmul.f32 v18, v47  }
0x25b: {  	(erf) = vrcp.f32 v31;
	v8 =	vmul.f32 v22, v8  }
0x25c: {  	v19 =	vadd.f32 v26, v23;
	v4 =	vadd.f32 v4, v11;
	(erf) = vrcp.f32 v13  }
0x25d: {  	v11 =	vmul.f32 v25, v48;
	v13 =	vmul.f32 v15, v49  }
0x25e: {  	v5 =	vadd.f32 v14, v12;
	v9 =	vmul.f32 v19, v20;
	v4 =	vmul.f32 v7, v4  }
0x25f: {  	v7 =	vadd.f32 v10, v8;
	v8 =	vadd.f32 v13, v11  }
0x260: {  	v3 =	vadd.f32 v3, v6;
	v5 =	vmul.f32 v5, v21;
	v4 =	vadd.f32 v9, v4  }
0x261: {  	v6 =	vmul.f32 v17, v7;
	v7 =	vmul.f32 v8, v47;
	v8 =	vmov s4  }
0x262: {  	v4 =	vmul.f32 v18, v4  }
0x263: {  	v5 =	vadd.f32 v5, v6;
	v6 =	vshll.u32 v8, $0x7  }
0x264: {  	v3 =	vmul.f32 v3, v16;
	v4 =	vadd.f32 v7, v4;
	v6 =	vor.u32 v2, v6;
	v8 =	vpop (erf)  }
0x265: {  	v5 =	vmul.f32 v5, v8;
	v8 =	vor.u32 $0x1, v6;
	v7 =	vpop (erf)  }
0x266: {  	[tilespmem:s30+$0x10700] =	vst v3;
	v9 =	vor.u32 $0x5, v6;
	v3 =	vmul.f32 v4, v7  }
0x267: {  	v10 =	vor.u32 $0x6, v6;
	[tilespmem:s31+$0x10700] =	vst v5  }
0x268: {  	v11 =	vor.u32 $0x7, v6;
	[tilespmem:s0+$0x10700] =	vst v3  }
0x269: {  	v12 =	vor.u32 $0x8, v6;
	v7 =	vld.idx.msk [tilespmem:v6+s21+$0x0], $0xffff  }
0x26a: {  	v13 =	vor.u32 $0x9, v6;
	v8 =	vld.idx.msk [tilespmem:v8+s21+$0x0], $0xffff  }
0x26b: {  	v14 =	vor.u32 $0xA, v6;
	v9 =	vld.idx.msk [tilespmem:v9+s21+$0x0], $0xffff  }
0x26c: {  	v15 =	vor.u32 $0xB, v6;
	v10 =	vld.idx.msk [tilespmem:v10+s21+$0x0], $0xffff  }
0x26d: {  	v16 =	vor.u32 $0xC, v6;
	v11 =	vld.idx.msk [tilespmem:v11+s21+$0x0], $0xffff  }
0x26e: {  	s4 =	simm.s32 $0x10;
	v17 =	vor.u32 $0xD, v6;
	v12 =	vld.idx.msk [tilespmem:v12+s21+$0x0], $0xffff  }
0x26f: {  	v19 =	vmov s4;
	v18 =	vor.u32 $0xE, v6;
	v13 =	vld.idx.msk [tilespmem:v13+s21+$0x0], $0xffff  }
0x270: {  	v19 =	vshll.u32 v19, $0x7;
	v14 =	vld.idx.msk [tilespmem:v14+s21+$0x0], $0xffff  }
0x271: {  	v19 =	vor.u32 v2, v19;
	v15 =	vld.idx.msk [tilespmem:v15+s21+$0x0], $0xffff  }
0x272: {  	v4 =	vor.u32 $0x2, v6;
	v16 =	vld.idx.msk [tilespmem:v16+s21+$0x0], $0xffff  }
0x273: {  	v5 =	vor.u32 $0x3, v6;
	v17 =	vld.idx.msk [tilespmem:v17+s21+$0x0], $0xffff  }
0x274: {  	s22 =	simm.s32 $0x8400;
	v3 =	vor.u32 $0x4, v6;
	v18 =	vld.idx.msk [tilespmem:v18+s21+$0x0], $0xffff  }
0x275: {  	v6 =	vor.u32 $0xF, v6;
	v50 =	vld [tilespmem:s22+$0x0]  }
0x276: {  	v20 =	vor.u32 $0x1, v19;
	v51 =	vld.idx.msk [tilespmem:v19+s21+$0x0], $0xffff  }
0x277: {  	v4 =	vld.idx.msk [tilespmem:v4+s21+$0x0], $0xffff  }
0x278: {  	v23 =	vor.u32 $0x4, v19;
	v5 =	vld.idx.msk [tilespmem:v5+s21+$0x0], $0xffff  }
0x279: {  	v52 =	vor.u32 $0x5, v19;
	v3 =	vld.idx.msk [tilespmem:v3+s21+$0x0], $0xffff  }
0x27a: {  	v21 =	vor.u32 $0x2, v19;
	v6 =	vld.idx.msk [tilespmem:v6+s21+$0x0], $0xffff  }
0x27b: {  	s30 =	simm.s32 $0x8410;
	v22 =	vor.u32 $0x3, v19;
	v20 =	vld.idx.msk [tilespmem:v20+s21+$0x0], $0xffff;
	v7 =	vadd.f32 v8, v7  }
0x27c: {  	v53 =	vor.u32 $0x6, v19;
	v54 =	vld [tilespmem:s30+$0x0];
	v12 =	vadd.f32 v13, v12;
	v13 =	vadd.f32 v15, v14  }
0x27d: {  	v8 =	vor.u32 $0x7, v19;
	v14 =	vld.idx.msk [tilespmem:v23+s21+$0x0], $0xffff;
	v16 =	vadd.f32 v17, v16;
	v4 =	vadd.f32 v5, v4  }
0x27e: {  	v17 =	vld.idx.msk [tilespmem:v52+s21+$0x0], $0xffff;
	v12 =	vadd.f32 v13, v12;
	v13 =	vor.u32 $0xC, v19;
	v3 =	vadd.f32 v9, v3  }
0x27f: {  	v15 =	vor.u32 $0x9, v19;
	v5 =	vld.idx.msk [tilespmem:v21+s21+$0x0], $0xffff;
	v9 =	vadd.f32 v11, v10;
	v6 =	vadd.f32 v6, v18  }
0x280: {  	v10 =	vld.idx.msk [tilespmem:v22+s21+$0x0], $0xffff;
	v11 =	vor.u32 $0x8, v19;
	v4 =	vadd.f32 v4, v7  }
0x281: {  	v7 =	vld.idx.msk [tilespmem:v53+s21+$0x0], $0xffff;
	v18 =	vor.u32 $0xA, v19;
	v3 =	vadd.f32 v9, v3;
	v6 =	vadd.f32 v6, v16  }
0x282: {  	v8 =	vld.idx.msk [tilespmem:v8+s21+$0x0], $0xffff;
	v9 =	vor.u32 $0xB, v19  }
0x283: {  	s24 =	simm.s32 $0x20;
	v16 =	vor.u32 $0xD, v19;
	v13 =	vld.idx.msk [tilespmem:v13+s21+$0x0], $0xffff;
	v3 =	vadd.f32 v3, v4;
	v4 =	vadd.f32 v6, v12  }
0x284: {  	v6 =	vld.idx.msk [tilespmem:v15+s21+$0x0], $0xffff;
	v12 =	vor.u32 $0xE, v19;
	v15 =	vmov s24  }
0x285: {  	v11 =	vld.idx.msk [tilespmem:v11+s21+$0x0], $0xffff;
	v19 =	vor.u32 $0xF, v19;
	v3 =	vadd.f32 v4, v3;
	v4 =	vshll.u32 v15, $0x7  }
0x286: {  	v18 =	vld.idx.msk [tilespmem:v18+s21+$0x0], $0xffff;
	v4 =	vor.u32 v2, v4  }
0x287: {  	v9 =	vld.idx.msk [tilespmem:v9+s21+$0x0], $0xffff;
	v3 =	vsub.f32 v50, v3;
	v15 =	vor.u32 $0x1, v4  }
0x288: {  	v16 =	vld.idx.msk [tilespmem:v16+s21+$0x0], $0xffff;
	v21 =	vor.u32 $0x2, v4  }
0x289: {  	v22 =	vor.u32 $0x3, v4;
	v12 =	vld.idx.msk [tilespmem:v12+s21+$0x0], $0xffff;
	v3 =	vadd.f32 $0.0e+00, v3  }
0x28a: {  	v20 =	vadd.f32 v20, v51;
	v23 =	vor.u32 $0x4, v4;
	v19 =	vld.idx.msk [tilespmem:v19+s21+$0x0], $0xffff  }
0x28b: {  	v5 =	vadd.f32 v10, v5;
	v56 =	vor.u32 $0x5, v4;
	v3 =	vmul.f32 $1.442695020e+00, v3;
	v55 =	vld.idx.msk [tilespmem:v4+s21+$0x0], $0xffff  }
0x28c: {  	v10 =	vadd.f32 v17, v14;
	v7 =	vadd.f32 v8, v7;
	v14 =	vor.u32 $0x8, v4;
	v15 =	vld.idx.msk [tilespmem:v15+s21+$0x0], $0xffff  }
0x28d: {  	v5 =	vadd.f32 v5, v20;
	v21 =	vld.idx.msk [tilespmem:v21+s21+$0x0], $0xffff;
	(erf) = vpow2.f32 v3;
	v3 =	vor.u32 $0x7, v4  }
0x28e: {  	v20 =	vor.u32 $0xD, v4;
	v6 =	vadd.f32 v6, v11;
	v9 =	vadd.f32 v9, v18;
	v8 =	vld.idx.msk [tilespmem:v22+s21+$0x0], $0xffff  }
0x28f: {  	v57 =	vor.u32 $0x6, v4;
	v13 =	vadd.f32 v16, v13;
	v11 =	vld.idx.msk [tilespmem:v23+s21+$0x0], $0xffff;
	v12 =	vadd.f32 v19, v12  }
0x290: {  	v7 =	vadd.f32 v7, v10;
	v17 =	vor.u32 $0x9, v4;
	v16 =	vld.idx.msk [tilespmem:v56+s21+$0x0], $0xffff  }
0x291: {  	v18 =	vor.u32 $0xA, v4;
	v6 =	vadd.f32 v9, v6;
	v14 =	vld.idx.msk [tilespmem:v14+s21+$0x0], $0xffff;
	v9 =	vadd.f32 v12, v13  }
0x292: {  	v10 =	vor.u32 $0xB, v4;
	v12 =	vld.idx.msk [tilespmem:v3+s21+$0x0], $0xffff;
	v3 =	vadd.f32 v7, v5  }
0x293: {  	v20 =	vld.idx.msk [tilespmem:v20+s21+$0x0], $0xffff;
	v13 =	vor.u32 $0xC, v4;
	v5 =	vadd.f32 v9, v6  }
0x294: {  	s31 =	simm.s32 $0x30;
	v19 =	vld.idx.msk [tilespmem:v57+s21+$0x0], $0xffff;
	v6 =	vor.u32 $0xE, v4  }
0x295: {  	v9 =	vld.idx.msk [tilespmem:v17+s21+$0x0], $0xffff;
	v7 =	vmov s31;
	v4 =	vor.u32 $0xF, v4;
	v5 =	vadd.f32 v5, v3  }
0x296: {  	v17 =	vld.idx.msk [tilespmem:v18+s21+$0x0], $0xffff;
	v7 =	vshll.u32 v7, $0x7;
	v3 =	vpop (erf)  }
0x297: {  	v18 =	vld.idx.msk [tilespmem:v10+s21+$0x0], $0xffff;
	v5 =	vsub.f32 v54, v5;
	v10 =	vadd.f32 $1.000000000e+00, v3;
	v3 =	vor.u32 v2, v7  }
0x298: {  	v22 =	vld.idx.msk [tilespmem:v13+s21+$0x0], $0xffff;
	v13 =	vor.u32 $0x1, v3  }
0x299: {  	v58 =	vld.idx.msk [tilespmem:v6+s21+$0x0], $0xffff;
	v23 =	vor.u32 $0x2, v3;
	v5 =	vadd.f32 $0.0e+00, v5;
	(erf) = vrcp.f32 v10  }
0x29a: {  	s0 =	simm.s32 $0x8420;
	v59 =	vld.idx.msk [tilespmem:v4+s21+$0x0], $0xffff;
	v6 =	vor.u32 $0x3, v3  }
0x29b: {  	v7 =	vld [tilespmem:s0+$0x0];
	v60 =	vor.u32 $0x4, v3;
	v5 =	vmul.f32 $1.442695020e+00, v5  }
0x29c: {  	v26 =	vadd.f32 v15, v55;
	v61 =	vor.u32 $0x5, v3;
	v10 =	vld.idx.msk [tilespmem:v3+s21+$0x0], $0xffff  }
0x29d: {  	v21 =	vadd.f32 v8, v21;
	v62 =	vor.u32 $0x6, v3;
	(erf) = vpow2.f32 v5;
	v4 =	vld.idx.msk [tilespmem:v13+s21+$0x0], $0xffff  }
0x29e: {  	v11 =	vadd.f32 v16, v11;
	v12 =	vadd.f32 v12, v19;
	v5 =	vld.idx.msk [tilespmem:v23+s21+$0x0], $0xffff;
	v23 =	vor.u32 $0x7, v3  }
0x29f: {  	v63 =	vadd.f32 v9, v14;
	v17 =	vadd.f32 v18, v17;
	v6 =	vld.idx.msk [tilespmem:v6+s21+$0x0], $0xffff;
	v13 =	vor.u32 $0x8, v3  }
0x2a0: {  	v14 =	vor.u32 $0x9, v3;
	v22 =	vadd.f32 v20, v22;
	v24 =	vadd.f32 v59, v58;
	v8 =	vld.idx.msk [tilespmem:v60+s21+$0x0], $0xffff  }
0x2a1: {  	v18 =	vadd.f32 v21, v26;
	v15 =	vor.u32 $0xA, v3;
	v19 =	vadd.f32 v12, v11;
	v9 =	vld.idx.msk [tilespmem:v61+s21+$0x0], $0xffff  }
0x2a2: {  	s4 =	simm.s32 $0x10600;
	v16 =	vor.u32 $0xB, v3;
	v20 =	vadd.f32 v17, v63;
	v11 =	vld.idx.msk [tilespmem:v62+s21+$0x0], $0xffff;
	v21 =	vadd.f32 v24, v22;
	v12 =	vpop (erf)  }
0x2a3: {  	s22 =	simm.s32 $0x40;
	v17 =	vor.u32 $0xC, v3;
	[tilespmem:s4+$0x0] =	vst v12;
	v12 =	vld.idx.msk [tilespmem:v23+s21+$0x0], $0xffff  }
.LBB2_12:
0x2a4: {  	p0 =	sne.s32 s22, $0x70;
	v22 =	vld.idx.msk [tilespmem:v13+s21+$0x0], $0xffff;
	v13 =	vor.u32 $0xD, v3;
	v18 =	vadd.f32 v19, v18;
	v19 =	vadd.f32 v21, v20  }
0x2a5: {  	v20 =	vor.u32 $0xE, v3;
	v14 =	vld.idx.msk [tilespmem:v14+s21+$0x0], $0xffff  }
0x2a6: {  	v21 =	vmov s22;
	v23 =	vor.u32 $0xF, v3;
	v15 =	vld.idx.msk [tilespmem:v15+s21+$0x0], $0xffff;
	v18 =	vadd.f32 v19, v18;
	v3 =	vpop (erf)  }
0x2a7: {  	v19 =	vshll.u32 v21, $0x7;
	v16 =	vld.idx.msk [tilespmem:v16+s21+$0x0], $0xffff;
	v21 =	vadd.f32 $1.000000000e+00, v3  }
0x2a8: {  	v3 =	vor.u32 v2, v19;
	v17 =	vld.idx.msk [tilespmem:v17+s21+$0x0], $0xffff;
	v7 =	vsub.f32 v7, v18  }
0x2a9: {  	v18 =	vor.u32 $0x1, v3;
	v19 =	vld.idx.msk [tilespmem:v13+s21+$0x0], $0xffff;
	(erf) = vrcp.f32 v21  }
0x2aa: {  	v13 =	vor.u32 $0x2, v3;
	v20 =	vld.idx.msk [tilespmem:v20+s21+$0x0], $0xffff;
	v21 =	vadd.f32 $0.0e+00, v7  }
0x2ab: {  	s0 =	sadd.s32 $0x10, s0;
	v24 =	vor.u32 $0x3, v3;
	v23 =	vld.idx.msk [tilespmem:v23+s21+$0x0], $0xffff  }
0x2ac: {  	v25 =	vor.u32 $0x4, v3;
	v7 =	vld [tilespmem:s0+$0x0];
	v21 =	vmul.f32 $1.442695020e+00, v21  }
0x2ad: {  	v27 =	vor.u32 $0x5, v3;
	v28 =	vor.u32 $0x6, v3;
	v26 =	vld.idx.msk [tilespmem:v3+s21+$0x0], $0xffff  }
0x2ae: {  	v10 =	vadd.f32 v4, v10;
	v4 =	vld.idx.msk [tilespmem:v18+s21+$0x0], $0xffff;
	v18 =	vadd.f32 v6, v5;
	(erf) = vpow2.f32 v21  }
0x2af: {  	v29 =	vor.u32 $0x7, v3;
	v11 =	vadd.f32 v12, v11;
	v21 =	vadd.f32 v9, v8;
	v5 =	vld.idx.msk [tilespmem:v13+s21+$0x0], $0xffff  }
.Ltmp5:
0x2b0: {  	v12 =	vadd.f32 v14, v22;
	v22 =	vadd.f32 v16, v15;
	v13 =	vor.u32 $0x8, v3;
	v6 =	vld.idx.msk [tilespmem:v24+s21+$0x0], $0xffff;
	(pc) =	sbr.rel @p0 .LBB2_12-.Ltmp5, $4  }
0x2b1: {  	v14 =	vor.u32 $0x9, v3;
	v17 =	vadd.f32 v19, v17;
	v23 =	vadd.f32 v23, v20;
	v8 =	vld.idx.msk [tilespmem:v25+s21+$0x0], $0xffff  }
0x2b2: {  	s4 =	sadd.s32 $0x10, s4;
	v15 =	vor.u32 $0xA, v3;
	v18 =	vadd.f32 v18, v10;
	v19 =	vadd.f32 v11, v21;
	v9 =	vld.idx.msk [tilespmem:v27+s21+$0x0], $0xffff;
	v10 =	vpop (erf)  }
0x2b3: {  	v16 =	vor.u32 $0xB, v3;
	v20 =	vadd.f32 v22, v12;
	v21 =	vadd.f32 v23, v17;
	v11 =	vld.idx.msk [tilespmem:v28+s21+$0x0], $0xffff;
	[tilespmem:s4+$0x0] =	vst v10  }
0x2b4: {  	s22 =	sadd.s32 $0x10, s22;
	v17 =	vor.u32 $0xC, v3;
	v10 =	vmov v26;
	v12 =	vld.idx.msk [tilespmem:v29+s21+$0x0], $0xffff  }
0x2b5: {  	_ =	sdelay $0x3  }
0x2b6: {  	v13 =	vld.idx.msk [tilespmem:v13+s21+$0x0], $0xffff;
	v22 =	vor.u32 $0xD, v3  }
0x2b7: {  	v14 =	vld.idx.msk [tilespmem:v14+s21+$0x0], $0xffff;
	v23 =	vor.u32 $0xE, v3  }
0x2b8: {  	v18 =	vadd.f32 v19, v18;
	v19 =	vadd.f32 v21, v20;
	v15 =	vld.idx.msk [tilespmem:v15+s21+$0x0], $0xffff;
	v3 =	vor.u32 $0xF, v3  }
0x2b9: {  	v16 =	vld.idx.msk [tilespmem:v16+s21+$0x0], $0xffff  }
0x2ba: {  	v17 =	vld.idx.msk [tilespmem:v17+s21+$0x0], $0xffff;
	v18 =	vadd.f32 v19, v18  }
0x2bb: {  	v19 =	vld.idx.msk [tilespmem:v22+s21+$0x0], $0xffff  }
0x2bc: {  	v7 =	vsub.f32 v7, v18;
	v18 =	vld.idx.msk [tilespmem:v23+s21+$0x0], $0xffff  }
0x2bd: {  	v3 =	vld.idx.msk [tilespmem:v3+s21+$0x0], $0xffff  }
0x2be: {  	v4 =	vadd.f32 v4, v10;
	v5 =	vadd.f32 v6, v5  }
0x2bf: {  	v20 =	vpop (erf);
	v6 =	vadd.f32 v9, v8;
	v7 =	vadd.f32 $0.0e+00, v7  }
0x2c0: {  	v20 =	vadd.f32 $1.000000000e+00, v20;
	v8 =	vadd.f32 v12, v11  }
0x2c1: {  	v9 =	vadd.f32 v14, v13;
	v10 =	vadd.f32 v16, v15;
	v7 =	vmul.f32 $1.442695020e+00, v7  }
0x2c2: {  	(erf) = vrcp.f32 v20;
	v11 =	vadd.f32 v19, v17;
	v3 =	vadd.f32 v3, v18  }
0x2c3: {  	v4 =	vadd.f32 v5, v4;
	v5 =	vadd.f32 v8, v6;
	(erf) = vpow2.f32 v7  }
0x2c4: {  	s0 =	sadd.s32 $0x10, s0;
	v6 =	vadd.f32 v10, v9;
	v3 =	vadd.f32 v3, v11  }
0x2c5: {  	v7 =	vld [tilespmem:s0+$0x0]  }
0x2c6: {  	v4 =	vadd.f32 v5, v4;
	v3 =	vadd.f32 v3, v6;
	_ =	sdelay $0x1  }
0x2c7: {  	v3 =	vadd.f32 v3, v4;
	_ =	sdelay $0x1  }
0x2c8: {  	v3 =	vsub.f32 v7, v3  }
0x2c9: {  	v4 =	vpop (erf)  }
0x2ca: {  	v5 =	vpop (erf);
	v3 =	vadd.f32 $0.0e+00, v3  }
0x2cb: {  	v5 =	vadd.f32 $1.000000000e+00, v5  }
0x2cc: {  	v3 =	vmul.f32 $1.442695020e+00, v3  }
0x2cd: {  	(erf) = vrcp.f32 v5  }
0x2ce: {  	(erf) = vpow2.f32 v3;
	_ =	sdelay $0x7  }
0x2cf: {  	v3 =	vpop (erf)  }
0x2d0: {  	v5 =	vpop (erf)  }
0x2d1: {  	v5 =	vadd.f32 $1.000000000e+00, v5;
	_ =	sdelay $0x1  }
0x2d2: {  	(erf) = vrcp.f32 v5;
	_ =	sdelay $0x6  }
0x2d3: {  	s24 =	sadd.s32 $0x10, s4  }
0x2d4: {  	s0 =	sadd.s32 $0x10, s24;
	[tilespmem:s24+$0x0] =	vst v4  }
0x2d5: {  	[tilespmem:s0+$0x0] =	vst v3;
	s0 =	sadd.s32 $0x10, s0;
	v3 =	vpop (erf)  }
0x2d6: {  	[tilespmem:s0+$0x0] =	vst v3  }
0x2d7: {  	_ =	swait.ge [sflag:s12], $0x4000  }
0x2d8: {  	[sflag:s12] =	ssyncset.done $0x0  }
0x2d9: {  	[sflag:s12] =	ssyncadd.s32 $0xFFFFC000  }
0x2da: {  	_ =	swait.ge [sflag:s12], $0x4000  }
0x2db: {  	[sflag:s12] =	ssyncset.done $0x0  }
0x2dc: {  	[sflag:s12] =	ssyncadd.s32 $0xFFFFC000  }
0x2dd: {  	_ =	swait.ge [sflag:s12], $0x80  }
0x2de: {  	[sflag:s12] =	ssyncset.done $0x0  }
0x2df: {  	s30 =	simm.s32 $0x0;
	[sflag:s12] =	ssyncadd.s32 $0xFFFFFF80  }
0x2e0: {  	v3 =	vld [tilespmem:s30+$0xC4F0]  }
0x2e1: {  	v4 =	vld [tilespmem:s30+$0xC4E0]  }
0x2e2: {  	v5 =	vld [tilespmem:s30+$0xC4B0]  }
0x2e3: {  	v6 =	vld [tilespmem:s30+$0xC4A0]  }
0x2e4: {  	v7 =	vld [tilespmem:s30+$0xC490]  }
0x2e5: {  	v8 =	vld [tilespmem:s30+$0xC480]  }
0x2e6: {  	v9 =	vld [tilespmem:s30+$0xC4D0];
	v3 =	vpack.i.f32.bf16 v3, v4  }
0x2e7: {  	v4 =	vld [tilespmem:s30+$0xC4C0];
	v3 =	vsub.bf16 v0, v3  }
0x2e8: {  	v5 =	vpack.i.f32.bf16 v5, v6  }
0x2e9: {  	s31 =	simm.s32 $0x80;
	v5 =	vsub.bf16 v0, v5;
	v3 =	vmul.bf16 v1, v3  }
0x2ea: {  	v10 =	vld [tilespmem:s31+$0xC4A0];
	v6 =	vpack.i.f32.bf16 v7, v8  }
0x2eb: {  	v7 =	vld [tilespmem:s31+$0xC4F0];
	v6 =	vsub.bf16 v0, v6;
	v5 =	vmul.bf16 v1, v5;
	(erf) = vpow2.bf16 v3  }
0x2ec: {  	v8 =	vld [tilespmem:s31+$0xC4E0];
	v3 =	vpack.i.f32.bf16 v9, v4  }
0x2ed: {  	v6 =	vmul.bf16 v1, v6;
	v4 =	vld [tilespmem:s31+$0xC4D0];
	v3 =	vsub.bf16 v0, v3;
	(erf) = vpow2.bf16 v5  }
0x2ee: {  	v9 =	vld [tilespmem:s31+$0xC4C0]  }
0x2ef: {  	v5 =	vld [tilespmem:s31+$0xC490];
	v3 =	vmul.bf16 v1, v3;
	(erf) = vpow2.bf16 v6  }
0x2f0: {  	v6 =	vld [tilespmem:s31+$0xC4B0]  }
0x2f1: {  	(erf) = vpow2.bf16 v3;
	v3 =	vld [tilespmem:s31+$0xC480];
	_ =	sdelay $0x1  }
0x2f2: {  	v11 =	vld [tilespmem:s30+$0x84A0]  }
0x2f3: {  	v12 =	vld [tilespmem:s30+$0x8490];
	v4 =	vpack.i.f32.bf16 v4, v9  }
0x2f4: {  	s0 =	simm.s32 $0x100;
	v14 =	vld [tilespmem:s30+$0x8480];
	v7 =	vpack.i.f32.bf16 v7, v8;
	v4 =	vsub.bf16 v0, v4  }
0x2f5: {  	v19 =	vld [tilespmem:s0+$0xC4F0];
	v7 =	vsub.bf16 v0, v7;
	v8 =	vpop (erf);
	v3 =	vpack.i.f32.bf16 v5, v3;
	v5 =	vpack.i.f32.bf16 v6, v10  }
0x2f6: {  	v22 =	vld [tilespmem:s0+$0xC4D0];
	v4 =	vmul.bf16 v1, v4;
	v16 =	vunpack.i.u.bf16.f32 v8;
	v5 =	vsub.bf16 v0, v5;
	v9 =	vpop (erf)  }
0x2f7: {  	v23 =	vld [tilespmem:s0+$0xC490];
	v3 =	vsub.bf16 v0, v3;
	v13 =	vunpack.i.l.bf16.f32 v9;
	v9 =	vunpack.i.u.bf16.f32 v9  }
0x2f8: {  	v6 =	vld [tilespmem:s30+$0x84B0];
	v15 =	vmul.bf16 v1, v5;
	v17 =	vpop (erf);
	v5 =	vmul.bf16 v1, v7;
	v13 =	vadd.f32 $1.000000000e+00, v13  }
0x2f9: {  	v24 =	vld [tilespmem:s0+$0xC4C0];
	v9 =	vadd.f32 $1.000000000e+00, v9;
	v3 =	vmul.bf16 v1, v3;
	v20 =	vunpack.i.u.bf16.f32 v17  }
0x2fa: {  	v25 =	vld [tilespmem:s0+$0xC4A0];
	v18 =	vpop (erf);
	(erf) = vpow2.bf16 v5;
	v20 =	vadd.f32 $1.000000000e+00, v20;
	v5 =	vunpack.i.l.bf16.f32 v8  }
0x2fb: {  	v7 =	vld [tilespmem:s30+$0x84C0];
	v11 =	vmul.f32 v9, v11;
	v21 =	vunpack.i.u.bf16.f32 v18;
	v5 =	vadd.f32 $1.000000000e+00, v5  }
0x2fc: {  	v10 =	vld [tilespmem:s30+$0x84D0];
	v18 =	vunpack.i.l.bf16.f32 v18;
	v8 =	vadd.f32 $1.000000000e+00, v21;
	(erf) = vpow2.bf16 v15  }
0x2fd: {  	v21 =	vld [tilespmem:s0+$0xC4E0];
	v15 =	vmul.f32 v13, v6;
	v18 =	vadd.f32 $1.000000000e+00, v18;
	v14 =	vmul.f32 v20, v14  }
0x2fe: {  	v6 =	vunpack.i.l.bf16.f32 v17;
	v17 =	vld [tilespmem:s0+$0xC4B0];
	v13 =	vmul.f32 v13, v9;
	(erf) = vpow2.bf16 v3  }
0x2ff: {  	v9 =	vadd.f32 $1.000000000e+00, v16;
	v16 =	vld [tilespmem:s0+$0xC480];
	v3 =	vadd.f32 $1.000000000e+00, v6;
	v6 =	vmul.f32 v18, v8  }
0x300: {  	v26 =	vmul.f32 v8, v7;
	(erf) = vpow2.bf16 v4  }
0x301: {  	v10 =	vmul.f32 v18, v10;
	v8 =	vpack.i.f32.bf16 v22, v24;
	v7 =	vmul.f32 v5, v9  }
0x302: {  	v20 =	vmul.f32 v3, v20;
	v4 =	vadd.f32 v15, v11;
	v3 =	vmul.f32 v3, v12  }
0x303: {  	v12 =	vsub.bf16 v0, v8;
	v30 =	vadd.f32 v10, v26;
	v11 =	vpack.i.f32.bf16 v19, v21  }
0x304: {  	v24 =	vld [tilespmem:s31+$0x84B0];
	v10 =	vpack.i.f32.bf16 v17, v25;
	v15 =	vpack.i.f32.bf16 v23, v16;
	v3 =	vadd.f32 v3, v14  }
0x305: {  	v8 =	vld [tilespmem:s31+$0x84A0];
	v29 =	vmul.f32 v4, v20;
	v16 =	vmul.f32 v13, v20;
	v17 =	vsub.bf16 v0, v10  }
0x306: {  	v23 =	vld [tilespmem:s30+$0x84E0];
	v10 =	vmul.bf16 v1, v12;
	v19 =	vsub.bf16 v0, v11;
	v25 =	vmul.f32 v13, v3  }
0x307: {  	v4 =	vld [tilespmem:s0+$0x84A0];
	v14 =	vpop (erf);
	v13 =	vsub.bf16 v0, v15;
	v3 =	vmul.f32 v6, v16;
	v20 =	vmul.bf16 v1, v17  }
0x308: {  	v11 =	vld [tilespmem:s31+$0x8490];
	v26 =	vmul.bf16 v1, v19;
	v16 =	vmul.f32 v30, v16;
	v12 =	vpop (erf);
	v17 =	vadd.f32 v29, v25  }
0x309: {  	v15 =	vld [tilespmem:s30+$0x84F0];
	v30 =	vmul.f32 v7, v3;
	v18 =	vunpack.i.l.bf16.f32 v12;
	v21 =	vunpack.i.u.bf16.f32 v12;
	v22 =	vpop (erf)  }
0x30a: {  	v25 =	vld [tilespmem:s31+$0x8480];
	v12 =	vunpack.i.u.bf16.f32 v14;
	v18 =	vadd.f32 $1.000000000e+00, v18;
	v19 =	vadd.f32 $1.000000000e+00, v21;
	v27 =	vpop (erf)  }
0x30b: {  	s4 =	simm.s32 $0x0;
	s22 =	simm.s32 $0x600;
	v21 =	vmul.bf16 v1, v13;
	v13 =	vld [tilespmem:s31+$0x84D0];
	v28 =	vunpack.i.u.bf16.f32 v22;
	v29 =	vunpack.i.u.bf16.f32 v27  }
.LBB2_14:
0x30c: {  	s24 =	sshra.s32 s22, $0x2;
	p0 =	sne.s32 s22, $0xFE00;
	s22 =	sadd.s32 $0x200, s22;
	v28 =	vadd.f32 $1.000000000e+00, v28;
	v31 =	vld [tilespmem:s31+$0x84C0];
	v14 =	vunpack.i.l.bf16.f32 v14;
	v23 =	vmul.f32 v9, v23  }
0x30d: {  	v9 =	vadd.f32 $1.000000000e+00, v29;
	v32 =	vld [tilespmem:s24+$0xC4F0];
	v14 =	vadd.f32 $1.000000000e+00, v14;
	(erf) = vrcp.f32 v30  }
0x30e: {  	v29 =	vld [tilespmem:s24+$0xC4D0];
	(erf) = vpow2.bf16 v26;
	v24 =	vmul.f32 v18, v24;
	v26 =	vunpack.i.l.bf16.f32 v27  }
0x30f: {  	v22 =	vunpack.i.l.bf16.f32 v22;
	v15 =	vmul.f32 v5, v15;
	v27 =	vld [tilespmem:s24+$0xC4E0];
	v26 =	vadd.f32 $1.000000000e+00, v26;
	v5 =	vmovc v14  }
0x310: {  	v14 =	vadd.f32 $1.000000000e+00, v22;
	v30 =	vld [tilespmem:s24+$0xC490];
	(erf) = vpow2.bf16 v20;
	v20 =	vmul.f32 v28, v25  }
0x311: {  	v25 =	vmul.f32 v19, v8;
	v8 =	vmov v4;
	v22 =	vld [tilespmem:s24+$0xC4C0];
	v33 =	vmul.f32 v26, v9  }
0x312: {  	v18 =	vmul.f32 v18, v19;
	v19 =	vmul.f32 v9, v31;
	v9 =	vadd.f32 $1.000000000e+00, v12;
	v34 =	vld [tilespmem:s24+$0xC4B0]  }
0x313: {  	v24 =	vadd.f32 v24, v25;
	v12 =	vld [tilespmem:s24+$0xC4A0];
	(erf) = vpow2.bf16 v21;
	v21 =	vmul.f32 v14, v28  }
0x314: {  	v13 =	vmul.f32 v26, v13;
	v26 =	vmul.f32 v6, v17;
	v6 =	vmovc v33;
	v25 =	vld [tilespmem:s24+$0xC480];
	v27 =	vpack.i.f32.bf16 v32, v27  }
0x315: {  	v4 =	vld [tilespmem:s24+$0x84A0];
	(erf) = vpow2.bf16 v10;
	v10 =	vmul.f32 v14, v11;
	v11 =	vadd.f32 v15, v23  }
0x316: {  	v16 =	vadd.f32 v16, v26;
	v15 =	vmul.f32 v5, v9;
	v23 =	vpack.i.f32.bf16 v29, v22;
	v17 =	vpop (erf)  }
0x317: {  	v31 =	vadd.f32 v13, v19;
	v29 =	vmul.f32 v24, v21;
	v22 =	vsub.bf16 v0, v23  }
0x318: {  	v16 =	vmul.f32 v7, v16;
	v13 =	vadd.f32 v10, v20;
	v3 =	vmul.f32 v11, v3;
	v14 =	vpop (erf)  }
0x319: {  	v7 =	vmovc v15;
	v10 =	vpack.i.f32.bf16 v34, v12;
	v11 =	vpack.i.f32.bf16 v30, v25;
	v30 =	vmul.f32 v18, v21  }
0x31a: {  	v12 =	vsub.bf16 v0, v10;
	v10 =	vmul.bf16 v1, v22;
	v25 =	vmul.f32 v18, v13;
	v19 =	vpop (erf)  }
0x31b: {  	v16 =	vadd.f32 v3, v16;
	v13 =	vsub.bf16 v0, v11;
	v18 =	vunpack.i.l.bf16.f32 v19;
	v15 =	vld [tilespmem:s31+$0x84F0]  }
.Ltmp6:
0x31c: {  	v21 =	vsub.bf16 v0, v27;
	v19 =	vunpack.i.u.bf16.f32 v19;
	v3 =	vmul.f32 v6, v30;
	v23 =	vld [tilespmem:s31+$0x84E0];
	(pc) =	sbr.rel @p0 .LBB2_14-.Ltmp6, $4  }
0x31d: {  	v20 =	vmul.bf16 v1, v12;
	v12 =	vunpack.i.u.bf16.f32 v14;
	v16 =	vmul.f32 v16, v17;
	v11 =	vld [tilespmem:s0+$0x8490];
	v22 =	vpop (erf)  }
0x31e: {  	v26 =	vmul.bf16 v1, v21;
	v18 =	vadd.f32 $1.000000000e+00, v18;
	v19 =	vadd.f32 $1.000000000e+00, v19;
	v24 =	vld [tilespmem:s0+$0x84B0]  }
0x31f: {  	v17 =	vadd.f32 v29, v25;
	v21 =	vmul.bf16 v1, v13;
	v28 =	vunpack.i.u.bf16.f32 v22;
	v13 =	vld [tilespmem:s0+$0x84D0];
	v27 =	vpop (erf);
	[tilespmem:s30+$0x10700] =	vst v16;
	s30 =	smov.u32 s31;
	s31 =	smov.u32 s0;
	s0 =	smov.u32 s24  }
0x320: {  	v16 =	vmul.f32 v31, v30;
	v30 =	vmul.f32 v7, v3;
	v25 =	vld [tilespmem:s31+$0x8480];
	v29 =	vunpack.i.u.bf16.f32 v27  }
0x321: {  	_ = 	snop  }
0x322: {  	(erf) = vrcp.f32 v30  }
0x323: {  	v14 =	vunpack.i.l.bf16.f32 v14;
	v9 =	vmul.f32 v9, v23;
	(erf) = vpow2.bf16 v26  }
0x324: {  	v23 =	vunpack.i.l.bf16.f32 v27;
	v5 =	vmul.f32 v5, v15;
	v8 =	vmul.f32 v19, v8  }
0x325: {  	v12 =	vadd.f32 $1.000000000e+00, v12;
	v6 =	vmul.f32 v6, v17;
	(erf) = vpow2.bf16 v20  }
0x326: {  	v23 =	vadd.f32 $1.000000000e+00, v23;
	v14 =	vadd.f32 $1.000000000e+00, v14;
	v24 =	vmul.f32 v18, v24  }
0x327: {  	v39 =	vld [tilespmem:s31+$0x84C0];
	v18 =	vmul.f32 v18, v19;
	v6 =	vadd.f32 v16, v6;
	(erf) = vpow2.bf16 v21  }
0x328: {  	v46 =	vld [tilespmem:s31+$0x84F0];
	v5 =	vadd.f32 v5, v9;
	v13 =	vmul.f32 v23, v13;
	v20 =	vadd.f32 $1.000000000e+00, v28  }
0x329: {  	v17 =	vmul.f32 v14, v12;
	(erf) = vpow2.bf16 v10;
	v10 =	vunpack.i.l.bf16.f32 v22  }
0x32a: {  	v21 =	vadd.f32 $1.000000000e+00, v29;
	v15 =	vmul.f32 v20, v25;
	v10 =	vadd.f32 $1.000000000e+00, v10  }
0x32b: {  	v6 =	vmul.f32 v7, v6;
	v3 =	vmul.f32 v5, v3  }
0x32c: {  	v19 =	vmul.f32 v21, v39;
	v11 =	vmul.f32 v10, v11  }
0x32d: {  	v8 =	vadd.f32 v24, v8;
	v14 =	vmul.f32 v14, v46;
	v16 =	vpop (erf);
	v10 =	vmul.f32 v10, v20  }
0x32e: {  	v22 =	vmul.f32 v23, v21;
	v13 =	vadd.f32 v13, v19;
	v20 =	vld [tilespmem:s31+$0x84E0];
	v11 =	vadd.f32 v11, v15;
	v15 =	vpop (erf)  }
0x32f: {  	v40 =	vld [tilespmem:s0+$0x8480];
	v8 =	vmul.f32 v8, v10;
	v10 =	vmul.f32 v18, v10;
	v7 =	vpop (erf);
	v41 =	vunpack.i.u.bf16.f32 v15  }
0x330: {  	v15 =	vunpack.i.l.bf16.f32 v15;
	v11 =	vmul.f32 v18, v11;
	v18 =	vld [tilespmem:s0+$0x84B0];
	v19 =	vunpack.i.l.bf16.f32 v7  }
0x331: {  	v7 =	vunpack.i.u.bf16.f32 v7;
	v21 =	vmul.f32 v22, v10;
	v10 =	vmul.f32 v13, v10;
	v23 =	vpop (erf)  }
0x332: {  	v13 =	vld [tilespmem:s0+$0x8490];
	v19 =	vadd.f32 $1.000000000e+00, v19;
	v7 =	vadd.f32 $1.000000000e+00, v7;
	v43 =	vunpack.i.u.bf16.f32 v23  }
0x333: {  	v12 =	vmul.f32 v12, v20;
	v20 =	vunpack.i.l.bf16.f32 v23;
	v42 =	vpop (erf);
	v27 =	vadd.f32 $1.000000000e+00, v43  }
0x334: {  	v23 =	vld [tilespmem:s0+$0x84C0];
	v20 =	vadd.f32 $1.000000000e+00, v20;
	v44 =	vunpack.i.u.bf16.f32 v42;
	v26 =	vunpack.i.l.bf16.f32 v42  }
0x335: {  	v28 =	vadd.f32 $1.000000000e+00, v44;
	v18 =	vmul.f32 v19, v18;
	v24 =	vmul.f32 v27, v40  }
0x336: {  	v45 =	vld [tilespmem:s0+$0x84D0];
	v26 =	vadd.f32 $1.000000000e+00, v26;
	v19 =	vmul.f32 v19, v7;
	v27 =	vmul.f32 v20, v27  }
0x337: {  	v15 =	vadd.f32 $1.000000000e+00, v15;
	v4 =	vmul.f32 v7, v4;
	v13 =	vmul.f32 v20, v13  }
0x338: {  	v25 =	vadd.f32 $1.000000000e+00, v41;
	v7 =	vmul.f32 v26, v28;
	v20 =	vmul.f32 v19, v27  }
0x339: {  	v48 =	vld [tilespmem:s0+$0x84E0];
	v31 =	vmul.f32 v17, v21;
	v23 =	vmul.f32 v28, v23;
	v4 =	vadd.f32 v18, v4  }
0x33a: {  	v49 =	vld [tilespmem:s0+$0x84F0];
	v18 =	vmul.f32 v15, v25;
	v13 =	vadd.f32 v13, v24;
	v47 =	vmul.f32 v7, v20  }
0x33b: {  	v8 =	vadd.f32 v8, v11;
	v26 =	vmul.f32 v26, v45;
	v4 =	vmul.f32 v4, v27  }
0x33c: {  	v11 =	vmul.f32 v19, v13;
	v13 =	vmul.f32 v18, v47  }
0x33d: {  	(erf) = vrcp.f32 v31;
	v8 =	vmul.f32 v22, v8  }
0x33e: {  	v19 =	vadd.f32 v26, v23;
	v4 =	vadd.f32 v4, v11;
	(erf) = vrcp.f32 v13  }
0x33f: {  	v11 =	vmul.f32 v25, v48;
	v13 =	vmul.f32 v15, v49  }
0x340: {  	v5 =	vadd.f32 v14, v12;
	v9 =	vmul.f32 v19, v20;
	v4 =	vmul.f32 v7, v4  }
0x341: {  	v7 =	vadd.f32 v10, v8;
	v8 =	vadd.f32 v13, v11  }
0x342: {  	v3 =	vadd.f32 v3, v6;
	v5 =	vmul.f32 v5, v21;
	v4 =	vadd.f32 v9, v4  }
0x343: {  	v6 =	vmul.f32 v17, v7;
	v7 =	vmul.f32 v8, v47;
	v8 =	vmov s4  }
0x344: {  	v4 =	vmul.f32 v18, v4  }
0x345: {  	v5 =	vadd.f32 v5, v6;
	v6 =	vshll.u32 v8, $0x7  }
0x346: {  	v3 =	vmul.f32 v3, v16;
	v4 =	vadd.f32 v7, v4;
	v6 =	vor.u32 v2, v6;
	v8 =	vpop (erf)  }
0x347: {  	v5 =	vmul.f32 v5, v8;
	v8 =	vor.u32 $0x1, v6;
	v7 =	vpop (erf)  }
0x348: {  	[tilespmem:s30+$0x10700] =	vst v3;
	v9 =	vor.u32 $0x5, v6;
	v3 =	vmul.f32 v4, v7  }
0x349: {  	v10 =	vor.u32 $0x6, v6;
	[tilespmem:s31+$0x10700] =	vst v5  }
0x34a: {  	v11 =	vor.u32 $0x7, v6;
	[tilespmem:s0+$0x10700] =	vst v3  }
0x34b: {  	v12 =	vor.u32 $0x8, v6;
	v7 =	vld.idx.msk [tilespmem:v6+s21+$0x0], $0xffff  }
0x34c: {  	v13 =	vor.u32 $0x9, v6;
	v8 =	vld.idx.msk [tilespmem:v8+s21+$0x0], $0xffff  }
0x34d: {  	v14 =	vor.u32 $0xA, v6;
	v9 =	vld.idx.msk [tilespmem:v9+s21+$0x0], $0xffff  }
0x34e: {  	v15 =	vor.u32 $0xB, v6;
	v10 =	vld.idx.msk [tilespmem:v10+s21+$0x0], $0xffff  }
0x34f: {  	v16 =	vor.u32 $0xC, v6;
	v11 =	vld.idx.msk [tilespmem:v11+s21+$0x0], $0xffff  }
0x350: {  	s4 =	simm.s32 $0x10;
	v17 =	vor.u32 $0xD, v6;
	v12 =	vld.idx.msk [tilespmem:v12+s21+$0x0], $0xffff  }
0x351: {  	v19 =	vmov s4;
	v18 =	vor.u32 $0xE, v6;
	v13 =	vld.idx.msk [tilespmem:v13+s21+$0x0], $0xffff  }
0x352: {  	v19 =	vshll.u32 v19, $0x7;
	v14 =	vld.idx.msk [tilespmem:v14+s21+$0x0], $0xffff  }
0x353: {  	v19 =	vor.u32 v2, v19;
	v15 =	vld.idx.msk [tilespmem:v15+s21+$0x0], $0xffff  }
0x354: {  	v4 =	vor.u32 $0x2, v6;
	v16 =	vld.idx.msk [tilespmem:v16+s21+$0x0], $0xffff  }
0x355: {  	v5 =	vor.u32 $0x3, v6;
	v17 =	vld.idx.msk [tilespmem:v17+s21+$0x0], $0xffff  }
0x356: {  	s22 =	simm.s32 $0x10480;
	v3 =	vor.u32 $0x4, v6;
	v18 =	vld.idx.msk [tilespmem:v18+s21+$0x0], $0xffff  }
0x357: {  	v6 =	vor.u32 $0xF, v6;
	v50 =	vld [tilespmem:s22+$0x0]  }
0x358: {  	v20 =	vor.u32 $0x1, v19;
	v51 =	vld.idx.msk [tilespmem:v19+s21+$0x0], $0xffff  }
0x359: {  	v4 =	vld.idx.msk [tilespmem:v4+s21+$0x0], $0xffff  }
0x35a: {  	v23 =	vor.u32 $0x4, v19;
	v5 =	vld.idx.msk [tilespmem:v5+s21+$0x0], $0xffff  }
0x35b: {  	v52 =	vor.u32 $0x5, v19;
	v3 =	vld.idx.msk [tilespmem:v3+s21+$0x0], $0xffff  }
0x35c: {  	v21 =	vor.u32 $0x2, v19;
	v6 =	vld.idx.msk [tilespmem:v6+s21+$0x0], $0xffff  }
0x35d: {  	s30 =	simm.s32 $0x10490;
	v22 =	vor.u32 $0x3, v19;
	v20 =	vld.idx.msk [tilespmem:v20+s21+$0x0], $0xffff;
	v7 =	vadd.f32 v8, v7  }
0x35e: {  	v53 =	vor.u32 $0x6, v19;
	v54 =	vld [tilespmem:s30+$0x0];
	v12 =	vadd.f32 v13, v12;
	v13 =	vadd.f32 v15, v14  }
0x35f: {  	v8 =	vor.u32 $0x7, v19;
	v14 =	vld.idx.msk [tilespmem:v23+s21+$0x0], $0xffff;
	v16 =	vadd.f32 v17, v16;
	v4 =	vadd.f32 v5, v4  }
0x360: {  	v17 =	vld.idx.msk [tilespmem:v52+s21+$0x0], $0xffff;
	v12 =	vadd.f32 v13, v12;
	v13 =	vor.u32 $0xC, v19;
	v3 =	vadd.f32 v9, v3  }
0x361: {  	v15 =	vor.u32 $0x9, v19;
	v5 =	vld.idx.msk [tilespmem:v21+s21+$0x0], $0xffff;
	v9 =	vadd.f32 v11, v10;
	v6 =	vadd.f32 v6, v18  }
0x362: {  	v10 =	vld.idx.msk [tilespmem:v22+s21+$0x0], $0xffff;
	v11 =	vor.u32 $0x8, v19;
	v4 =	vadd.f32 v4, v7  }
0x363: {  	v7 =	vld.idx.msk [tilespmem:v53+s21+$0x0], $0xffff;
	v18 =	vor.u32 $0xA, v19;
	v3 =	vadd.f32 v9, v3;
	v6 =	vadd.f32 v6, v16  }
0x364: {  	v8 =	vld.idx.msk [tilespmem:v8+s21+$0x0], $0xffff;
	v9 =	vor.u32 $0xB, v19  }
0x365: {  	s24 =	simm.s32 $0x20;
	v16 =	vor.u32 $0xD, v19;
	v13 =	vld.idx.msk [tilespmem:v13+s21+$0x0], $0xffff;
	v3 =	vadd.f32 v3, v4;
	v4 =	vadd.f32 v6, v12  }
0x366: {  	v6 =	vld.idx.msk [tilespmem:v15+s21+$0x0], $0xffff;
	v12 =	vor.u32 $0xE, v19;
	v15 =	vmov s24  }
0x367: {  	v11 =	vld.idx.msk [tilespmem:v11+s21+$0x0], $0xffff;
	v19 =	vor.u32 $0xF, v19;
	v3 =	vadd.f32 v4, v3;
	v4 =	vshll.u32 v15, $0x7  }
0x368: {  	v18 =	vld.idx.msk [tilespmem:v18+s21+$0x0], $0xffff;
	v4 =	vor.u32 v2, v4  }
0x369: {  	v9 =	vld.idx.msk [tilespmem:v9+s21+$0x0], $0xffff;
	v3 =	vsub.f32 v50, v3;
	v15 =	vor.u32 $0x1, v4  }
0x36a: {  	v16 =	vld.idx.msk [tilespmem:v16+s21+$0x0], $0xffff;
	v21 =	vor.u32 $0x2, v4  }
0x36b: {  	v22 =	vor.u32 $0x3, v4;
	v12 =	vld.idx.msk [tilespmem:v12+s21+$0x0], $0xffff;
	v3 =	vadd.f32 $0.0e+00, v3  }
0x36c: {  	v20 =	vadd.f32 v20, v51;
	v23 =	vor.u32 $0x4, v4;
	v19 =	vld.idx.msk [tilespmem:v19+s21+$0x0], $0xffff  }
0x36d: {  	v5 =	vadd.f32 v10, v5;
	v56 =	vor.u32 $0x5, v4;
	v3 =	vmul.f32 $1.442695020e+00, v3;
	v55 =	vld.idx.msk [tilespmem:v4+s21+$0x0], $0xffff  }
0x36e: {  	v10 =	vadd.f32 v17, v14;
	v7 =	vadd.f32 v8, v7;
	v14 =	vor.u32 $0x8, v4;
	v15 =	vld.idx.msk [tilespmem:v15+s21+$0x0], $0xffff  }
0x36f: {  	v5 =	vadd.f32 v5, v20;
	v21 =	vld.idx.msk [tilespmem:v21+s21+$0x0], $0xffff;
	(erf) = vpow2.f32 v3;
	v3 =	vor.u32 $0x7, v4  }
0x370: {  	v20 =	vor.u32 $0xD, v4;
	v6 =	vadd.f32 v6, v11;
	v9 =	vadd.f32 v9, v18;
	v8 =	vld.idx.msk [tilespmem:v22+s21+$0x0], $0xffff  }
0x371: {  	v57 =	vor.u32 $0x6, v4;
	v13 =	vadd.f32 v16, v13;
	v11 =	vld.idx.msk [tilespmem:v23+s21+$0x0], $0xffff;
	v12 =	vadd.f32 v19, v12  }
0x372: {  	v7 =	vadd.f32 v7, v10;
	v17 =	vor.u32 $0x9, v4;
	v16 =	vld.idx.msk [tilespmem:v56+s21+$0x0], $0xffff  }
0x373: {  	v18 =	vor.u32 $0xA, v4;
	v6 =	vadd.f32 v9, v6;
	v14 =	vld.idx.msk [tilespmem:v14+s21+$0x0], $0xffff;
	v9 =	vadd.f32 v12, v13  }
0x374: {  	v10 =	vor.u32 $0xB, v4;
	v12 =	vld.idx.msk [tilespmem:v3+s21+$0x0], $0xffff;
	v3 =	vadd.f32 v7, v5  }
0x375: {  	v20 =	vld.idx.msk [tilespmem:v20+s21+$0x0], $0xffff;
	v13 =	vor.u32 $0xC, v4;
	v5 =	vadd.f32 v9, v6  }
0x376: {  	s31 =	simm.s32 $0x30;
	v19 =	vld.idx.msk [tilespmem:v57+s21+$0x0], $0xffff;
	v6 =	vor.u32 $0xE, v4  }
0x377: {  	v9 =	vld.idx.msk [tilespmem:v17+s21+$0x0], $0xffff;
	v7 =	vmov s31;
	v4 =	vor.u32 $0xF, v4;
	v5 =	vadd.f32 v5, v3  }
0x378: {  	v17 =	vld.idx.msk [tilespmem:v18+s21+$0x0], $0xffff;
	v7 =	vshll.u32 v7, $0x7;
	v3 =	vpop (erf)  }
0x379: {  	v18 =	vld.idx.msk [tilespmem:v10+s21+$0x0], $0xffff;
	v5 =	vsub.f32 v54, v5;
	v10 =	vadd.f32 $1.000000000e+00, v3;
	v3 =	vor.u32 v2, v7  }
0x37a: {  	v22 =	vld.idx.msk [tilespmem:v13+s21+$0x0], $0xffff;
	v13 =	vor.u32 $0x1, v3  }
0x37b: {  	v58 =	vld.idx.msk [tilespmem:v6+s21+$0x0], $0xffff;
	v23 =	vor.u32 $0x2, v3;
	v5 =	vadd.f32 $0.0e+00, v5;
	(erf) = vrcp.f32 v10  }
0x37c: {  	s0 =	simm.s32 $0x104A0;
	v59 =	vld.idx.msk [tilespmem:v4+s21+$0x0], $0xffff;
	v6 =	vor.u32 $0x3, v3  }
0x37d: {  	v7 =	vld [tilespmem:s0+$0x0];
	v60 =	vor.u32 $0x4, v3;
	v5 =	vmul.f32 $1.442695020e+00, v5  }
0x37e: {  	v26 =	vadd.f32 v15, v55;
	v61 =	vor.u32 $0x5, v3;
	v10 =	vld.idx.msk [tilespmem:v3+s21+$0x0], $0xffff  }
0x37f: {  	v21 =	vadd.f32 v8, v21;
	v62 =	vor.u32 $0x6, v3;
	(erf) = vpow2.f32 v5;
	v4 =	vld.idx.msk [tilespmem:v13+s21+$0x0], $0xffff  }
0x380: {  	v11 =	vadd.f32 v16, v11;
	v12 =	vadd.f32 v12, v19;
	v5 =	vld.idx.msk [tilespmem:v23+s21+$0x0], $0xffff;
	v23 =	vor.u32 $0x7, v3  }
0x381: {  	v63 =	vadd.f32 v9, v14;
	v17 =	vadd.f32 v18, v17;
	v6 =	vld.idx.msk [tilespmem:v6+s21+$0x0], $0xffff;
	v13 =	vor.u32 $0x8, v3  }
0x382: {  	v14 =	vor.u32 $0x9, v3;
	v22 =	vadd.f32 v20, v22;
	v24 =	vadd.f32 v59, v58;
	v8 =	vld.idx.msk [tilespmem:v60+s21+$0x0], $0xffff  }
0x383: {  	v18 =	vadd.f32 v21, v26;
	v15 =	vor.u32 $0xA, v3;
	v19 =	vadd.f32 v12, v11;
	v9 =	vld.idx.msk [tilespmem:v61+s21+$0x0], $0xffff  }
0x384: {  	s4 =	simm.s32 $0x10680;
	v16 =	vor.u32 $0xB, v3;
	v20 =	vadd.f32 v17, v63;
	v11 =	vld.idx.msk [tilespmem:v62+s21+$0x0], $0xffff;
	v21 =	vadd.f32 v24, v22;
	v12 =	vpop (erf)  }
0x385: {  	s22 =	simm.s32 $0x40;
	v17 =	vor.u32 $0xC, v3;
	[tilespmem:s4+$0x0] =	vst v12;
	v12 =	vld.idx.msk [tilespmem:v23+s21+$0x0], $0xffff  }
.LBB2_16:
0x386: {  	p0 =	sne.s32 s22, $0x70;
	v22 =	vld.idx.msk [tilespmem:v13+s21+$0x0], $0xffff;
	v13 =	vor.u32 $0xD, v3;
	v18 =	vadd.f32 v19, v18;
	v19 =	vadd.f32 v21, v20  }
0x387: {  	v20 =	vor.u32 $0xE, v3;
	v14 =	vld.idx.msk [tilespmem:v14+s21+$0x0], $0xffff  }
0x388: {  	v21 =	vmov s22;
	v23 =	vor.u32 $0xF, v3;
	v15 =	vld.idx.msk [tilespmem:v15+s21+$0x0], $0xffff;
	v18 =	vadd.f32 v19, v18;
	v3 =	vpop (erf)  }
0x389: {  	v19 =	vshll.u32 v21, $0x7;
	v16 =	vld.idx.msk [tilespmem:v16+s21+$0x0], $0xffff;
	v21 =	vadd.f32 $1.000000000e+00, v3  }
0x38a: {  	v3 =	vor.u32 v2, v19;
	v17 =	vld.idx.msk [tilespmem:v17+s21+$0x0], $0xffff;
	v7 =	vsub.f32 v7, v18  }
0x38b: {  	v18 =	vor.u32 $0x1, v3;
	v19 =	vld.idx.msk [tilespmem:v13+s21+$0x0], $0xffff;
	(erf) = vrcp.f32 v21  }
0x38c: {  	v13 =	vor.u32 $0x2, v3;
	v20 =	vld.idx.msk [tilespmem:v20+s21+$0x0], $0xffff;
	v21 =	vadd.f32 $0.0e+00, v7  }
0x38d: {  	s0 =	sadd.s32 $0x10, s0;
	v24 =	vor.u32 $0x3, v3;
	v23 =	vld.idx.msk [tilespmem:v23+s21+$0x0], $0xffff  }
0x38e: {  	v25 =	vor.u32 $0x4, v3;
	v7 =	vld [tilespmem:s0+$0x0];
	v21 =	vmul.f32 $1.442695020e+00, v21  }
0x38f: {  	v27 =	vor.u32 $0x5, v3;
	v28 =	vor.u32 $0x6, v3;
	v26 =	vld.idx.msk [tilespmem:v3+s21+$0x0], $0xffff  }
0x390: {  	v10 =	vadd.f32 v4, v10;
	v4 =	vld.idx.msk [tilespmem:v18+s21+$0x0], $0xffff;
	v18 =	vadd.f32 v6, v5;
	(erf) = vpow2.f32 v21  }
0x391: {  	v29 =	vor.u32 $0x7, v3;
	v11 =	vadd.f32 v12, v11;
	v21 =	vadd.f32 v9, v8;
	v5 =	vld.idx.msk [tilespmem:v13+s21+$0x0], $0xffff  }
.Ltmp7:
0x392: {  	v12 =	vadd.f32 v14, v22;
	v22 =	vadd.f32 v16, v15;
	v13 =	vor.u32 $0x8, v3;
	v6 =	vld.idx.msk [tilespmem:v24+s21+$0x0], $0xffff;
	(pc) =	sbr.rel @p0 .LBB2_16-.Ltmp7, $4  }
0x393: {  	v14 =	vor.u32 $0x9, v3;
	v17 =	vadd.f32 v19, v17;
	v23 =	vadd.f32 v23, v20;
	v8 =	vld.idx.msk [tilespmem:v25+s21+$0x0], $0xffff  }
0x394: {  	s4 =	sadd.s32 $0x10, s4;
	v15 =	vor.u32 $0xA, v3;
	v18 =	vadd.f32 v18, v10;
	v19 =	vadd.f32 v11, v21;
	v9 =	vld.idx.msk [tilespmem:v27+s21+$0x0], $0xffff;
	v10 =	vpop (erf)  }
0x395: {  	v16 =	vor.u32 $0xB, v3;
	v20 =	vadd.f32 v22, v12;
	v21 =	vadd.f32 v23, v17;
	v11 =	vld.idx.msk [tilespmem:v28+s21+$0x0], $0xffff;
	[tilespmem:s4+$0x0] =	vst v10  }
0x396: {  	s22 =	sadd.s32 $0x10, s22;
	v17 =	vor.u32 $0xC, v3;
	v10 =	vmov v26;
	v12 =	vld.idx.msk [tilespmem:v29+s21+$0x0], $0xffff  }
0x397: {  	_ =	sdelay $0x3  }
0x398: {  	v13 =	vld.idx.msk [tilespmem:v13+s21+$0x0], $0xffff;
	v22 =	vor.u32 $0xD, v3  }
0x399: {  	v14 =	vld.idx.msk [tilespmem:v14+s21+$0x0], $0xffff;
	v23 =	vor.u32 $0xE, v3  }
0x39a: {  	v15 =	vld.idx.msk [tilespmem:v15+s21+$0x0], $0xffff;
	v3 =	vor.u32 $0xF, v3  }
0x39b: {  	v18 =	vadd.f32 v19, v18;
	v49 =	vadd.f32 v21, v20;
	v16 =	vld.idx.msk [tilespmem:v16+s21+$0x0], $0xffff  }
0x39c: {  	v17 =	vld.idx.msk [tilespmem:v17+s21+$0x0], $0xffff  }
0x39d: {  	v18 =	vadd.f32 v49, v18;
	v50 =	vld.idx.msk [tilespmem:v22+s21+$0x0], $0xffff  }
0x39e: {  	v51 =	vld.idx.msk [tilespmem:v23+s21+$0x0], $0xffff  }
0x39f: {  	v7 =	vsub.f32 v7, v18;
	v3 =	vld.idx.msk [tilespmem:v3+s21+$0x0], $0xffff  }
0x3a0: {  	v4 =	vadd.f32 v4, v10;
	v5 =	vadd.f32 v6, v5  }
0x3a1: {  	v52 =	vpop (erf);
	v53 =	vadd.f32 v9, v8;
	v7 =	vadd.f32 $0.0e+00, v7  }
0x3a2: {  	v20 =	vadd.f32 $1.000000000e+00, v52;
	v54 =	vadd.f32 v12, v11  }
0x3a3: {  	v55 =	vadd.f32 v14, v13;
	v56 =	vadd.f32 v16, v15;
	v7 =	vmul.f32 $1.442695020e+00, v7  }
0x3a4: {  	(erf) = vrcp.f32 v20;
	v57 =	vadd.f32 v50, v17;
	v3 =	vadd.f32 v3, v51  }
0x3a5: {  	v4 =	vadd.f32 v5, v4;
	v58 =	vadd.f32 v54, v53;
	(erf) = vpow2.f32 v7  }
0x3a6: {  	s0 =	sadd.s32 $0x10, s0;
	v59 =	vadd.f32 v56, v55;
	v3 =	vadd.f32 v3, v57  }
0x3a7: {  	v60 =	vld [tilespmem:s0+$0x0]  }
0x3a8: {  	v4 =	vadd.f32 v58, v4;
	v3 =	vadd.f32 v3, v59;
	_ =	sdelay $0x1  }
0x3a9: {  	v3 =	vadd.f32 v3, v4;
	_ =	sdelay $0x1  }
0x3aa: {  	v3 =	vsub.f32 v60, v3  }
0x3ab: {  	v61 =	vpop (erf)  }
0x3ac: {  	v62 =	vpop (erf);
	v3 =	vadd.f32 $0.0e+00, v3  }
0x3ad: {  	v5 =	vadd.f32 $1.000000000e+00, v62  }
0x3ae: {  	v3 =	vmul.f32 $1.442695020e+00, v3  }
0x3af: {  	(erf) = vrcp.f32 v5  }
0x3b0: {  	(erf) = vpow2.f32 v3;
	_ =	sdelay $0x7  }
0x3b1: {  	v3 =	vpop (erf)  }
0x3b2: {  	v63 =	vpop (erf)  }
0x3b3: {  	v5 =	vadd.f32 $1.000000000e+00, v63;
	_ =	sdelay $0x1  }
0x3b4: {  	(erf) = vrcp.f32 v5;
	_ =	sdelay $0x6  }
0x3b5: {  	s31 =	sadd.s32 $0x10, s4  }
0x3b6: {  	s29 =	sadd.s32 $0x1, s29;
	s0 =	sadd.s32 $0x10, s31;
	[tilespmem:s31+$0x0] =	vst v61  }
0x3b7: {  	p0 =	sne.s32 s29, s9;
	[tilespmem:s0+$0x0] =	vst v3;
	s0 =	sadd.s32 $0x10, s0;
	v3 =	vpop (erf)  }
.Ltmp8:
0x3b8: {  	[tilespmem:s0+$0x0] =	vst v3;
	(pc) =	sbr.rel @p0 .LBB2_1-.Ltmp8, $4  }
0x3b9: {  	[hbm4b:s8+s5] =	stream.linear.scatter [tilespmem:s26], [sflag:$0x3], $0x200, $0x38;
	[tilespmem:$0x14700] =	vst v63  }
0x3ba: {  	_ =	swait.ge [sflag:s28], $0x200  }
0x3bb: {  	[sflag:s28] =	ssyncset.done $0x0  }
0x3bc: {  	[sflag:s28] =	ssyncadd.s32 $0xFFFFFE00  }
0x3bd: {  	_ =	sfence.sel $0x180000  }
0x3be: {  	[bflag:$0x0] =	sbarrier.arrive $0xFFFF  }
0x3bf: {  	_ =	strace $0x90000047  }
0x3c0: {  	s0 =	stileid.u32;
	[bflag:$0x2] =	sbarrier.arrive $0xFFFF  }
0x3c1: {  	p0 =	sne.s32 s0, $0x0;
	s0 =	rddreg [dreg:$0x6]  }
0x3c2: {  	s0 =	sadd.s32 @!p0 $0x100000, s0  }
0x3c3: {  	[sflag:s0] =	ssyncadd.tile.s32 @!p0 $0x1;
	_ =	shalt  }
.Lfunc_end2:
_tile_overlayer_lowered:
.L_overlay_start_2:
0x3c4: {  	(tag) =	ssettag $0x2  }
0x3c5: {  	s0 =	rddreg [dreg:$0x0];
	s2 =	stileid.u32  }
0x3c6: {  	s1 =	rddreg [dreg:$0x1];
	p0 =	sne.s32 s2, $0x0  }
0x3c7: {  	s3 =	rddreg [dreg:$0x2];
	[bflag:$0x3] =	sbarrier.arrive $0xFFFF;
	s2 =	simm.s32 @!p0 $0x1C03  }
0x3c8: {  	[timem:s3], [sflag:s2] =	dma.local @!p0 [hbm:s0], s1  }
0x3c9: {  	s0 =	simm.s32 @!p0 $0x3  }
0x3ca: {  	_ =	swait.ge @!p0 [sflag:s0], s1  }
0x3cb: {  	s1 =	ssub.s32 @!p0 $0x0, s1;
	[sflag:s0] =	ssyncset.done @!p0 $0x0  }
0x3cc: {  	[sflag:s0] =	ssyncadd.s32 @!p0 s1  }
0x3cd: {  	[bflag:$0x3] =	sbarrier.arrive $0xFFFF  }
0x3ce: {  	_ =	shalt  }

</sc_bundles>
